<compile_context>
chip_gen: v7x
topology: tpu7x:2x2x1
jax: 0.10.2.dev20260603
libtpu: 0.0.44.dev20260713+nightly
codegen_flags: <defaults>
</compile_context>

<pallas_src>
import functools

import jax
import jax.numpy as jnp
from jax import lax
from jax.experimental import pallas as pl
from jax.experimental.pallas import tpu as pltpu
from jax.experimental.pallas import tpu_sc as plsc

N = 10000
E = 320000
D_IN = 128
D_HID = 128
D_OUT = 47
D_OUT_PAD = 128

NC = 2
NS = 16
NW = NC * NS
CHUNK = 128

GCH = 128
NCH = 79
SPAN = NCH * GCH
E_PER_W = SPAN
E_ALLOC = NW * SPAN

ACC_ROWS = 10240
ZROWS_PER_TILE = ACC_ROWS // NS


def _make_agg(width):
    mesh = plsc.VectorSubcoreMesh(core_axis_name="c", subcore_axis_name="s")

    @functools.partial(
        pl.kernel,
        out_type=jax.ShapeDtypeStruct((NC * ACC_ROWS, width), jnp.float32),
        mesh=mesh,
        scratch_types=[
            pltpu.VMEM((GCH,), jnp.int32),
            pltpu.VMEM((GCH,), jnp.int32),
            pltpu.VMEM((GCH, width), jnp.float32),
            pltpu.VMEM_SHARED((ACC_ROWS, width), jnp.float32),
            pltpu.SemaphoreType.DMA,
        ],
    )
    def agg(p_hbm, src_hbm, dst_hbm, zeros_hbm, out_hbm,
            src_v, dst_v, rows_v, acc, sem):
        c = lax.axis_index("c")
        s = lax.axis_index("s")
        ebase = (c * NS + s) * SPAN

        pltpu.sync_copy(zeros_hbm, rows_v)
        z0 = s * ZROWS_PER_TILE
        for j in range(ZROWS_PER_TILE // GCH):
            pltpu.sync_copy(rows_v, acc.at[pl.ds(z0 + j * GCH, GCH)])
        plsc.subcore_barrier()

        def body(g, carry):
            eb = ebase + g * GCH
            pltpu.sync_copy(src_hbm.at[pl.ds(eb, GCH)], src_v)
            pltpu.sync_copy(dst_hbm.at[pl.ds(eb, GCH)], dst_v)
            pltpu.async_copy(p_hbm.at[src_v], rows_v, sem).wait()
            pltpu.sync_copy(rows_v, acc.at[dst_v], add=True)
            return carry

        lax.fori_loop(0, NCH, body, 0)
        plsc.subcore_barrier()

        for j in range(ZROWS_PER_TILE // GCH):
            pltpu.sync_copy(acc.at[pl.ds(z0 + j * GCH, GCH)], rows_v)
            pltpu.sync_copy(rows_v,
                            out_hbm.at[pl.ds(c * ACC_ROWS + z0 + j * GCH,
                                             GCH)])

    return agg


CH_DEG = 80


def _make_deg():
    mesh = plsc.VectorSubcoreMesh(core_axis_name="c", subcore_axis_name="s")

    @functools.partial(
        pl.kernel,
        out_type=jax.ShapeDtypeStruct((NC * ACC_ROWS, D_HID), jnp.float32),
        mesh=mesh,
        scratch_types=[
            pltpu.VMEM((CH_DEG, CHUNK), jnp.int32),
            pltpu.VMEM((CHUNK, D_HID), jnp.float32),
            pltpu.VMEM_SHARED((ACC_ROWS, D_HID), jnp.float32),
            pltpu.SemaphoreType.DMA,
        ],
    )
    def deg(ones_hbm, zeros_hbm, dst_hbm, out_hbm, dst_i, ones_v, acc, sem):
        c = lax.axis_index("c")
        s = lax.axis_index("s")
        wid = c * NS + s

        pltpu.sync_copy(dst_hbm.at[pl.ds(wid * CH_DEG, CH_DEG)], dst_i)
        pltpu.sync_copy(zeros_hbm, ones_v)
        z0 = s * ZROWS_PER_TILE
        drem = ZROWS_PER_TILE % CHUNK
        dzr0 = z0 + (ZROWS_PER_TILE // CHUNK) * CHUNK
        for j in range(ZROWS_PER_TILE // CHUNK):
            pltpu.sync_copy(ones_v, acc.at[pl.ds(z0 + j * CHUNK, CHUNK)])
        if drem:
            pltpu.sync_copy(ones_v.at[pl.ds(0, drem)],
                            acc.at[pl.ds(dzr0, drem)])
        pltpu.sync_copy(ones_hbm, ones_v)
        plsc.subcore_barrier()

        DB = 8

        def body(blk, carry):
            g0 = blk * DB
            for b in range(DB):
                pltpu.async_copy(ones_v, acc.at[dst_i.at[g0 + b]], sem,
                                 add=True)
            for b in range(DB):
                pltpu.make_async_copy(ones_v, acc.at[dst_i.at[g0]], sem).wait()
            return carry

        lax.fori_loop(0, CH_DEG // DB, body, 0)
        plsc.subcore_barrier()

        for j in range(ZROWS_PER_TILE // CHUNK):
            pltpu.sync_copy(acc.at[pl.ds(z0 + j * CHUNK, CHUNK)], ones_v)
            pltpu.sync_copy(ones_v,
                            out_hbm.at[pl.ds(c * ACC_ROWS + z0 + j * CHUNK,
                                             CHUNK)])
        if drem:
            pltpu.sync_copy(acc.at[pl.ds(dzr0, drem)],
                            ones_v.at[pl.ds(0, drem)])
            pltpu.sync_copy(ones_v.at[pl.ds(0, drem)],
                            out_hbm.at[pl.ds(c * ACC_ROWS + dzr0, drem)])

    return deg


_BN = 2000


def _tc_first_body(x_ref, wn_ref, ws_ref, b_ref, p_ref, s_ref):
    xb = x_ref[...]
    p_ref[...] = jnp.dot(xb, wn_ref[...], preferred_element_type=jnp.float32)
    s_ref[...] = (jnp.dot(xb, ws_ref[...], preferred_element_type=jnp.float32)
                  + b_ref[...])


def _tc_first(x, wn, ws, b):
    return pl.pallas_call(
        _tc_first_body,
        grid=(N // _BN,),
        in_specs=[
            pl.BlockSpec((_BN, D_IN), lambda i: (i, 0)),
            pl.BlockSpec((D_IN, D_HID), lambda i: (0, 0)),
            pl.BlockSpec((D_IN, D_HID), lambda i: (0, 0)),
            pl.BlockSpec((1, D_HID), lambda i: (0, 0)),
        ],
        out_specs=[
            pl.BlockSpec((_BN, D_HID), lambda i: (i, 0)),
            pl.BlockSpec((_BN, D_HID), lambda i: (i, 0)),
        ],
        out_shape=[
            jax.ShapeDtypeStruct((N, D_HID), jnp.float32),
            jax.ShapeDtypeStruct((N, D_HID), jnp.float32),
        ],
    )(x, wn, ws, b)


def _tc_mid_body(s_ref, agg_ref, deg_ref, wn_ref, ws_ref, b_ref,
                 p_ref, so_ref):
    a = agg_ref[0] + agg_ref[1]
    dcnt = deg_ref[0, :, 0:1] + deg_ref[1, :, 0:1]
    d = jnp.maximum(dcnt, 1.0)
    h = jnp.maximum(s_ref[...] + a / d, 0.0)
    p_ref[...] = jnp.dot(h, wn_ref[...], preferred_element_type=jnp.float32)
    so_ref[...] = (jnp.dot(h, ws_ref[...], preferred_element_type=jnp.float32)
                   + b_ref[...])


def _tc_mid(s_prev, agg, deg, wn, ws, b, d_out):
    return pl.pallas_call(
        _tc_mid_body,
        grid=(N // _BN,),
        in_specs=[
            pl.BlockSpec((_BN, D_HID), lambda i: (i, 0)),
            pl.BlockSpec((NC, _BN, D_HID), lambda i: (0, i, 0)),
            pl.BlockSpec((NC, _BN, D_HID), lambda i: (0, i, 0)),
            pl.BlockSpec((D_HID, d_out), lambda i: (0, 0)),
            pl.BlockSpec((D_HID, d_out), lambda i: (0, 0)),
            pl.BlockSpec((1, d_out), lambda i: (0, 0)),
        ],
        out_specs=[
            pl.BlockSpec((_BN, d_out), lambda i: (i, 0)),
            pl.BlockSpec((_BN, d_out), lambda i: (i, 0)),
        ],
        out_shape=[
            jax.ShapeDtypeStruct((N, d_out), jnp.float32),
            jax.ShapeDtypeStruct((N, d_out), jnp.float32),
        ],
    )(s_prev, agg, deg, wn, ws, b)


def _tc_last_body(s_ref, agg_ref, deg_ref, o_ref):
    a = agg_ref[0] + agg_ref[1]
    dcnt = deg_ref[0, :, 0:1] + deg_ref[1, :, 0:1]
    d = jnp.maximum(dcnt, 1.0)
    o_ref[...] = s_ref[...] + a / d


def _tc_last(s_prev, agg, deg):
    return pl.pallas_call(
        _tc_last_body,
        grid=(N // _BN,),
        in_specs=[
            pl.BlockSpec((_BN, D_OUT_PAD), lambda i: (i, 0)),
            pl.BlockSpec((NC, _BN, D_OUT_PAD), lambda i: (0, i, 0)),
            pl.BlockSpec((NC, _BN, D_HID), lambda i: (0, i, 0)),
        ],
        out_specs=pl.BlockSpec((_BN, D_OUT_PAD), lambda i: (i, 0)),
        out_shape=jax.ShapeDtypeStruct((N, D_OUT_PAD), jnp.float32),
    )(s_prev, agg, deg)


def kernel(x, edge_index, W_self0, W_neigh0, b0,
           W_self1, W_neigh1, b1, W_self2, W_neigh2, b2):
    src = edge_index[0].astype(jnp.int32)
    dst = edge_index[1].astype(jnp.int32)
    pad = 0

    def trash_rows(n):
        return N + (jnp.arange(n, dtype=jnp.int32) % (ACC_ROWS - N))

    npad = NW * E_PER_W - E
    src_p = jnp.concatenate([src, jnp.zeros((npad,), jnp.int32)])
    dst_p = jnp.concatenate([dst, trash_rows(npad)])
    pad_deg = NW * CH_DEG * CHUNK - E
    dst_deg = jnp.concatenate(
        [dst, trash_rows(pad_deg)]).reshape(NW * CH_DEG, CHUNK)

    zeros64 = jnp.zeros((GCH, D_HID), jnp.float32)
    zeros128 = jnp.zeros((CHUNK, D_HID), jnp.float32)
    ones128 = jnp.ones((CHUNK, D_HID), jnp.float32)

    wn2 = jnp.pad(W_neigh2, ((0, 0), (0, D_OUT_PAD - D_OUT)))
    ws2 = jnp.pad(W_self2, ((0, 0), (0, D_OUT_PAD - D_OUT)))
    b2p = jnp.pad(b2, (0, D_OUT_PAD - D_OUT)).reshape(1, D_OUT_PAD)

    deg_parts = _make_deg()(ones128, zeros128, dst_deg)
    deg3 = deg_parts.reshape(NC, ACC_ROWS, D_HID)

    agg128 = _make_agg(D_HID)

    p0, s0 = _tc_first(x, W_neigh0, W_self0, b0.reshape(1, D_HID))
    a0 = agg128(p0, src_p, dst_p, zeros64).reshape(NC, ACC_ROWS, D_HID)

    p1, s1 = _tc_mid(s0, a0, deg3, W_neigh1, W_self1,
                     b1.reshape(1, D_HID), D_HID)
    a1 = agg128(p1, src_p, dst_p, zeros64).reshape(NC, ACC_ROWS, D_HID)

    p2, s2 = _tc_mid(s1, a1, deg3, wn2, ws2, b2p, D_OUT_PAD)
    a2 = agg128(p2, src_p, dst_p, zeros64).reshape(NC, ACC_ROWS, D_OUT_PAD)

    out = _tc_last(s2, a2, deg3)
    return out[:, :D_OUT]

# --- scband reference (transcript-rebuilt; emitter-appended) ---
"""Pipeline reference for scband-sage-50714973831907 (READ-ONLY COPY).

The authoritative reference and input builder live on the scoring server;
editing this copy changes nothing except your own understanding.
"""

import jax, jax.numpy as jnp
import numpy as np

N = 10000
E = 320000
D_IN = 128
D_HID = 128
D_OUT = 47


def setup_inputs(seed: int = 0) -> dict:
    key = jax.random.key(seed)
    ks = jax.random.split(key, 12)
    x = jax.random.normal(ks[0], (N, D_IN), dtype=jnp.float32)
    edge_index = jax.random.randint(ks[1], (2, E), 0, N)
    def lin(k, fan_in, fan_out):
        return jax.random.normal(k, (fan_in, fan_out), dtype=jnp.float32) * (1.0 / np.sqrt(fan_in))
    return {
        "x": x,
        "edge_index": edge_index,
        "W_self0": lin(ks[2], D_IN, D_HID),
        "W_neigh0": lin(ks[3], D_IN, D_HID),
        "b0": jnp.zeros((D_HID,), dtype=jnp.float32),
        "W_self1": lin(ks[4], D_HID, D_HID),
        "W_neigh1": lin(ks[5], D_HID, D_HID),
        "b1": jnp.zeros((D_HID,), dtype=jnp.float32),
        "W_self2": lin(ks[6], D_HID, D_OUT),
        "W_neigh2": lin(ks[7], D_HID, D_OUT),
        "b2": jnp.zeros((D_OUT,), dtype=jnp.float32),
    }


def _sage_layer(h, src, dst, W_self, W_neigh, b, deg):
    # mean aggregation over incoming neighbors (DGL SAGEConv 'mean')
    msg = jnp.take(h, src, axis=0)
    summed = jax.ops.segment_sum(msg, dst, num_segments=N)
    agg = summed / deg[:, None]
    return h @ W_self + agg @ W_neigh + b


def reference(x, edge_index, W_self0, W_neigh0, b0, W_self1, W_neigh1, b1, W_self2, W_neigh2, b2):
    src = edge_index[0]
    dst = edge_index[1]
    deg = jax.ops.segment_sum(jnp.ones((src.shape[0],), dtype=jnp.float32), dst, num_segments=N)
    deg = jnp.maximum(deg, 1.0)
    h = x
    h = _sage_layer(h, src, dst, W_self0, W_neigh0, b0, deg)
    h = jax.nn.relu(h)
    h = _sage_layer(h, src, dst, W_self1, W_neigh1, b1, deg)
    h = jax.nn.relu(h)
    h = _sage_layer(h, src, dst, W_self2, W_neigh2, b2, deg)
    return h

if __name__ == "__main__":
    import jax
    _d = setup_inputs()
    print(jax.jit(kernel)(*tuple(_d.values())))

</pallas_src>

<mosaic_0001>
#map = affine_map<(d0, d1) -> (0, 0)>
#map1 = affine_map<(d0, d1) -> (0)>
module attributes {stable_mosaic.version = 14 : i64} {
  func.func @agg(%arg0: i32, %arg1: i32, %arg2: memref<10000x128xf32, #tpu.memory_space<hbm>>, %arg3: memref<323584xi32, #tpu.memory_space<hbm>>, %arg4: memref<323584xi32, #tpu.memory_space<hbm>>, %arg5: memref<128x128xf32, #tpu.memory_space<hbm>>, %arg6: memref<20480x128xf32, #tpu.memory_space<hbm>>, %arg7: memref<128xi32, #tpu.memory_space<vmem>>, %arg8: memref<128xi32, #tpu.memory_space<vmem>>, %arg9: memref<128x128xf32, #tpu.memory_space<vmem>>, %arg10: memref<10240x128xf32, #tpu.memory_space<vmem_shared>>, %arg11: memref<!tpu.dma_semaphore, #tpu.memory_space<semaphore_mem>>) attributes {dimension_semantics = [#tpu.dimension_semantics<core_parallel>, #tpu.dimension_semantics<subcore_parallel>], iteration_bounds = array<i64: 2, 16>, scalar_prefetch = 0 : i64, scratch_operands = 5 : i64, tpu.core_type = #tpu.core_type<sc_vector_subcore>, window_params = [{transform_indices = #map}, {transform_indices = #map1}, {transform_indices = #map1}, {transform_indices = #map}, {transform_indices = #map}]} {
    %mul3A = arith.constant 16 : i32
    %mul3A_0 = arith.muli %arg0, %mul3A : i32
    %add3A = arith.addi %mul3A_0, %arg1 : i32
    %mul3A_1 = arith.constant 10112 : i32
    %mul3A_2 = arith.muli %add3A, %mul3A_1 : i32
    "tpu.region"() ({
      %run_scoped3A = tpu.sem_alloc : memref<!tpu.dma_semaphore, #tpu.memory_space<semaphore_mem>>
      tpu.enqueue_dma source(%arg5 : memref<128x128xf32, #tpu.memory_space<hbm>>) target(%arg9 : memref<128x128xf32, #tpu.memory_space<vmem>>) target_semaphore(%run_scoped3A : memref<!tpu.dma_semaphore, #tpu.memory_space<semaphore_mem>>)
      tpu.wait_dma2 semaphore(%run_scoped3A : memref<!tpu.dma_semaphore, #tpu.memory_space<semaphore_mem>>) src(%arg5 : memref<128x128xf32, #tpu.memory_space<hbm>>) dst(%arg9 : memref<128x128xf32, #tpu.memory_space<vmem>>)
      tpu.yield
    }) : () -> ()
    %mul3A_3 = arith.constant 640 : i32
    %mul3A_4 = arith.muli %arg1, %mul3A_3 : i32
    %add3A_5 = arith.constant 0 : i32
    %add3A_6 = arith.addi %mul3A_4, %add3A_5 : i32
    "tpu.region"() ({
      %run_scoped3A = tpu.sem_alloc : memref<!tpu.dma_semaphore, #tpu.memory_space<semaphore_mem>>
      %dma_start3A = arith.constant 0 : i32
      %dma_start3A_56 = tpu.memref_slice %arg10[%add3A_6, %dma_start3A] : memref<10240x128xf32, #tpu.memory_space<vmem_shared>> -> memref<128x128xf32, #tpu.memory_space<vmem_shared>>
      %dma_start3A_57 = arith.constant 0 : i32
      %dma_start3A_58 = tpu.memref_slice %arg10[%add3A_6, %dma_start3A_57] : memref<10240x128xf32, #tpu.memory_space<vmem_shared>> -> memref<128x128xf32, #tpu.memory_space<vmem_shared>>
      tpu.enqueue_dma source(%arg9 : memref<128x128xf32, #tpu.memory_space<vmem>>) target(%dma_start3A_58 : memref<128x128xf32, #tpu.memory_space<vmem_shared>>) target_semaphore(%run_scoped3A : memref<!tpu.dma_semaphore, #tpu.memory_space<semaphore_mem>>)
      %dma_wait3A = arith.constant 0 : i32
      %dma_wait3A_59 = tpu.memref_slice %arg10[%add3A_6, %dma_wait3A] : memref<10240x128xf32, #tpu.memory_space<vmem_shared>> -> memref<128x128xf32, #tpu.memory_space<vmem_shared>>
      %dma_wait3A_60 = arith.constant 0 : i32
      %dma_wait3A_61 = tpu.memref_slice %arg10[%add3A_6, %dma_wait3A_60] : memref<10240x128xf32, #tpu.memory_space<vmem_shared>> -> memref<128x128xf32, #tpu.memory_space<vmem_shared>>
      tpu.wait_dma2 semaphore(%run_scoped3A : memref<!tpu.dma_semaphore, #tpu.memory_space<semaphore_mem>>) src(%arg9 : memref<128x128xf32, #tpu.memory_space<vmem>>) dst(%dma_wait3A_61 : memref<128x128xf32, #tpu.memory_space<vmem_shared>>)
      tpu.yield
    }) : () -> ()
    %add3A_7 = arith.constant 128 : i32
    %add3A_8 = arith.addi %mul3A_4, %add3A_7 : i32
    "tpu.region"() ({
      %run_scoped3A = tpu.sem_alloc : memref<!tpu.dma_semaphore, #tpu.memory_space<semaphore_mem>>
      %dma_start3A = arith.constant 0 : i32
      %dma_start3A_56 = tpu.memref_slice %arg10[%add3A_8, %dma_start3A] : memref<10240x128xf32, #tpu.memory_space<vmem_shared>> -> memref<128x128xf32, #tpu.memory_space<vmem_shared>>
      %dma_start3A_57 = arith.constant 0 : i32
      %dma_start3A_58 = tpu.memref_slice %arg10[%add3A_8, %dma_start3A_57] : memref<10240x128xf32, #tpu.memory_space<vmem_shared>> -> memref<128x128xf32, #tpu.memory_space<vmem_shared>>
      tpu.enqueue_dma source(%arg9 : memref<128x128xf32, #tpu.memory_space<vmem>>) target(%dma_start3A_58 : memref<128x128xf32, #tpu.memory_space<vmem_shared>>) target_semaphore(%run_scoped3A : memref<!tpu.dma_semaphore, #tpu.memory_space<semaphore_mem>>)
      %dma_wait3A = arith.constant 0 : i32
      %dma_wait3A_59 = tpu.memref_slice %arg10[%add3A_8, %dma_wait3A] : memref<10240x128xf32, #tpu.memory_space<vmem_shared>> -> memref<128x128xf32, #tpu.memory_space<vmem_shared>>
      %dma_wait3A_60 = arith.constant 0 : i32
      %dma_wait3A_61 = tpu.memref_slice %arg10[%add3A_8, %dma_wait3A_60] : memref<10240x128xf32, #tpu.memory_space<vmem_shared>> -> memref<128x128xf32, #tpu.memory_space<vmem_shared>>
      tpu.wait_dma2 semaphore(%run_scoped3A : memref<!tpu.dma_semaphore, #tpu.memory_space<semaphore_mem>>) src(%arg9 : memref<128x128xf32, #tpu.memory_space<vmem>>) dst(%dma_wait3A_61 : memref<128x128xf32, #tpu.memory_space<vmem_shared>>)
      tpu.yield
    }) : () -> ()
    %add3A_9 = arith.constant 256 : i32
    %add3A_10 = arith.addi %mul3A_4, %add3A_9 : i32
    "tpu.region"() ({
      %run_scoped3A = tpu.sem_alloc : memref<!tpu.dma_semaphore, #tpu.memory_space<semaphore_mem>>
      %dma_start3A = arith.constant 0 : i32
      %dma_start3A_56 = tpu.memref_slice %arg10[%add3A_10, %dma_start3A] : memref<10240x128xf32, #tpu.memory_space<vmem_shared>> -> memref<128x128xf32, #tpu.memory_space<vmem_shared>>
      %dma_start3A_57 = arith.constant 0 : i32
      %dma_start3A_58 = tpu.memref_slice %arg10[%add3A_10, %dma_start3A_57] : memref<10240x128xf32, #tpu.memory_space<vmem_shared>> -> memref<128x128xf32, #tpu.memory_space<vmem_shared>>
      tpu.enqueue_dma source(%arg9 : memref<128x128xf32, #tpu.memory_space<vmem>>) target(%dma_start3A_58 : memref<128x128xf32, #tpu.memory_space<vmem_shared>>) target_semaphore(%run_scoped3A : memref<!tpu.dma_semaphore, #tpu.memory_space<semaphore_mem>>)
      %dma_wait3A = arith.constant 0 : i32
      %dma_wait3A_59 = tpu.memref_slice %arg10[%add3A_10, %dma_wait3A] : memref<10240x128xf32, #tpu.memory_space<vmem_shared>> -> memref<128x128xf32, #tpu.memory_space<vmem_shared>>
      %dma_wait3A_60 = arith.constant 0 : i32
      %dma_wait3A_61 = tpu.memref_slice %arg10[%add3A_10, %dma_wait3A_60] : memref<10240x128xf32, #tpu.memory_space<vmem_shared>> -> memref<128x128xf32, #tpu.memory_space<vmem_shared>>
      tpu.wait_dma2 semaphore(%run_scoped3A : memref<!tpu.dma_semaphore, #tpu.memory_space<semaphore_mem>>) src(%arg9 : memref<128x128xf32, #tpu.memory_space<vmem>>) dst(%dma_wait3A_61 : memref<128x128xf32, #tpu.memory_space<vmem_shared>>)
      tpu.yield
    }) : () -> ()
    %add3A_11 = arith.constant 384 : i32
    %add3A_12 = arith.addi %mul3A_4, %add3A_11 : i32
    "tpu.region"() ({
      %run_scoped3A = tpu.sem_alloc : memref<!tpu.dma_semaphore, #tpu.memory_space<semaphore_mem>>
      %dma_start3A = arith.constant 0 : i32
      %dma_start3A_56 = tpu.memref_slice %arg10[%add3A_12, %dma_start3A] : memref<10240x128xf32, #tpu.memory_space<vmem_shared>> -> memref<128x128xf32, #tpu.memory_space<vmem_shared>>
      %dma_start3A_57 = arith.constant 0 : i32
      %dma_start3A_58 = tpu.memref_slice %arg10[%add3A_12, %dma_start3A_57] : memref<10240x128xf32, #tpu.memory_space<vmem_shared>> -> memref<128x128xf32, #tpu.memory_space<vmem_shared>>
      tpu.enqueue_dma source(%arg9 : memref<128x128xf32, #tpu.memory_space<vmem>>) target(%dma_start3A_58 : memref<128x128xf32, #tpu.memory_space<vmem_shared>>) target_semaphore(%run_scoped3A : memref<!tpu.dma_semaphore, #tpu.memory_space<semaphore_mem>>)
      %dma_wait3A = arith.constant 0 : i32
      %dma_wait3A_59 = tpu.memref_slice %arg10[%add3A_12, %dma_wait3A] : memref<10240x128xf32, #tpu.memory_space<vmem_shared>> -> memref<128x128xf32, #tpu.memory_space<vmem_shared>>
      %dma_wait3A_60 = arith.constant 0 : i32
      %dma_wait3A_61 = tpu.memref_slice %arg10[%add3A_12, %dma_wait3A_60] : memref<10240x128xf32, #tpu.memory_space<vmem_shared>> -> memref<128x128xf32, #tpu.memory_space<vmem_shared>>
      tpu.wait_dma2 semaphore(%run_scoped3A : memref<!tpu.dma_semaphore, #tpu.memory_space<semaphore_mem>>) src(%arg9 : memref<128x128xf32, #tpu.memory_space<vmem>>) dst(%dma_wait3A_61 : memref<128x128xf32, #tpu.memory_space<vmem_shared>>)
      tpu.yield
    }) : () -> ()
    %add3A_13 = arith.constant 512 : i32
    %add3A_14 = arith.addi %mul3A_4, %add3A_13 : i32
    "tpu.region"() ({
      %run_scoped3A = tpu.sem_alloc : memref<!tpu.dma_semaphore, #tpu.memory_space<semaphore_mem>>
      %dma_start3A = arith.constant 0 : i32
      %dma_start3A_56 = tpu.memref_slice %arg10[%add3A_14, %dma_start3A] : memref<10240x128xf32, #tpu.memory_space<vmem_shared>> -> memref<128x128xf32, #tpu.memory_space<vmem_shared>>
      %dma_start3A_57 = arith.constant 0 : i32
      %dma_start3A_58 = tpu.memref_slice %arg10[%add3A_14, %dma_start3A_57] : memref<10240x128xf32, #tpu.memory_space<vmem_shared>> -> memref<128x128xf32, #tpu.memory_space<vmem_shared>>
      tpu.enqueue_dma source(%arg9 : memref<128x128xf32, #tpu.memory_space<vmem>>) target(%dma_start3A_58 : memref<128x128xf32, #tpu.memory_space<vmem_shared>>) target_semaphore(%run_scoped3A : memref<!tpu.dma_semaphore, #tpu.memory_space<semaphore_mem>>)
      %dma_wait3A = arith.constant 0 : i32
      %dma_wait3A_59 = tpu.memref_slice %arg10[%add3A_14, %dma_wait3A] : memref<10240x128xf32, #tpu.memory_space<vmem_shared>> -> memref<128x128xf32, #tpu.memory_space<vmem_shared>>
      %dma_wait3A_60 = arith.constant 0 : i32
      %dma_wait3A_61 = tpu.memref_slice %arg10[%add3A_14, %dma_wait3A_60] : memref<10240x128xf32, #tpu.memory_space<vmem_shared>> -> memref<128x128xf32, #tpu.memory_space<vmem_shared>>
      tpu.wait_dma2 semaphore(%run_scoped3A : memref<!tpu.dma_semaphore, #tpu.memory_space<semaphore_mem>>) src(%arg9 : memref<128x128xf32, #tpu.memory_space<vmem>>) dst(%dma_wait3A_61 : memref<128x128xf32, #tpu.memory_space<vmem_shared>>)
      tpu.yield
    }) : () -> ()
    %barrier3A = arith.constant 0 : index
    tpu.barrier barrier_id(%barrier3A)
    %scan3A = arith.constant 0 : i32
    %scan3A_15 = arith.constant 0 : i32
    %scan3A_16 = arith.constant 79 : i32
    %scan3A_17 = arith.addi %scan3A_15, %scan3A_16 : i32
    %scan3A_18 = arith.constant 1 : i32
    scf.for %scan3A_56 = %scan3A_15 to %scan3A_17 step %scan3A_18  : i32 {
      %mul3A_57 = arith.constant 128 : i32
      %mul3A_58 = arith.muli %scan3A_56, %mul3A_57 : i32
      %add3A_59 = arith.addi %mul3A_2, %mul3A_58 : i32
      "tpu.region"() ({
        %run_scoped3A = tpu.sem_alloc : memref<!tpu.dma_semaphore, #tpu.memory_space<semaphore_mem>>
        %dma_start3A_64 = tpu.memref_slice %arg3[%add3A_59] : memref<323584xi32, #tpu.memory_space<hbm>> -> memref<128xi32, #tpu.memory_space<hbm>>
        %dma_start3A_65 = tpu.memref_slice %arg3[%add3A_59] : memref<323584xi32, #tpu.memory_space<hbm>> -> memref<128xi32, #tpu.memory_space<hbm>>
        tpu.enqueue_dma source(%dma_start3A_65 : memref<128xi32, #tpu.memory_space<hbm>>) target(%arg7 : memref<128xi32, #tpu.memory_space<vmem>>) target_semaphore(%run_scoped3A : memref<!tpu.dma_semaphore, #tpu.memory_space<semaphore_mem>>)
        %dma_wait3A_66 = tpu.memref_slice %arg3[%add3A_59] : memref<323584xi32, #tpu.memory_space<hbm>> -> memref<128xi32, #tpu.memory_space<hbm>>
        %dma_wait3A_67 = tpu.memref_slice %arg3[%add3A_59] : memref<323584xi32, #tpu.memory_space<hbm>> -> memref<128xi32, #tpu.memory_space<hbm>>
        tpu.wait_dma2 semaphore(%run_scoped3A : memref<!tpu.dma_semaphore, #tpu.memory_space<semaphore_mem>>) src(%dma_wait3A_67 : memref<128xi32, #tpu.memory_space<hbm>>) dst(%arg7 : memref<128xi32, #tpu.memory_space<vmem>>)
        tpu.yield
      }) : () -> ()
      "tpu.region"() ({
        %run_scoped3A = tpu.sem_alloc : memref<!tpu.dma_semaphore, #tpu.memory_space<semaphore_mem>>
        %dma_start3A_64 = tpu.memref_slice %arg4[%add3A_59] : memref<323584xi32, #tpu.memory_space<hbm>> -> memref<128xi32, #tpu.memory_space<hbm>>
        %dma_start3A_65 = tpu.memref_slice %arg4[%add3A_59] : memref<323584xi32, #tpu.memory_space<hbm>> -> memref<128xi32, #tpu.memory_space<hbm>>
        tpu.enqueue_dma source(%dma_start3A_65 : memref<128xi32, #tpu.memory_space<hbm>>) target(%arg8 : memref<128xi32, #tpu.memory_space<vmem>>) target_semaphore(%run_scoped3A : memref<!tpu.dma_semaphore, #tpu.memory_space<semaphore_mem>>)
        %dma_wait3A_66 = tpu.memref_slice %arg4[%add3A_59] : memref<323584xi32, #tpu.memory_space<hbm>> -> memref<128xi32, #tpu.memory_space<hbm>>
        %dma_wait3A_67 = tpu.memref_slice %arg4[%add3A_59] : memref<323584xi32, #tpu.memory_space<hbm>> -> memref<128xi32, #tpu.memory_space<hbm>>
        tpu.wait_dma2 semaphore(%run_scoped3A : memref<!tpu.dma_semaphore, #tpu.memory_space<semaphore_mem>>) src(%dma_wait3A_67 : memref<128xi32, #tpu.memory_space<hbm>>) dst(%arg8 : memref<128xi32, #tpu.memory_space<vmem>>)
        tpu.yield
      }) : () -> ()
      %dma_start3A = arith.constant 0 : i32
      %dma_start3A_60 = arith.constant 0 : i32
      %dma_start3A_61 = tpu.memref_slice %arg2[%dma_start3A, %dma_start3A_60] : memref<10000x128xf32, #tpu.memory_space<hbm>> -> memref<10000x128xf32, #tpu.memory_space<hbm>>
      tpu.enqueue_indirect_dma source(%dma_start3A_61 : memref<10000x128xf32, #tpu.memory_space<hbm>>) target(%arg9 : memref<128x128xf32, #tpu.memory_space<vmem>>) offsets(%arg7 : memref<128xi32, #tpu.memory_space<vmem>>) semaphore(%arg11 : memref<!tpu.dma_semaphore, #tpu.memory_space<semaphore_mem>>)
      %dma_wait3A = arith.constant 0 : i32
      %dma_wait3A_62 = arith.constant 0 : i32
      %dma_wait3A_63 = tpu.memref_slice %arg2[%dma_wait3A, %dma_wait3A_62] : memref<10000x128xf32, #tpu.memory_space<hbm>> -> memref<10000x128xf32, #tpu.memory_space<hbm>>
      tpu.wait_indirect_dma semaphore(%arg11 : memref<!tpu.dma_semaphore, #tpu.memory_space<semaphore_mem>>) src(%dma_wait3A_63 : memref<10000x128xf32, #tpu.memory_space<hbm>>) dst(%arg9 : memref<128x128xf32, #tpu.memory_space<vmem>>)
      "tpu.region"() ({
        %run_scoped3A = tpu.sem_alloc : memref<!tpu.dma_semaphore, #tpu.memory_space<semaphore_mem>>
        %dma_start3A_64 = arith.constant 0 : i32
        %dma_start3A_65 = arith.constant 0 : i32
        %dma_start3A_66 = tpu.memref_slice %arg10[%dma_start3A_64, %dma_start3A_65] : memref<10240x128xf32, #tpu.memory_space<vmem_shared>> -> memref<10240x128xf32, #tpu.memory_space<vmem_shared>>
        tpu.enqueue_indirect_dma source(%arg9 : memref<128x128xf32, #tpu.memory_space<vmem>>) target(%dma_start3A_66 : memref<10240x128xf32, #tpu.memory_space<vmem_shared>>) offsets(%arg8 : memref<128xi32, #tpu.memory_space<vmem>>) semaphore(%run_scoped3A : memref<!tpu.dma_semaphore, #tpu.memory_space<semaphore_mem>>) {add = true}
        %dma_wait3A_67 = arith.constant 0 : i32
        %dma_wait3A_68 = arith.constant 0 : i32
        %dma_wait3A_69 = tpu.memref_slice %arg10[%dma_wait3A_67, %dma_wait3A_68] : memref<10240x128xf32, #tpu.memory_space<vmem_shared>> -> memref<10240x128xf32, #tpu.memory_space<vmem_shared>>
        tpu.wait_indirect_dma semaphore(%run_scoped3A : memref<!tpu.dma_semaphore, #tpu.memory_space<semaphore_mem>>) src(%arg9 : memref<128x128xf32, #tpu.memory_space<vmem>>) dst(%dma_wait3A_69 : memref<10240x128xf32, #tpu.memory_space<vmem_shared>>)
        tpu.yield
      }) : () -> ()
    }
    %scan3A_19 = arith.constant 79 : i32
    %barrier3A_20 = arith.constant 0 : index
    tpu.barrier barrier_id(%barrier3A_20)
    %add3A_21 = arith.constant 0 : i32
    %add3A_22 = arith.addi %mul3A_4, %add3A_21 : i32
    "tpu.region"() ({
      %run_scoped3A = tpu.sem_alloc : memref<!tpu.dma_semaphore, #tpu.memory_space<semaphore_mem>>
      %dma_start3A = arith.constant 0 : i32
      %dma_start3A_56 = tpu.memref_slice %arg10[%add3A_22, %dma_start3A] : memref<10240x128xf32, #tpu.memory_space<vmem_shared>> -> memref<128x128xf32, #tpu.memory_space<vmem_shared>>
      %dma_start3A_57 = arith.constant 0 : i32
      %dma_start3A_58 = tpu.memref_slice %arg10[%add3A_22, %dma_start3A_57] : memref<10240x128xf32, #tpu.memory_space<vmem_shared>> -> memref<128x128xf32, #tpu.memory_space<vmem_shared>>
      tpu.enqueue_dma source(%dma_start3A_58 : memref<128x128xf32, #tpu.memory_space<vmem_shared>>) target(%arg9 : memref<128x128xf32, #tpu.memory_space<vmem>>) target_semaphore(%run_scoped3A : memref<!tpu.dma_semaphore, #tpu.memory_space<semaphore_mem>>)
      %dma_wait3A = arith.constant 0 : i32
      %dma_wait3A_59 = tpu.memref_slice %arg10[%add3A_22, %dma_wait3A] : memref<10240x128xf32, #tpu.memory_space<vmem_shared>> -> memref<128x128xf32, #tpu.memory_space<vmem_shared>>
      %dma_wait3A_60 = arith.constant 0 : i32
      %dma_wait3A_61 = tpu.memref_slice %arg10[%add3A_22, %dma_wait3A_60] : memref<10240x128xf32, #tpu.memory_space<vmem_shared>> -> memref<128x128xf32, #tpu.memory_space<vmem_shared>>
      tpu.wait_dma2 semaphore(%run_scoped3A : memref<!tpu.dma_semaphore, #tpu.memory_space<semaphore_mem>>) src(%dma_wait3A_61 : memref<128x128xf32, #tpu.memory_space<vmem_shared>>) dst(%arg9 : memref<128x128xf32, #tpu.memory_space<vmem>>)
      tpu.yield
    }) : () -> ()
    %mul3A_23 = arith.constant 10240 : i32
    %mul3A_24 = arith.muli %arg0, %mul3A_23 : i32
    %add3A_25 = arith.addi %mul3A_24, %mul3A_4 : i32
    %add3A_26 = arith.constant 0 : i32
    %add3A_27 = arith.addi %add3A_25, %add3A_26 : i32
    "tpu.region"() ({
      %run_scoped3A = tpu.sem_alloc : memref<!tpu.dma_semaphore, #tpu.memory_space<semaphore_mem>>
      %dma_start3A = arith.constant 0 : i32
      %dma_start3A_56 = tpu.memref_slice %arg6[%add3A_27, %dma_start3A] : memref<20480x128xf32, #tpu.memory_space<hbm>> -> memref<128x128xf32, #tpu.memory_space<hbm>>
      %dma_start3A_57 = arith.constant 0 : i32
      %dma_start3A_58 = tpu.memref_slice %arg6[%add3A_27, %dma_start3A_57] : memref<20480x128xf32, #tpu.memory_space<hbm>> -> memref<128x128xf32, #tpu.memory_space<hbm>>
      tpu.enqueue_dma source(%arg9 : memref<128x128xf32, #tpu.memory_space<vmem>>) target(%dma_start3A_58 : memref<128x128xf32, #tpu.memory_space<hbm>>) target_semaphore(%run_scoped3A : memref<!tpu.dma_semaphore, #tpu.memory_space<semaphore_mem>>)
      %dma_wait3A = arith.constant 0 : i32
      %dma_wait3A_59 = tpu.memref_slice %arg6[%add3A_27, %dma_wait3A] : memref<20480x128xf32, #tpu.memory_space<hbm>> -> memref<128x128xf32, #tpu.memory_space<hbm>>
      %dma_wait3A_60 = arith.constant 0 : i32
      %dma_wait3A_61 = tpu.memref_slice %arg6[%add3A_27, %dma_wait3A_60] : memref<20480x128xf32, #tpu.memory_space<hbm>> -> memref<128x128xf32, #tpu.memory_space<hbm>>
      tpu.wait_dma2 semaphore(%run_scoped3A : memref<!tpu.dma_semaphore, #tpu.memory_space<semaphore_mem>>) src(%arg9 : memref<128x128xf32, #tpu.memory_space<vmem>>) dst(%dma_wait3A_61 : memref<128x128xf32, #tpu.memory_space<hbm>>)
      tpu.yield
    }) : () -> ()
    %add3A_28 = arith.constant 128 : i32
    %add3A_29 = arith.addi %mul3A_4, %add3A_28 : i32
    "tpu.region"() ({
      %run_scoped3A = tpu.sem_alloc : memref<!tpu.dma_semaphore, #tpu.memory_space<semaphore_mem>>
      %dma_start3A = arith.constant 0 : i32
      %dma_start3A_56 = tpu.memref_slice %arg10[%add3A_29, %dma_start3A] : memref<10240x128xf32, #tpu.memory_space<vmem_shared>> -> memref<128x128xf32, #tpu.memory_space<vmem_shared>>
      %dma_start3A_57 = arith.constant 0 : i32
      %dma_start3A_58 = tpu.memref_slice %arg10[%add3A_29, %dma_start3A_57] : memref<10240x128xf32, #tpu.memory_space<vmem_shared>> -> memref<128x128xf32, #tpu.memory_space<vmem_shared>>
      tpu.enqueue_dma source(%dma_start3A_58 : memref<128x128xf32, #tpu.memory_space<vmem_shared>>) target(%arg9 : memref<128x128xf32, #tpu.memory_space<vmem>>) target_semaphore(%run_scoped3A : memref<!tpu.dma_semaphore, #tpu.memory_space<semaphore_mem>>)
      %dma_wait3A = arith.constant 0 : i32
      %dma_wait3A_59 = tpu.memref_slice %arg10[%add3A_29, %dma_wait3A] : memref<10240x128xf32, #tpu.memory_space<vmem_shared>> -> memref<128x128xf32, #tpu.memory_space<vmem_shared>>
      %dma_wait3A_60 = arith.constant 0 : i32
      %dma_wait3A_61 = tpu.memref_slice %arg10[%add3A_29, %dma_wait3A_60] : memref<10240x128xf32, #tpu.memory_space<vmem_shared>> -> memref<128x128xf32, #tpu.memory_space<vmem_shared>>
      tpu.wait_dma2 semaphore(%run_scoped3A : memref<!tpu.dma_semaphore, #tpu.memory_space<semaphore_mem>>) src(%dma_wait3A_61 : memref<128x128xf32, #tpu.memory_space<vmem_shared>>) dst(%arg9 : memref<128x128xf32, #tpu.memory_space<vmem>>)
      tpu.yield
    }) : () -> ()
    %mul3A_30 = arith.constant 10240 : i32
    %mul3A_31 = arith.muli %arg0, %mul3A_30 : i32
    %add3A_32 = arith.addi %mul3A_31, %mul3A_4 : i32
    %add3A_33 = arith.constant 128 : i32
    %add3A_34 = arith.addi %add3A_32, %add3A_33 : i32
    "tpu.region"() ({
      %run_scoped3A = tpu.sem_alloc : memref<!tpu.dma_semaphore, #tpu.memory_space<semaphore_mem>>
      %dma_start3A = arith.constant 0 : i32
      %dma_start3A_56 = tpu.memref_slice %arg6[%add3A_34, %dma_start3A] : memref<20480x128xf32, #tpu.memory_space<hbm>> -> memref<128x128xf32, #tpu.memory_space<hbm>>
      %dma_start3A_57 = arith.constant 0 : i32
      %dma_start3A_58 = tpu.memref_slice %arg6[%add3A_34, %dma_start3A_57] : memref<20480x128xf32, #tpu.memory_space<hbm>> -> memref<128x128xf32, #tpu.memory_space<hbm>>
      tpu.enqueue_dma source(%arg9 : memref<128x128xf32, #tpu.memory_space<vmem>>) target(%dma_start3A_58 : memref<128x128xf32, #tpu.memory_space<hbm>>) target_semaphore(%run_scoped3A : memref<!tpu.dma_semaphore, #tpu.memory_space<semaphore_mem>>)
      %dma_wait3A = arith.constant 0 : i32
      %dma_wait3A_59 = tpu.memref_slice %arg6[%add3A_34, %dma_wait3A] : memref<20480x128xf32, #tpu.memory_space<hbm>> -> memref<128x128xf32, #tpu.memory_space<hbm>>
      %dma_wait3A_60 = arith.constant 0 : i32
      %dma_wait3A_61 = tpu.memref_slice %arg6[%add3A_34, %dma_wait3A_60] : memref<20480x128xf32, #tpu.memory_space<hbm>> -> memref<128x128xf32, #tpu.memory_space<hbm>>
      tpu.wait_dma2 semaphore(%run_scoped3A : memref<!tpu.dma_semaphore, #tpu.memory_space<semaphore_mem>>) src(%arg9 : memref<128x128xf32, #tpu.memory_space<vmem>>) dst(%dma_wait3A_61 : memref<128x128xf32, #tpu.memory_space<hbm>>)
      tpu.yield
    }) : () -> ()
    %add3A_35 = arith.constant 256 : i32
    %add3A_36 = arith.addi %mul3A_4, %add3A_35 : i32
    "tpu.region"() ({
      %run_scoped3A = tpu.sem_alloc : memref<!tpu.dma_semaphore, #tpu.memory_space<semaphore_mem>>
      %dma_start3A = arith.constant 0 : i32
      %dma_start3A_56 = tpu.memref_slice %arg10[%add3A_36, %dma_start3A] : memref<10240x128xf32, #tpu.memory_space<vmem_shared>> -> memref<128x128xf32, #tpu.memory_space<vmem_shared>>
      %dma_start3A_57 = arith.constant 0 : i32
      %dma_start3A_58 = tpu.memref_slice %arg10[%add3A_36, %dma_start3A_57] : memref<10240x128xf32, #tpu.memory_space<vmem_shared>> -> memref<128x128xf32, #tpu.memory_space<vmem_shared>>
      tpu.enqueue_dma source(%dma_start3A_58 : memref<128x128xf32, #tpu.memory_space<vmem_shared>>) target(%arg9 : memref<128x128xf32, #tpu.memory_space<vmem>>) target_semaphore(%run_scoped3A : memref<!tpu.dma_semaphore, #tpu.memory_space<semaphore_mem>>)
      %dma_wait3A = arith.constant 0 : i32
      %dma_wait3A_59 = tpu.memref_slice %arg10[%add3A_36, %dma_wait3A] : memref<10240x128xf32, #tpu.memory_space<vmem_shared>> -> memref<128x128xf32, #tpu.memory_space<vmem_shared>>
      %dma_wait3A_60 = arith.constant 0 : i32
      %dma_wait3A_61 = tpu.memref_slice %arg10[%add3A_36, %dma_wait3A_60] : memref<10240x128xf32, #tpu.memory_space<vmem_shared>> -> memref<128x128xf32, #tpu.memory_space<vmem_shared>>
      tpu.wait_dma2 semaphore(%run_scoped3A : memref<!tpu.dma_semaphore, #tpu.memory_space<semaphore_mem>>) src(%dma_wait3A_61 : memref<128x128xf32, #tpu.memory_space<vmem_shared>>) dst(%arg9 : memref<128x128xf32, #tpu.memory_space<vmem>>)
      tpu.yield
    }) : () -> ()
    %mul3A_37 = arith.constant 10240 : i32
    %mul3A_38 = arith.muli %arg0, %mul3A_37 : i32
    %add3A_39 = arith.addi %mul3A_38, %mul3A_4 : i32
    %add3A_40 = arith.constant 256 : i32
    %add3A_41 = arith.addi %add3A_39, %add3A_40 : i32
    "tpu.region"() ({
      %run_scoped3A = tpu.sem_alloc : memref<!tpu.dma_semaphore, #tpu.memory_space<semaphore_mem>>
      %dma_start3A = arith.constant 0 : i32
      %dma_start3A_56 = tpu.memref_slice %arg6[%add3A_41, %dma_start3A] : memref<20480x128xf32, #tpu.memory_space<hbm>> -> memref<128x128xf32, #tpu.memory_space<hbm>>
      %dma_start3A_57 = arith.constant 0 : i32
      %dma_start3A_58 = tpu.memref_slice %arg6[%add3A_41, %dma_start3A_57] : memref<20480x128xf32, #tpu.memory_space<hbm>> -> memref<128x128xf32, #tpu.memory_space<hbm>>
      tpu.enqueue_dma source(%arg9 : memref<128x128xf32, #tpu.memory_space<vmem>>) target(%dma_start3A_58 : memref<128x128xf32, #tpu.memory_space<hbm>>) target_semaphore(%run_scoped3A : memref<!tpu.dma_semaphore, #tpu.memory_space<semaphore_mem>>)
      %dma_wait3A = arith.constant 0 : i32
      %dma_wait3A_59 = tpu.memref_slice %arg6[%add3A_41, %dma_wait3A] : memref<20480x128xf32, #tpu.memory_space<hbm>> -> memref<128x128xf32, #tpu.memory_space<hbm>>
      %dma_wait3A_60 = arith.constant 0 : i32
      %dma_wait3A_61 = tpu.memref_slice %arg6[%add3A_41, %dma_wait3A_60] : memref<20480x128xf32, #tpu.memory_space<hbm>> -> memref<128x128xf32, #tpu.memory_space<hbm>>
      tpu.wait_dma2 semaphore(%run_scoped3A : memref<!tpu.dma_semaphore, #tpu.memory_space<semaphore_mem>>) src(%arg9 : memref<128x128xf32, #tpu.memory_space<vmem>>) dst(%dma_wait3A_61 : memref<128x128xf32, #tpu.memory_space<hbm>>)
      tpu.yield
    }) : () -> ()
    %add3A_42 = arith.constant 384 : i32
    %add3A_43 = arith.addi %mul3A_4, %add3A_42 : i32
    "tpu.region"() ({
      %run_scoped3A = tpu.sem_alloc : memref<!tpu.dma_semaphore, #tpu.memory_space<semaphore_mem>>
      %dma_start3A = arith.constant 0 : i32
      %dma_start3A_56 = tpu.memref_slice %arg10[%add3A_43, %dma_start3A] : memref<10240x128xf32, #tpu.memory_space<vmem_shared>> -> memref<128x128xf32, #tpu.memory_space<vmem_shared>>
      %dma_start3A_57 = arith.constant 0 : i32
      %dma_start3A_58 = tpu.memref_slice %arg10[%add3A_43, %dma_start3A_57] : memref<10240x128xf32, #tpu.memory_space<vmem_shared>> -> memref<128x128xf32, #tpu.memory_space<vmem_shared>>
      tpu.enqueue_dma source(%dma_start3A_58 : memref<128x128xf32, #tpu.memory_space<vmem_shared>>) target(%arg9 : memref<128x128xf32, #tpu.memory_space<vmem>>) target_semaphore(%run_scoped3A : memref<!tpu.dma_semaphore, #tpu.memory_space<semaphore_mem>>)
      %dma_wait3A = arith.constant 0 : i32
      %dma_wait3A_59 = tpu.memref_slice %arg10[%add3A_43, %dma_wait3A] : memref<10240x128xf32, #tpu.memory_space<vmem_shared>> -> memref<128x128xf32, #tpu.memory_space<vmem_shared>>
      %dma_wait3A_60 = arith.constant 0 : i32
      %dma_wait3A_61 = tpu.memref_slice %arg10[%add3A_43, %dma_wait3A_60] : memref<10240x128xf32, #tpu.memory_space<vmem_shared>> -> memref<128x128xf32, #tpu.memory_space<vmem_shared>>
      tpu.wait_dma2 semaphore(%run_scoped3A : memref<!tpu.dma_semaphore, #tpu.memory_space<semaphore_mem>>) src(%dma_wait3A_61 : memref<128x128xf32, #tpu.memory_space<vmem_shared>>) dst(%arg9 : memref<128x128xf32, #tpu.memory_space<vmem>>)
      tpu.yield
    }) : () -> ()
    %mul3A_44 = arith.constant 10240 : i32
    %mul3A_45 = arith.muli %arg0, %mul3A_44 : i32
    %add3A_46 = arith.addi %mul3A_45, %mul3A_4 : i32
    %add3A_47 = arith.constant 384 : i32
    %add3A_48 = arith.addi %add3A_46, %add3A_47 : i32
    "tpu.region"() ({
      %run_scoped3A = tpu.sem_alloc : memref<!tpu.dma_semaphore, #tpu.memory_space<semaphore_mem>>
      %dma_start3A = arith.constant 0 : i32
      %dma_start3A_56 = tpu.memref_slice %arg6[%add3A_48, %dma_start3A] : memref<20480x128xf32, #tpu.memory_space<hbm>> -> memref<128x128xf32, #tpu.memory_space<hbm>>
      %dma_start3A_57 = arith.constant 0 : i32
      %dma_start3A_58 = tpu.memref_slice %arg6[%add3A_48, %dma_start3A_57] : memref<20480x128xf32, #tpu.memory_space<hbm>> -> memref<128x128xf32, #tpu.memory_space<hbm>>
      tpu.enqueue_dma source(%arg9 : memref<128x128xf32, #tpu.memory_space<vmem>>) target(%dma_start3A_58 : memref<128x128xf32, #tpu.memory_space<hbm>>) target_semaphore(%run_scoped3A : memref<!tpu.dma_semaphore, #tpu.memory_space<semaphore_mem>>)
      %dma_wait3A = arith.constant 0 : i32
      %dma_wait3A_59 = tpu.memref_slice %arg6[%add3A_48, %dma_wait3A] : memref<20480x128xf32, #tpu.memory_space<hbm>> -> memref<128x128xf32, #tpu.memory_space<hbm>>
      %dma_wait3A_60 = arith.constant 0 : i32
      %dma_wait3A_61 = tpu.memref_slice %arg6[%add3A_48, %dma_wait3A_60] : memref<20480x128xf32, #tpu.memory_space<hbm>> -> memref<128x128xf32, #tpu.memory_space<hbm>>
      tpu.wait_dma2 semaphore(%run_scoped3A : memref<!tpu.dma_semaphore, #tpu.memory_space<semaphore_mem>>) src(%arg9 : memref<128x128xf32, #tpu.memory_space<vmem>>) dst(%dma_wait3A_61 : memref<128x128xf32, #tpu.memory_space<hbm>>)
      tpu.yield
    }) : () -> ()
    %add3A_49 = arith.constant 512 : i32
    %add3A_50 = arith.addi %mul3A_4, %add3A_49 : i32
    "tpu.region"() ({
      %run_scoped3A = tpu.sem_alloc : memref<!tpu.dma_semaphore, #tpu.memory_space<semaphore_mem>>
      %dma_start3A = arith.constant 0 : i32
      %dma_start3A_56 = tpu.memref_slice %arg10[%add3A_50, %dma_start3A] : memref<10240x128xf32, #tpu.memory_space<vmem_shared>> -> memref<128x128xf32, #tpu.memory_space<vmem_shared>>
      %dma_start3A_57 = arith.constant 0 : i32
      %dma_start3A_58 = tpu.memref_slice %arg10[%add3A_50, %dma_start3A_57] : memref<10240x128xf32, #tpu.memory_space<vmem_shared>> -> memref<128x128xf32, #tpu.memory_space<vmem_shared>>
      tpu.enqueue_dma source(%dma_start3A_58 : memref<128x128xf32, #tpu.memory_space<vmem_shared>>) target(%arg9 : memref<128x128xf32, #tpu.memory_space<vmem>>) target_semaphore(%run_scoped3A : memref<!tpu.dma_semaphore, #tpu.memory_space<semaphore_mem>>)
      %dma_wait3A = arith.constant 0 : i32
      %dma_wait3A_59 = tpu.memref_slice %arg10[%add3A_50, %dma_wait3A] : memref<10240x128xf32, #tpu.memory_space<vmem_shared>> -> memref<128x128xf32, #tpu.memory_space<vmem_shared>>
      %dma_wait3A_60 = arith.constant 0 : i32
      %dma_wait3A_61 = tpu.memref_slice %arg10[%add3A_50, %dma_wait3A_60] : memref<10240x128xf32, #tpu.memory_space<vmem_shared>> -> memref<128x128xf32, #tpu.memory_space<vmem_shared>>
      tpu.wait_dma2 semaphore(%run_scoped3A : memref<!tpu.dma_semaphore, #tpu.memory_space<semaphore_mem>>) src(%dma_wait3A_61 : memref<128x128xf32, #tpu.memory_space<vmem_shared>>) dst(%arg9 : memref<128x128xf32, #tpu.memory_space<vmem>>)
      tpu.yield
    }) : () -> ()
    %mul3A_51 = arith.constant 10240 : i32
    %mul3A_52 = arith.muli %arg0, %mul3A_51 : i32
    %add3A_53 = arith.addi %mul3A_52, %mul3A_4 : i32
    %add3A_54 = arith.constant 512 : i32
    %add3A_55 = arith.addi %add3A_53, %add3A_54 : i32
    "tpu.region"() ({
      %run_scoped3A = tpu.sem_alloc : memref<!tpu.dma_semaphore, #tpu.memory_space<semaphore_mem>>
      %dma_start3A = arith.constant 0 : i32
      %dma_start3A_56 = tpu.memref_slice %arg6[%add3A_55, %dma_start3A] : memref<20480x128xf32, #tpu.memory_space<hbm>> -> memref<128x128xf32, #tpu.memory_space<hbm>>
      %dma_start3A_57 = arith.constant 0 : i32
      %dma_start3A_58 = tpu.memref_slice %arg6[%add3A_55, %dma_start3A_57] : memref<20480x128xf32, #tpu.memory_space<hbm>> -> memref<128x128xf32, #tpu.memory_space<hbm>>
      tpu.enqueue_dma source(%arg9 : memref<128x128xf32, #tpu.memory_space<vmem>>) target(%dma_start3A_58 : memref<128x128xf32, #tpu.memory_space<hbm>>) target_semaphore(%run_scoped3A : memref<!tpu.dma_semaphore, #tpu.memory_space<semaphore_mem>>)
      %dma_wait3A = arith.constant 0 : i32
      %dma_wait3A_59 = tpu.memref_slice %arg6[%add3A_55, %dma_wait3A] : memref<20480x128xf32, #tpu.memory_space<hbm>> -> memref<128x128xf32, #tpu.memory_space<hbm>>
      %dma_wait3A_60 = arith.constant 0 : i32
      %dma_wait3A_61 = tpu.memref_slice %arg6[%add3A_55, %dma_wait3A_60] : memref<20480x128xf32, #tpu.memory_space<hbm>> -> memref<128x128xf32, #tpu.memory_space<hbm>>
      tpu.wait_dma2 semaphore(%run_scoped3A : memref<!tpu.dma_semaphore, #tpu.memory_space<semaphore_mem>>) src(%arg9 : memref<128x128xf32, #tpu.memory_space<vmem>>) dst(%dma_wait3A_61 : memref<128x128xf32, #tpu.memory_space<hbm>>)
      tpu.yield
    }) : () -> ()
    return
  }
}

#map = affine_map<(d0, d1) -> (0, 0)>
#map1 = affine_map<(d0, d1) -> (0)>
module attributes {stable_mosaic.version = 14 : i64} {
  func.func @agg(%arg0: i32, %arg1: i32, %arg2: memref<10000x128xf32, #tpu.memory_space<hbm>>, %arg3: memref<323584xi32, #tpu.memory_space<hbm>>, %arg4: memref<323584xi32, #tpu.memory_space<hbm>>, %arg5: memref<128x128xf32, #tpu.memory_space<hbm>>, %arg6: memref<20480x128xf32, #tpu.memory_space<hbm>>, %arg7: memref<128xi32, #tpu.memory_space<vmem>>, %arg8: memref<128xi32, #tpu.memory_space<vmem>>, %arg9: memref<128x128xf32, #tpu.memory_space<vmem>>, %arg10: memref<10240x128xf32, #tpu.memory_space<vmem_shared>>, %arg11: memref<!tpu.dma_semaphore, #tpu.memory_space<semaphore_mem>>) attributes {dimension_semantics = [#tpu.dimension_semantics<core_parallel>, #tpu.dimension_semantics<subcore_parallel>], iteration_bounds = array<i64: 2, 16>, scalar_prefetch = 0 : i64, scratch_operands = 5 : i64, tpu.core_type = #tpu.core_type<sc_vector_subcore>, window_params = [{transform_indices = #map}, {transform_indices = #map1}, {transform_indices = #map1}, {transform_indices = #map}, {transform_indices = #map}]} {
    %mul3A = arith.constant 16 : i32
    %mul3A_0 = arith.muli %arg0, %mul3A : i32
    %add3A = arith.addi %mul3A_0, %arg1 : i32
    %mul3A_1 = arith.constant 10112 : i32
    %mul3A_2 = arith.muli %add3A, %mul3A_1 : i32
    "tpu.region"() ({
      %run_scoped3A = tpu.sem_alloc : memref<!tpu.dma_semaphore, #tpu.memory_space<semaphore_mem>>
      tpu.enqueue_dma source(%arg5 : memref<128x128xf32, #tpu.memory_space<hbm>>) target(%arg9 : memref<128x128xf32, #tpu.memory_space<vmem>>) target_semaphore(%run_scoped3A : memref<!tpu.dma_semaphore, #tpu.memory_space<semaphore_mem>>)
      tpu.wait_dma2 semaphore(%run_scoped3A : memref<!tpu.dma_semaphore, #tpu.memory_space<semaphore_mem>>) src(%arg5 : memref<128x128xf32, #tpu.memory_space<hbm>>) dst(%arg9 : memref<128x128xf32, #tpu.memory_space<vmem>>)
      tpu.yield
    }) : () -> ()
    %mul3A_3 = arith.constant 640 : i32
    %mul3A_4 = arith.muli %arg1, %mul3A_3 : i32
    %add3A_5 = arith.constant 0 : i32
    %add3A_6 = arith.addi %mul3A_4, %add3A_5 : i32
    "tpu.region"() ({
      %run_scoped3A = tpu.sem_alloc : memref<!tpu.dma_semaphore, #tpu.memory_space<semaphore_mem>>
      %dma_start3A = arith.constant 0 : i32
      %dma_start3A_56 = tpu.memref_slice %arg10[%add3A_6, %dma_start3A] : memref<10240x128xf32, #tpu.memory_space<vmem_shared>> -> memref<128x128xf32, #tpu.memory_space<vmem_shared>>
      %dma_start3A_57 = arith.constant 0 : i32
      %dma_start3A_58 = tpu.memref_slice %arg10[%add3A_6, %dma_start3A_57] : memref<10240x128xf32, #tpu.memory_space<vmem_shared>> -> memref<128x128xf32, #tpu.memory_space<vmem_shared>>
      tpu.enqueue_dma source(%arg9 : memref<128x128xf32, #tpu.memory_space<vmem>>) target(%dma_start3A_58 : memref<128x128xf32, #tpu.memory_space<vmem_shared>>) target_semaphore(%run_scoped3A : memref<!tpu.dma_semaphore, #tpu.memory_space<semaphore_mem>>)
      %dma_wait3A = arith.constant 0 : i32
      %dma_wait3A_59 = tpu.memref_slice %arg10[%add3A_6, %dma_wait3A] : memref<10240x128xf32, #tpu.memory_space<vmem_shared>> -> memref<128x128xf32, #tpu.memory_space<vmem_shared>>
      %dma_wait3A_60 = arith.constant 0 : i32
      %dma_wait3A_61 = tpu.memref_slice %arg10[%add3A_6, %dma_wait3A_60] : memref<10240x128xf32, #tpu.memory_space<vmem_shared>> -> memref<128x128xf32, #tpu.memory_space<vmem_shared>>
      tpu.wait_dma2 semaphore(%run_scoped3A : memref<!tpu.dma_semaphore, #tpu.memory_space<semaphore_mem>>) src(%arg9 : memref<128x128xf32, #tpu.memory_space<vmem>>) dst(%dma_wait3A_61 : memref<128x128xf32, #tpu.memory_space<vmem_shared>>)
      tpu.yield
    }) : () -> ()
    %add3A_7 = arith.constant 128 : i32
    %add3A_8 = arith.addi %mul3A_4, %add3A_7 : i32
    "tpu.region"() ({
      %run_scoped3A = tpu.sem_alloc : memref<!tpu.dma_semaphore, #tpu.memory_space<semaphore_mem>>
      %dma_start3A = arith.constant 0 : i32
      %dma_start3A_56 = tpu.memref_slice %arg10[%add3A_8, %dma_start3A] : memref<10240x128xf32, #tpu.memory_space<vmem_shared>> -> memref<128x128xf32, #tpu.memory_space<vmem_shared>>
      %dma_start3A_57 = arith.constant 0 : i32
      %dma_start3A_58 = tpu.memref_slice %arg10[%add3A_8, %dma_start3A_57] : memref<10240x128xf32, #tpu.memory_space<vmem_shared>> -> memref<128x128xf32, #tpu.memory_space<vmem_shared>>
      tpu.enqueue_dma source(%arg9 : memref<128x128xf32, #tpu.memory_space<vmem>>) target(%dma_start3A_58 : memref<128x128xf32, #tpu.memory_space<vmem_shared>>) target_semaphore(%run_scoped3A : memref<!tpu.dma_semaphore, #tpu.memory_space<semaphore_mem>>)
      %dma_wait3A = arith.constant 0 : i32
      %dma_wait3A_59 = tpu.memref_slice %arg10[%add3A_8, %dma_wait3A] : memref<10240x128xf32, #tpu.memory_space<vmem_shared>> -> memref<128x128xf32, #tpu.memory_space<vmem_shared>>
      %dma_wait3A_60 = arith.constant 0 : i32
      %dma_wait3A_61 = tpu.memref_slice %arg10[%add3A_8, %dma_wait3A_60] : memref<10240x128xf32, #tpu.memory_space<vmem_shared>> -> memref<128x128xf32, #tpu.memory_space<vmem_shared>>
      tpu.wait_dma2 semaphore(%run_scoped3A : memref<!tpu.dma_semaphore, #tpu.memory_space<semaphore_mem>>) src(%arg9 : memref<128x128xf32, #tpu.memory_space<vmem>>) dst(%dma_wait3A_61 : memref<128x128xf32, #tpu.memory_space<vmem_shared>>)
      tpu.yield
    }) : () -> ()
    %add3A_9 = arith.constant 256 : i32
    %add3A_10 = arith.addi %mul3A_4, %add3A_9 : i32
    "tpu.region"() ({
      %run_scoped3A = tpu.sem_alloc : memref<!tpu.dma_semaphore, #tpu.memory_space<semaphore_mem>>
      %dma_start3A = arith.constant 0 : i32
      %dma_start3A_56 = tpu.memref_slice %arg10[%add3A_10, %dma_start3A] : memref<10240x128xf32, #tpu.memory_space<vmem_shared>> -> memref<128x128xf32, #tpu.memory_space<vmem_shared>>
      %dma_start3A_57 = arith.constant 0 : i32
      %dma_start3A_58 = tpu.memref_slice %arg10[%add3A_10, %dma_start3A_57] : memref<10240x128xf32, #tpu.memory_space<vmem_shared>> -> memref<128x128xf32, #tpu.memory_space<vmem_shared>>
      tpu.enqueue_dma source(%arg9 : memref<128x128xf32, #tpu.memory_space<vmem>>) target(%dma_start3A_58 : memref<128x128xf32, #tpu.memory_space<vmem_shared>>) target_semaphore(%run_scoped3A : memref<!tpu.dma_semaphore, #tpu.memory_space<semaphore_mem>>)
      %dma_wait3A = arith.constant 0 : i32
      %dma_wait3A_59 = tpu.memref_slice %arg10[%add3A_10, %dma_wait3A] : memref<10240x128xf32, #tpu.memory_space<vmem_shared>> -> memref<128x128xf32, #tpu.memory_space<vmem_shared>>
      %dma_wait3A_60 = arith.constant 0 : i32
      %dma_wait3A_61 = tpu.memref_slice %arg10[%add3A_10, %dma_wait3A_60] : memref<10240x128xf32, #tpu.memory_space<vmem_shared>> -> memref<128x128xf32, #tpu.memory_space<vmem_shared>>
      tpu.wait_dma2 semaphore(%run_scoped3A : memref<!tpu.dma_semaphore, #tpu.memory_space<semaphore_mem>>) src(%arg9 : memref<128x128xf32, #tpu.memory_space<vmem>>) dst(%dma_wait3A_61 : memref<128x128xf32, #tpu.memory_space<vmem_shared>>)
      tpu.yield
    }) : () -> ()
    %add3A_11 = arith.constant 384 : i32
    %add3A_12 = arith.addi %mul3A_4, %add3A_11 : i32
    "tpu.region"() ({
      %run_scoped3A = tpu.sem_alloc : memref<!tpu.dma_semaphore, #tpu.memory_space<semaphore_mem>>
      %dma_start3A = arith.constant 0 : i32
      %dma_start3A_56 = tpu.memref_slice %arg10[%add3A_12, %dma_start3A] : memref<10240x128xf32, #tpu.memory_space<vmem_shared>> -> memref<128x128xf32, #tpu.memory_space<vmem_shared>>
      %dma_start3A_57 = arith.constant 0 : i32
      %dma_start3A_58 = tpu.memref_slice %arg10[%add3A_12, %dma_start3A_57] : memref<10240x128xf32, #tpu.memory_space<vmem_shared>> -> memref<128x128xf32, #tpu.memory_space<vmem_shared>>
      tpu.enqueue_dma source(%arg9 : memref<128x128xf32, #tpu.memory_space<vmem>>) target(%dma_start3A_58 : memref<128x128xf32, #tpu.memory_space<vmem_shared>>) target_semaphore(%run_scoped3A : memref<!tpu.dma_semaphore, #tpu.memory_space<semaphore_mem>>)
      %dma_wait3A = arith.constant 0 : i32
      %dma_wait3A_59 = tpu.memref_slice %arg10[%add3A_12, %dma_wait3A] : memref<10240x128xf32, #tpu.memory_space<vmem_shared>> -> memref<128x128xf32, #tpu.memory_space<vmem_shared>>
      %dma_wait3A_60 = arith.constant 0 : i32
      %dma_wait3A_61 = tpu.memref_slice %arg10[%add3A_12, %dma_wait3A_60] : memref<10240x128xf32, #tpu.memory_space<vmem_shared>> -> memref<128x128xf32, #tpu.memory_space<vmem_shared>>
      tpu.wait_dma2 semaphore(%run_scoped3A : memref<!tpu.dma_semaphore, #tpu.memory_space<semaphore_mem>>) src(%arg9 : memref<128x128xf32, #tpu.memory_space<vmem>>) dst(%dma_wait3A_61 : memref<128x128xf32, #tpu.memory_space<vmem_shared>>)
      tpu.yield
    }) : () -> ()
    %add3A_13 = arith.constant 512 : i32
    %add3A_14 = arith.addi %mul3A_4, %add3A_13 : i32
    "tpu.region"() ({
      %run_scoped3A = tpu.sem_alloc : memref<!tpu.dma_semaphore, #tpu.memory_space<semaphore_mem>>
      %dma_start3A = arith.constant 0 : i32
      %dma_start3A_56 = tpu.memref_slice %arg10[%add3A_14, %dma_start3A] : memref<10240x128xf32, #tpu.memory_space<vmem_shared>> -> memref<128x128xf32, #tpu.memory_space<vmem_shared>>
      %dma_start3A_57 = arith.constant 0 : i32
      %dma_start3A_58 = tpu.memref_slice %arg10[%add3A_14, %dma_start3A_57] : memref<10240x128xf32, #tpu.memory_space<vmem_shared>> -> memref<128x128xf32, #tpu.memory_space<vmem_shared>>
      tpu.enqueue_dma source(%arg9 : memref<128x128xf32, #tpu.memory_space<vmem>>) target(%dma_start3A_58 : memref<128x128xf32, #tpu.memory_space<vmem_shared>>) target_semaphore(%run_scoped3A : memref<!tpu.dma_semaphore, #tpu.memory_space<semaphore_mem>>)
      %dma_wait3A = arith.constant 0 : i32
      %dma_wait3A_59 = tpu.memref_slice %arg10[%add3A_14, %dma_wait3A] : memref<10240x128xf32, #tpu.memory_space<vmem_shared>> -> memref<128x128xf32, #tpu.memory_space<vmem_shared>>
      %dma_wait3A_60 = arith.constant 0 : i32
      %dma_wait3A_61 = tpu.memref_slice %arg10[%add3A_14, %dma_wait3A_60] : memref<10240x128xf32, #tpu.memory_space<vmem_shared>> -> memref<128x128xf32, #tpu.memory_space<vmem_shared>>
      tpu.wait_dma2 semaphore(%run_scoped3A : memref<!tpu.dma_semaphore, #tpu.memory_space<semaphore_mem>>) src(%arg9 : memref<128x128xf32, #tpu.memory_space<vmem>>) dst(%dma_wait3A_61 : memref<128x128xf32, #tpu.memory_space<vmem_shared>>)
      tpu.yield
    }) : () -> ()
    %barrier3A = arith.constant 0 : index
    tpu.barrier barrier_id(%barrier3A)
    %scan3A = arith.constant 0 : i32
    %scan3A_15 = arith.constant 0 : i32
    %scan3A_16 = arith.constant 79 : i32
    %scan3A_17 = arith.addi %scan3A_15, %scan3A_16 : i32
    %scan3A_18 = arith.constant 1 : i32
    scf.for %scan3A_56 = %scan3A_15 to %scan3A_17 step %scan3A_18  : i32 {
      %mul3A_57 = arith.constant 128 : i32
      %mul3A_58 = arith.muli %scan3A_56, %mul3A_57 : i32
      %add3A_59 = arith.addi %mul3A_2, %mul3A_58 : i32
      "tpu.region"() ({
        %run_scoped3A = tpu.sem_alloc : memref<!tpu.dma_semaphore, #tpu.memory_space<semaphore_mem>>
        %dma_start3A_64 = tpu.memref_slice %arg3[%add3A_59] : memref<323584xi32, #tpu.memory_space<hbm>> -> memref<128xi32, #tpu.memory_space<hbm>>
        %dma_start3A_65 = tpu.memref_slice %arg3[%add3A_59] : memref<323584xi32, #tpu.memory_space<hbm>> -> memref<128xi32, #tpu.memory_space<hbm>>
        tpu.enqueue_dma source(%dma_start3A_65 : memref<128xi32, #tpu.memory_space<hbm>>) target(%arg7 : memref<128xi32, #tpu.memory_space<vmem>>) target_semaphore(%run_scoped3A : memref<!tpu.dma_semaphore, #tpu.memory_space<semaphore_mem>>)
        %dma_wait3A_66 = tpu.memref_slice %arg3[%add3A_59] : memref<323584xi32, #tpu.memory_space<hbm>> -> memref<128xi32, #tpu.memory_space<hbm>>
        %dma_wait3A_67 = tpu.memref_slice %arg3[%add3A_59] : memref<323584xi32, #tpu.memory_space<hbm>> -> memref<128xi32, #tpu.memory_space<hbm>>
        tpu.wait_dma2 semaphore(%run_scoped3A : memref<!tpu.dma_semaphore, #tpu.memory_space<semaphore_mem>>) src(%dma_wait3A_67 : memref<128xi32, #tpu.memory_space<hbm>>) dst(%arg7 : memref<128xi32, #tpu.memory_space<vmem>>)
        tpu.yield
      }) : () -> ()
      "tpu.region"() ({
        %run_scoped3A = tpu.sem_alloc : memref<!tpu.dma_semaphore, #tpu.memory_space<semaphore_mem>>
        %dma_start3A_64 = tpu.memref_slice %arg4[%add3A_59] : memref<323584xi32, #tpu.memory_space<hbm>> -> memref<128xi32, #tpu.memory_space<hbm>>
        %dma_start3A_65 = tpu.memref_slice %arg4[%add3A_59] : memref<323584xi32, #tpu.memory_space<hbm>> -> memref<128xi32, #tpu.memory_space<hbm>>
        tpu.enqueue_dma source(%dma_start3A_65 : memref<128xi32, #tpu.memory_space<hbm>>) target(%arg8 : memref<128xi32, #tpu.memory_space<vmem>>) target_semaphore(%run_scoped3A : memref<!tpu.dma_semaphore, #tpu.memory_space<semaphore_mem>>)
        %dma_wait3A_66 = tpu.memref_slice %arg4[%add3A_59] : memref<323584xi32, #tpu.memory_space<hbm>> -> memref<128xi32, #tpu.memory_space<hbm>>
        %dma_wait3A_67 = tpu.memref_slice %arg4[%add3A_59] : memref<323584xi32, #tpu.memory_space<hbm>> -> memref<128xi32, #tpu.memory_space<hbm>>
        tpu.wait_dma2 semaphore(%run_scoped3A : memref<!tpu.dma_semaphore, #tpu.memory_space<semaphore_mem>>) src(%dma_wait3A_67 : memref<128xi32, #tpu.memory_space<hbm>>) dst(%arg8 : memref<128xi32, #tpu.memory_space<vmem>>)
        tpu.yield
      }) : () -> ()
      %dma_start3A = arith.constant 0 : i32
      %dma_start3A_60 = arith.constant 0 : i32
      %dma_start3A_61 = tpu.memref_slice %arg2[%dma_start3A, %dma_start3A_60] : memref<10000x128xf32, #tpu.memory_space<hbm>> -> memref<10000x128xf32, #tpu.memory_space<hbm>>
      tpu.enqueue_indirect_dma source(%dma_start3A_61 : memref<10000x128xf32, #tpu.memory_space<hbm>>) target(%arg9 : memref<128x128xf32, #tpu.memory_space<vmem>>) offsets(%arg7 : memref<128xi32, #tpu.memory_space<vmem>>) semaphore(%arg11 : memref<!tpu.dma_semaphore, #tpu.memory_space<semaphore_mem>>)
      %dma_wait3A = arith.constant 0 : i32
      %dma_wait3A_62 = arith.constant 0 : i32
      %dma_wait3A_63 = tpu.memref_slice %arg2[%dma_wait3A, %dma_wait3A_62] : memref<10000x128xf32, #tpu.memory_space<hbm>> -> memref<10000x128xf32, #tpu.memory_space<hbm>>
      tpu.wait_indirect_dma semaphore(%arg11 : memref<!tpu.dma_semaphore, #tpu.memory_space<semaphore_mem>>) src(%dma_wait3A_63 : memref<10000x128xf32, #tpu.memory_space<hbm>>) dst(%arg9 : memref<128x128xf32, #tpu.memory_space<vmem>>)
      "tpu.region"() ({
        %run_scoped3A = tpu.sem_alloc : memref<!tpu.dma_semaphore, #tpu.memory_space<semaphore_mem>>
        %dma_start3A_64 = arith.constant 0 : i32
        %dma_start3A_65 = arith.constant 0 : i32
        %dma_start3A_66 = tpu.memref_slice %arg10[%dma_start3A_64, %dma_start3A_65] : memref<10240x128xf32, #tpu.memory_space<vmem_shared>> -> memref<10240x128xf32, #tpu.memory_space<vmem_shared>>
        tpu.enqueue_indirect_dma source(%arg9 : memref<128x128xf32, #tpu.memory_space<vmem>>) target(%dma_start3A_66 : memref<10240x128xf32, #tpu.memory_space<vmem_shared>>) offsets(%arg8 : memref<128xi32, #tpu.memory_space<vmem>>) semaphore(%run_scoped3A : memref<!tpu.dma_semaphore, #tpu.memory_space<semaphore_mem>>) {add = true}
        %dma_wait3A_67 = arith.constant 0 : i32
        %dma_wait3A_68 = arith.constant 0 : i32
        %dma_wait3A_69 = tpu.memref_slice %arg10[%dma_wait3A_67, %dma_wait3A_68] : memref<10240x128xf32, #tpu.memory_space<vmem_shared>> -> memref<10240x128xf32, #tpu.memory_space<vmem_shared>>
        tpu.wait_indirect_dma semaphore(%run_scoped3A : memref<!tpu.dma_semaphore, #tpu.memory_space<semaphore_mem>>) src(%arg9 : memref<128x128xf32, #tpu.memory_space<vmem>>) dst(%dma_wait3A_69 : memref<10240x128xf32, #tpu.memory_space<vmem_shared>>)
        tpu.yield
      }) : () -> ()
    }
    %scan3A_19 = arith.constant 79 : i32
    %barrier3A_20 = arith.constant 0 : index
    tpu.barrier barrier_id(%barrier3A_20)
    %add3A_21 = arith.constant 0 : i32
    %add3A_22 = arith.addi %mul3A_4, %add3A_21 : i32
    "tpu.region"() ({
      %run_scoped3A = tpu.sem_alloc : memref<!tpu.dma_semaphore, #tpu.memory_space<semaphore_mem>>
      %dma_start3A = arith.constant 0 : i32
      %dma_start3A_56 = tpu.memref_slice %arg10[%add3A_22, %dma_start3A] : memref<10240x128xf32, #tpu.memory_space<vmem_shared>> -> memref<128x128xf32, #tpu.memory_space<vmem_shared>>
      %dma_start3A_57 = arith.constant 0 : i32
      %dma_start3A_58 = tpu.memref_slice %arg10[%add3A_22, %dma_start3A_57] : memref<10240x128xf32, #tpu.memory_space<vmem_shared>> -> memref<128x128xf32, #tpu.memory_space<vmem_shared>>
      tpu.enqueue_dma source(%dma_start3A_58 : memref<128x128xf32, #tpu.memory_space<vmem_shared>>) target(%arg9 : memref<128x128xf32, #tpu.memory_space<vmem>>) target_semaphore(%run_scoped3A : memref<!tpu.dma_semaphore, #tpu.memory_space<semaphore_mem>>)
      %dma_wait3A = arith.constant 0 : i32
      %dma_wait3A_59 = tpu.memref_slice %arg10[%add3A_22, %dma_wait3A] : memref<10240x128xf32, #tpu.memory_space<vmem_shared>> -> memref<128x128xf32, #tpu.memory_space<vmem_shared>>
      %dma_wait3A_60 = arith.constant 0 : i32
      %dma_wait3A_61 = tpu.memref_slice %arg10[%add3A_22, %dma_wait3A_60] : memref<10240x128xf32, #tpu.memory_space<vmem_shared>> -> memref<128x128xf32, #tpu.memory_space<vmem_shared>>
      tpu.wait_dma2 semaphore(%run_scoped3A : memref<!tpu.dma_semaphore, #tpu.memory_space<semaphore_mem>>) src(%dma_wait3A_61 : memref<128x128xf32, #tpu.memory_space<vmem_shared>>) dst(%arg9 : memref<128x128xf32, #tpu.memory_space<vmem>>)
      tpu.yield
    }) : () -> ()
    %mul3A_23 = arith.constant 10240 : i32
    %mul3A_24 = arith.muli %arg0, %mul3A_23 : i32
    %add3A_25 = arith.addi %mul3A_24, %mul3A_4 : i32
    %add3A_26 = arith.constant 0 : i32
    %add3A_27 = arith.addi %add3A_25, %add3A_26 : i32
    "tpu.region"() ({
      %run_scoped3A = tpu.sem_alloc : memref<!tpu.dma_semaphore, #tpu.memory_space<semaphore_mem>>
      %dma_start3A = arith.constant 0 : i32
      %dma_start3A_56 = tpu.memref_slice %arg6[%add3A_27, %dma_start3A] : memref<20480x128xf32, #tpu.memory_space<hbm>> -> memref<128x128xf32, #tpu.memory_space<hbm>>
      %dma_start3A_57 = arith.constant 0 : i32
      %dma_start3A_58 = tpu.memref_slice %arg6[%add3A_27, %dma_start3A_57] : memref<20480x128xf32, #tpu.memory_space<hbm>> -> memref<128x128xf32, #tpu.memory_space<hbm>>
      tpu.enqueue_dma source(%arg9 : memref<128x128xf32, #tpu.memory_space<vmem>>) target(%dma_start3A_58 : memref<128x128xf32, #tpu.memory_space<hbm>>) target_semaphore(%run_scoped3A : memref<!tpu.dma_semaphore, #tpu.memory_space<semaphore_mem>>)
      %dma_wait3A = arith.constant 0 : i32
      %dma_wait3A_59 = tpu.memref_slice %arg6[%add3A_27, %dma_wait3A] : memref<20480x128xf32, #tpu.memory_space<hbm>> -> memref<128x128xf32, #tpu.memory_space<hbm>>
      %dma_wait3A_60 = arith.constant 0 : i32
      %dma_wait3A_61 = tpu.memref_slice %arg6[%add3A_27, %dma_wait3A_60] : memref<20480x128xf32, #tpu.memory_space<hbm>> -> memref<128x128xf32, #tpu.memory_space<hbm>>
      tpu.wait_dma2 semaphore(%run_scoped3A : memref<!tpu.dma_semaphore, #tpu.memory_space<semaphore_mem>>) src(%arg9 : memref<128x128xf32, #tpu.memory_space<vmem>>) dst(%dma_wait3A_61 : memref<128x128xf32, #tpu.memory_space<hbm>>)
      tpu.yield
    }) : () -> ()
    %add3A_28 = arith.constant 128 : i32
    %add3A_29 = arith.addi %mul3A_4, %add3A_28 : i32
    "tpu.region"() ({
      %run_scoped3A = tpu.sem_alloc : memref<!tpu.dma_semaphore, #tpu.memory_space<semaphore_mem>>
      %dma_start3A = arith.constant 0 : i32
      %dma_start3A_56 = tpu.memref_slice %arg10[%add3A_29, %dma_start3A] : memref<10240x128xf32, #tpu.memory_space<vmem_shared>> -> memref<128x128xf32, #tpu.memory_space<vmem_shared>>
      %dma_start3A_57 = arith.constant 0 : i32
      %dma_start3A_58 = tpu.memref_slice %arg10[%add3A_29, %dma_start3A_57] : memref<10240x128xf32, #tpu.memory_space<vmem_shared>> -> memref<128x128xf32, #tpu.memory_space<vmem_shared>>
      tpu.enqueue_dma source(%dma_start3A_58 : memref<128x128xf32, #tpu.memory_space<vmem_shared>>) target(%arg9 : memref<128x128xf32, #tpu.memory_space<vmem>>) target_semaphore(%run_scoped3A : memref<!tpu.dma_semaphore, #tpu.memory_space<semaphore_mem>>)
      %dma_wait3A = arith.constant 0 : i32
      %dma_wait3A_59 = tpu.memref_slice %arg10[%add3A_29, %dma_wait3A] : memref<10240x128xf32, #tpu.memory_space<vmem_shared>> -> memref<128x128xf32, #tpu.memory_space<vmem_shared>>
      %dma_wait3A_60 = arith.constant 0 : i32
      %dma_wait3A_61 = tpu.memref_slice %arg10[%add3A_29, %dma_wait3A_60] : memref<10240x128xf32, #tpu.memory_space<vmem_shared>> -> memref<128x128xf32, #tpu.memory_space<vmem_shared>>
      tpu.wait_dma2 semaphore(%run_scoped3A : memref<!tpu.dma_semaphore, #tpu.memory_space<semaphore_mem>>) src(%dma_wait3A_61 : memref<128x128xf32, #tpu.memory_space<vmem_shared>>) dst(%arg9 : memref<128x128xf32, #tpu.memory_space<vmem>>)
      tpu.yield
    }) : () -> ()
    %mul3A_30 = arith.constant 10240 : i32
    %mul3A_31 = arith.muli %arg0, %mul3A_30 : i32
    %add3A_32 = arith.addi %mul3A_31, %mul3A_4 : i32
    %add3A_33 = arith.constant 128 : i32
    %add3A_34 = arith.addi %add3A_32, %add3A_33 : i32
    "tpu.region"() ({
      %run_scoped3A = tpu.sem_alloc : memref<!tpu.dma_semaphore, #tpu.memory_space<semaphore_mem>>
      %dma_start3A = arith.constant 0 : i32
      %dma_start3A_56 = tpu.memref_slice %arg6[%add3A_34, %dma_start3A] : memref<20480x128xf32, #tpu.memory_space<hbm>> -> memref<128x128xf32, #tpu.memory_space<hbm>>
      %dma_start3A_57 = arith.constant 0 : i32
      %dma_start3A_58 = tpu.memref_slice %arg6[%add3A_34, %dma_start3A_57] : memref<20480x128xf32, #tpu.memory_space<hbm>> -> memref<128x128xf32, #tpu.memory_space<hbm>>
      tpu.enqueue_dma source(%arg9 : memref<128x128xf32, #tpu.memory_space<vmem>>) target(%dma_start3A_58 : memref<128x128xf32, #tpu.memory_space<hbm>>) target_semaphore(%run_scoped3A : memref<!tpu.dma_semaphore, #tpu.memory_space<semaphore_mem>>)
      %dma_wait3A = arith.constant 0 : i32
      %dma_wait3A_59 = tpu.memref_slice %arg6[%add3A_34, %dma_wait3A] : memref<20480x128xf32, #tpu.memory_space<hbm>> -> memref<128x128xf32, #tpu.memory_space<hbm>>
      %dma_wait3A_60 = arith.constant 0 : i32
      %dma_wait3A_61 = tpu.memref_slice %arg6[%add3A_34, %dma_wait3A_60] : memref<20480x128xf32, #tpu.memory_space<hbm>> -> memref<128x128xf32, #tpu.memory_space<hbm>>
      tpu.wait_dma2 semaphore(%run_scoped3A : memref<!tpu.dma_semaphore, #tpu.memory_space<semaphore_mem>>) src(%arg9 : memref<128x128xf32, #tpu.memory_space<vmem>>) dst(%dma_wait3A_61 : memref<128x128xf32, #tpu.memory_space<hbm>>)
      tpu.yield
    }) : () -> ()
    %add3A_35 = arith.constant 256 : i32
    %add3A_36 = arith.addi %mul3A_4, %add3A_35 : i32
    "tpu.region"() ({
      %run_scoped3A = tpu.sem_alloc : memref<!tpu.dma_semaphore, #tpu.memory_space<semaphore_mem>>
      %dma_start3A = arith.constant 0 : i32
      %dma_start3A_56 = tpu.memref_slice %arg10[%add3A_36, %dma_start3A] : memref<10240x128xf32, #tpu.memory_space<vmem_shared>> -> memref<128x128xf32, #tpu.memory_space<vmem_shared>>
      %dma_start3A_57 = arith.constant 0 : i32
      %dma_start3A_58 = tpu.memref_slice %arg10[%add3A_36, %dma_start3A_57] : memref<10240x128xf32, #tpu.memory_space<vmem_shared>> -> memref<128x128xf32, #tpu.memory_space<vmem_shared>>
      tpu.enqueue_dma source(%dma_start3A_58 : memref<128x128xf32, #tpu.memory_space<vmem_shared>>) target(%arg9 : memref<128x128xf32, #tpu.memory_space<vmem>>) target_semaphore(%run_scoped3A : memref<!tpu.dma_semaphore, #tpu.memory_space<semaphore_mem>>)
      %dma_wait3A = arith.constant 0 : i32
      %dma_wait3A_59 = tpu.memref_slice %arg10[%add3A_36, %dma_wait3A] : memref<10240x128xf32, #tpu.memory_space<vmem_shared>> -> memref<128x128xf32, #tpu.memory_space<vmem_shared>>
      %dma_wait3A_60 = arith.constant 0 : i32
      %dma_wait3A_61 = tpu.memref_slice %arg10[%add3A_36, %dma_wait3A_60] : memref<10240x128xf32, #tpu.memory_space<vmem_shared>> -> memref<128x128xf32, #tpu.memory_space<vmem_shared>>
      tpu.wait_dma2 semaphore(%run_scoped3A : memref<!tpu.dma_semaphore, #tpu.memory_space<semaphore_mem>>) src(%dma_wait3A_61 : memref<128x128xf32, #tpu.memory_space<vmem_shared>>) dst(%arg9 : memref<128x128xf32, #tpu.memory_space<vmem>>)
      tpu.yield
    }) : () -> ()
    %mul3A_37 = arith.constant 10240 : i32
    %mul3A_38 = arith.muli %arg0, %mul3A_37 : i32
    %add3A_39 = arith.addi %mul3A_38, %mul3A_4 : i32
    %add3A_40 = arith.constant 256 : i32
    %add3A_41 = arith.addi %add3A_39, %add3A_40 : i32
    "tpu.region"() ({
      %run_scoped3A = tpu.sem_alloc : memref<!tpu.dma_semaphore, #tpu.memory_space<semaphore_mem>>
      %dma_start3A = arith.constant 0 : i32
      %dma_start3A_56 = tpu.memref_slice %arg6[%add3A_41, %dma_start3A] : memref<20480x128xf32, #tpu.memory_space<hbm>> -> memref<128x128xf32, #tpu.memory_space<hbm>>
      %dma_start3A_57 = arith.constant 0 : i32
      %dma_start3A_58 = tpu.memref_slice %arg6[%add3A_41, %dma_start3A_57] : memref<20480x128xf32, #tpu.memory_space<hbm>> -> memref<128x128xf32, #tpu.memory_space<hbm>>
      tpu.enqueue_dma source(%arg9 : memref<128x128xf32, #tpu.memory_space<vmem>>) target(%dma_start3A_58 : memref<128x128xf32, #tpu.memory_space<hbm>>) target_semaphore(%run_scoped3A : memref<!tpu.dma_semaphore, #tpu.memory_space<semaphore_mem>>)
      %dma_wait3A = arith.constant 0 : i32
      %dma_wait3A_59 = tpu.memref_slice %arg6[%add3A_41, %dma_wait3A] : memref<20480x128xf32, #tpu.memory_space<hbm>> -> memref<128x128xf32, #tpu.memory_space<hbm>>
      %dma_wait3A_60 = arith.constant 0 : i32
      %dma_wait3A_61 = tpu.memref_slice %arg6[%add3A_41, %dma_wait3A_60] : memref<20480x128xf32, #tpu.memory_space<hbm>> -> memref<128x128xf32, #tpu.memory_space<hbm>>
      tpu.wait_dma2 semaphore(%run_scoped3A : memref<!tpu.dma_semaphore, #tpu.memory_space<semaphore_mem>>) src(%arg9 : memref<128x128xf32, #tpu.memory_space<vmem>>) dst(%dma_wait3A_61 : memref<128x128xf32, #tpu.memory_space<hbm>>)
      tpu.yield
    }) : () -> ()
    %add3A_42 = arith.constant 384 : i32
    %add3A_43 = arith.addi %mul3A_4, %add3A_42 : i32
    "tpu.region"() ({
      %run_scoped3A = tpu.sem_alloc : memref<!tpu.dma_semaphore, #tpu.memory_space<semaphore_mem>>
      %dma_start3A = arith.constant 0 : i32
      %dma_start3A_56 = tpu.memref_slice %arg10[%add3A_43, %dma_start3A] : memref<10240x128xf32, #tpu.memory_space<vmem_shared>> -> memref<128x128xf32, #tpu.memory_space<vmem_shared>>
      %dma_start3A_57 = arith.constant 0 : i32
      %dma_start3A_58 = tpu.memref_slice %arg10[%add3A_43, %dma_start3A_57] : memref<10240x128xf32, #tpu.memory_space<vmem_shared>> -> memref<128x128xf32, #tpu.memory_space<vmem_shared>>
      tpu.enqueue_dma source(%dma_start3A_58 : memref<128x128xf32, #tpu.memory_space<vmem_shared>>) target(%arg9 : memref<128x128xf32, #tpu.memory_space<vmem>>) target_semaphore(%run_scoped3A : memref<!tpu.dma_semaphore, #tpu.memory_space<semaphore_mem>>)
      %dma_wait3A = arith.constant 0 : i32
      %dma_wait3A_59 = tpu.memref_slice %arg10[%add3A_43, %dma_wait3A] : memref<10240x128xf32, #tpu.memory_space<vmem_shared>> -> memref<128x128xf32, #tpu.memory_space<vmem_shared>>
      %dma_wait3A_60 = arith.constant 0 : i32
      %dma_wait3A_61 = tpu.memref_slice %arg10[%add3A_43, %dma_wait3A_60] : memref<10240x128xf32, #tpu.memory_space<vmem_shared>> -> memref<128x128xf32, #tpu.memory_space<vmem_shared>>
      tpu.wait_dma2 semaphore(%run_scoped3A : memref<!tpu.dma_semaphore, #tpu.memory_space<semaphore_mem>>) src(%dma_wait3A_61 : memref<128x128xf32, #tpu.memory_space<vmem_shared>>) dst(%arg9 : memref<128x128xf32, #tpu.memory_space<vmem>>)
      tpu.yield
    }) : () -> ()
    %mul3A_44 = arith.constant 10240 : i32
    %mul3A_45 = arith.muli %arg0, %mul3A_44 : i32
    %add3A_46 = arith.addi %mul3A_45, %mul3A_4 : i32
    %add3A_47 = arith.constant 384 : i32
    %add3A_48 = arith.addi %add3A_46, %add3A_47 : i32
    "tpu.region"() ({
      %run_scoped3A = tpu.sem_alloc : memref<!tpu.dma_semaphore, #tpu.memory_space<semaphore_mem>>
      %dma_start3A = arith.constant 0 : i32
      %dma_start3A_56 = tpu.memref_slice %arg6[%add3A_48, %dma_start3A] : memref<20480x128xf32, #tpu.memory_space<hbm>> -> memref<128x128xf32, #tpu.memory_space<hbm>>
      %dma_start3A_57 = arith.constant 0 : i32
      %dma_start3A_58 = tpu.memref_slice %arg6[%add3A_48, %dma_start3A_57] : memref<20480x128xf32, #tpu.memory_space<hbm>> -> memref<128x128xf32, #tpu.memory_space<hbm>>
      tpu.enqueue_dma source(%arg9 : memref<128x128xf32, #tpu.memory_space<vmem>>) target(%dma_start3A_58 : memref<128x128xf32, #tpu.memory_space<hbm>>) target_semaphore(%run_scoped3A : memref<!tpu.dma_semaphore, #tpu.memory_space<semaphore_mem>>)
      %dma_wait3A = arith.constant 0 : i32
      %dma_wait3A_59 = tpu.memref_slice %arg6[%add3A_48, %dma_wait3A] : memref<20480x128xf32, #tpu.memory_space<hbm>> -> memref<128x128xf32, #tpu.memory_space<hbm>>
      %dma_wait3A_60 = arith.constant 0 : i32
      %dma_wait3A_61 = tpu.memref_slice %arg6[%add3A_48, %dma_wait3A_60] : memref<20480x128xf32, #tpu.memory_space<hbm>> -> memref<128x128xf32, #tpu.memory_space<hbm>>
      tpu.wait_dma2 semaphore(%run_scoped3A : memref<!tpu.dma_semaphore, #tpu.memory_space<semaphore_mem>>) src(%arg9 : memref<128x128xf32, #tpu.memory_space<vmem>>) dst(%dma_wait3A_61 : memref<128x128xf32, #tpu.memory_space<hbm>>)
      tpu.yield
    }) : () -> ()
    %add3A_49 = arith.constant 512 : i32
    %add3A_50 = arith.addi %mul3A_4, %add3A_49 : i32
    "tpu.region"() ({
      %run_scoped3A = tpu.sem_alloc : memref<!tpu.dma_semaphore, #tpu.memory_space<semaphore_mem>>
      %dma_start3A = arith.constant 0 : i32
      %dma_start3A_56 = tpu.memref_slice %arg10[%add3A_50, %dma_start3A] : memref<10240x128xf32, #tpu.memory_space<vmem_shared>> -> memref<128x128xf32, #tpu.memory_space<vmem_shared>>
      %dma_start3A_57 = arith.constant 0 : i32
      %dma_start3A_58 = tpu.memref_slice %arg10[%add3A_50, %dma_start3A_57] : memref<10240x128xf32, #tpu.memory_space<vmem_shared>> -> memref<128x128xf32, #tpu.memory_space<vmem_shared>>
      tpu.enqueue_dma source(%dma_start3A_58 : memref<128x128xf32, #tpu.memory_space<vmem_shared>>) target(%arg9 : memref<128x128xf32, #tpu.memory_space<vmem>>) target_semaphore(%run_scoped3A : memref<!tpu.dma_semaphore, #tpu.memory_space<semaphore_mem>>)
      %dma_wait3A = arith.constant 0 : i32
      %dma_wait3A_59 = tpu.memref_slice %arg10[%add3A_50, %dma_wait3A] : memref<10240x128xf32, #tpu.memory_space<vmem_shared>> -> memref<128x128xf32, #tpu.memory_space<vmem_shared>>
      %dma_wait3A_60 = arith.constant 0 : i32
      %dma_wait3A_61 = tpu.memref_slice %arg10[%add3A_50, %dma_wait3A_60] : memref<10240x128xf32, #tpu.memory_space<vmem_shared>> -> memref<128x128xf32, #tpu.memory_space<vmem_shared>>
      tpu.wait_dma2 semaphore(%run_scoped3A : memref<!tpu.dma_semaphore, #tpu.memory_space<semaphore_mem>>) src(%dma_wait3A_61 : memref<128x128xf32, #tpu.memory_space<vmem_shared>>) dst(%arg9 : memref<128x128xf32, #tpu.memory_space<vmem>>)
      tpu.yield
    }) : () -> ()
    %mul3A_51 = arith.constant 10240 : i32
    %mul3A_52 = arith.muli %arg0, %mul3A_51 : i32
    %add3A_53 = arith.addi %mul3A_52, %mul3A_4 : i32
    %add3A_54 = arith.constant 512 : i32
    %add3A_55 = arith.addi %add3A_53, %add3A_54 : i32
    "tpu.region"() ({
      %run_scoped3A = tpu.sem_alloc : memref<!tpu.dma_semaphore, #tpu.memory_space<semaphore_mem>>
      %dma_start3A = arith.constant 0 : i32
      %dma_start3A_56 = tpu.memref_slice %arg6[%add3A_55, %dma_start3A] : memref<20480x128xf32, #tpu.memory_space<hbm>> -> memref<128x128xf32, #tpu.memory_space<hbm>>
      %dma_start3A_57 = arith.constant 0 : i32
      %dma_start3A_58 = tpu.memref_slice %arg6[%add3A_55, %dma_start3A_57] : memref<20480x128xf32, #tpu.memory_space<hbm>> -> memref<128x128xf32, #tpu.memory_space<hbm>>
      tpu.enqueue_dma source(%arg9 : memref<128x128xf32, #tpu.memory_space<vmem>>) target(%dma_start3A_58 : memref<128x128xf32, #tpu.memory_space<hbm>>) target_semaphore(%run_scoped3A : memref<!tpu.dma_semaphore, #tpu.memory_space<semaphore_mem>>)
      %dma_wait3A = arith.constant 0 : i32
      %dma_wait3A_59 = tpu.memref_slice %arg6[%add3A_55, %dma_wait3A] : memref<20480x128xf32, #tpu.memory_space<hbm>> -> memref<128x128xf32, #tpu.memory_space<hbm>>
      %dma_wait3A_60 = arith.constant 0 : i32
      %dma_wait3A_61 = tpu.memref_slice %arg6[%add3A_55, %dma_wait3A_60] : memref<20480x128xf32, #tpu.memory_space<hbm>> -> memref<128x128xf32, #tpu.memory_space<hbm>>
      tpu.wait_dma2 semaphore(%run_scoped3A : memref<!tpu.dma_semaphore, #tpu.memory_space<semaphore_mem>>) src(%arg9 : memref<128x128xf32, #tpu.memory_space<vmem>>) dst(%dma_wait3A_61 : memref<128x128xf32, #tpu.memory_space<hbm>>)
      tpu.yield
    }) : () -> ()
    return
  }
}

#map = affine_map<(d0, d1) -> (0, 0)>
#map1 = affine_map<(d0, d1) -> (0)>
module attributes {stable_mosaic.version = 14 : i64} {
  func.func @agg(%arg0: i32, %arg1: i32, %arg2: memref<10000x128xf32, #tpu.memory_space<hbm>>, %arg3: memref<323584xi32, #tpu.memory_space<hbm>>, %arg4: memref<323584xi32, #tpu.memory_space<hbm>>, %arg5: memref<128x128xf32, #tpu.memory_space<hbm>>, %arg6: memref<20480x128xf32, #tpu.memory_space<hbm>>, %arg7: memref<128xi32, #tpu.memory_space<vmem>>, %arg8: memref<128xi32, #tpu.memory_space<vmem>>, %arg9: memref<128x128xf32, #tpu.memory_space<vmem>>, %arg10: memref<10240x128xf32, #tpu.memory_space<vmem_shared>>, %arg11: memref<!tpu.dma_semaphore, #tpu.memory_space<semaphore_mem>>) attributes {dimension_semantics = [#tpu.dimension_semantics<core_parallel>, #tpu.dimension_semantics<subcore_parallel>], iteration_bounds = array<i64: 2, 16>, scalar_prefetch = 0 : i64, scratch_operands = 5 : i64, tpu.core_type = #tpu.core_type<sc_vector_subcore>, window_params = [{transform_indices = #map}, {transform_indices = #map1}, {transform_indices = #map1}, {transform_indices = #map}, {transform_indices = #map}]} {
    %mul3A = arith.constant 16 : i32
    %mul3A_0 = arith.muli %arg0, %mul3A : i32
    %add3A = arith.addi %mul3A_0, %arg1 : i32
    %mul3A_1 = arith.constant 10112 : i32
    %mul3A_2 = arith.muli %add3A, %mul3A_1 : i32
    "tpu.region"() ({
      %run_scoped3A = tpu.sem_alloc : memref<!tpu.dma_semaphore, #tpu.memory_space<semaphore_mem>>
      tpu.enqueue_dma source(%arg5 : memref<128x128xf32, #tpu.memory_space<hbm>>) target(%arg9 : memref<128x128xf32, #tpu.memory_space<vmem>>) target_semaphore(%run_scoped3A : memref<!tpu.dma_semaphore, #tpu.memory_space<semaphore_mem>>)
      tpu.wait_dma2 semaphore(%run_scoped3A : memref<!tpu.dma_semaphore, #tpu.memory_space<semaphore_mem>>) src(%arg5 : memref<128x128xf32, #tpu.memory_space<hbm>>) dst(%arg9 : memref<128x128xf32, #tpu.memory_space<vmem>>)
      tpu.yield
    }) : () -> ()
    %mul3A_3 = arith.constant 640 : i32
    %mul3A_4 = arith.muli %arg1, %mul3A_3 : i32
    %add3A_5 = arith.constant 0 : i32
    %add3A_6 = arith.addi %mul3A_4, %add3A_5 : i32
    "tpu.region"() ({
      %run_scoped3A = tpu.sem_alloc : memref<!tpu.dma_semaphore, #tpu.memory_space<semaphore_mem>>
      %dma_start3A = arith.constant 0 : i32
      %dma_start3A_56 = tpu.memref_slice %arg10[%add3A_6, %dma_start3A] : memref<10240x128xf32, #tpu.memory_space<vmem_shared>> -> memref<128x128xf32, #tpu.memory_space<vmem_shared>>
      %dma_start3A_57 = arith.constant 0 : i32
      %dma_start3A_58 = tpu.memref_slice %arg10[%add3A_6, %dma_start3A_57] : memref<10240x128xf32, #tpu.memory_space<vmem_shared>> -> memref<128x128xf32, #tpu.memory_space<vmem_shared>>
      tpu.enqueue_dma source(%arg9 : memref<128x128xf32, #tpu.memory_space<vmem>>) target(%dma_start3A_58 : memref<128x128xf32, #tpu.memory_space<vmem_shared>>) target_semaphore(%run_scoped3A : memref<!tpu.dma_semaphore, #tpu.memory_space<semaphore_mem>>)
      %dma_wait3A = arith.constant 0 : i32
      %dma_wait3A_59 = tpu.memref_slice %arg10[%add3A_6, %dma_wait3A] : memref<10240x128xf32, #tpu.memory_space<vmem_shared>> -> memref<128x128xf32, #tpu.memory_space<vmem_shared>>
      %dma_wait3A_60 = arith.constant 0 : i32
      %dma_wait3A_61 = tpu.memref_slice %arg10[%add3A_6, %dma_wait3A_60] : memref<10240x128xf32, #tpu.memory_space<vmem_shared>> -> memref<128x128xf32, #tpu.memory_space<vmem_shared>>
      tpu.wait_dma2 semaphore(%run_scoped3A : memref<!tpu.dma_semaphore, #tpu.memory_space<semaphore_mem>>) src(%arg9 : memref<128x128xf32, #tpu.memory_space<vmem>>) dst(%dma_wait3A_61 : memref<128x128xf32, #tpu.memory_space<vmem_shared>>)
      tpu.yield
    }) : () -> ()
    %add3A_7 = arith.constant 128 : i32
    %add3A_8 = arith.addi %mul3A_4, %add3A_7 : i32
    "tpu.region"() ({
      %run_scoped3A = tpu.sem_alloc : memref<!tpu.dma_semaphore, #tpu.memory_space<semaphore_mem>>
      %dma_start3A = arith.constant 0 : i32
      %dma_start3A_56 = tpu.memref_slice %arg10[%add3A_8, %dma_start3A] : memref<10240x128xf32, #tpu.memory_space<vmem_shared>> -> memref<128x128xf32, #tpu.memory_space<vmem_shared>>
      %dma_start3A_57 = arith.constant 0 : i32
      %dma_start3A_58 = tpu.memref_slice %arg10[%add3A_8, %dma_start3A_57] : memref<10240x128xf32, #tpu.memory_space<vmem_shared>> -> memref<128x128xf32, #tpu.memory_space<vmem_shared>>
      tpu.enqueue_dma source(%arg9 : memref<128x128xf32, #tpu.memory_space<vmem>>) target(%dma_start3A_58 : memref<128x128xf32, #tpu.memory_space<vmem_shared>>) target_semaphore(%run_scoped3A : memref<!tpu.dma_semaphore, #tpu.memory_space<semaphore_mem>>)
      %dma_wait3A = arith.constant 0 : i32
      %dma_wait3A_59 = tpu.memref_slice %arg10[%add3A_8, %dma_wait3A] : memref<10240x128xf32, #tpu.memory_space<vmem_shared>> -> memref<128x128xf32, #tpu.memory_space<vmem_shared>>
      %dma_wait3A_60 = arith.constant 0 : i32
      %dma_wait3A_61 = tpu.memref_slice %arg10[%add3A_8, %dma_wait3A_60] : memref<10240x128xf32, #tpu.memory_space<vmem_shared>> -> memref<128x128xf32, #tpu.memory_space<vmem_shared>>
      tpu.wait_dma2 semaphore(%run_scoped3A : memref<!tpu.dma_semaphore, #tpu.memory_space<semaphore_mem>>) src(%arg9 : memref<128x128xf32, #tpu.memory_space<vmem>>) dst(%dma_wait3A_61 : memref<128x128xf32, #tpu.memory_space<vmem_shared>>)
      tpu.yield
    }) : () -> ()
    %add3A_9 = arith.constant 256 : i32
    %add3A_10 = arith.addi %mul3A_4, %add3A_9 : i32
    "tpu.region"() ({
      %run_scoped3A = tpu.sem_alloc : memref<!tpu.dma_semaphore, #tpu.memory_space<semaphore_mem>>
      %dma_start3A = arith.constant 0 : i32
      %dma_start3A_56 = tpu.memref_slice %arg10[%add3A_10, %dma_start3A] : memref<10240x128xf32, #tpu.memory_space<vmem_shared>> -> memref<128x128xf32, #tpu.memory_space<vmem_shared>>
      %dma_start3A_57 = arith.constant 0 : i32
      %dma_start3A_58 = tpu.memref_slice %arg10[%add3A_10, %dma_start3A_57] : memref<10240x128xf32, #tpu.memory_space<vmem_shared>> -> memref<128x128xf32, #tpu.memory_space<vmem_shared>>
      tpu.enqueue_dma source(%arg9 : memref<128x128xf32, #tpu.memory_space<vmem>>) target(%dma_start3A_58 : memref<128x128xf32, #tpu.memory_space<vmem_shared>>) target_semaphore(%run_scoped3A : memref<!tpu.dma_semaphore, #tpu.memory_space<semaphore_mem>>)
      %dma_wait3A = arith.constant 0 : i32
      %dma_wait3A_59 = tpu.memref_slice %arg10[%add3A_10, %dma_wait3A] : memref<10240x128xf32, #tpu.memory_space<vmem_shared>> -> memref<128x128xf32, #tpu.memory_space<vmem_shared>>
      %dma_wait3A_60 = arith.constant 0 : i32
      %dma_wait3A_61 = tpu.memref_slice %arg10[%add3A_10, %dma_wait3A_60] : memref<10240x128xf32, #tpu.memory_space<vmem_shared>> -> memref<128x128xf32, #tpu.memory_space<vmem_shared>>
      tpu.wait_dma2 semaphore(%run_scoped3A : memref<!tpu.dma_semaphore, #tpu.memory_space<semaphore_mem>>) src(%arg9 : memref<128x128xf32, #tpu.memory_space<vmem>>) dst(%dma_wait3A_61 : memref<128x128xf32, #tpu.memory_space<vmem_shared>>)
      tpu.yield
    }) : () -> ()
    %add3A_11 = arith.constant 384 : i32
    %add3A_12 = arith.addi %mul3A_4, %add3A_11 : i32
    "tpu.region"() ({
      %run_scoped3A = tpu.sem_alloc : memref<!tpu.dma_semaphore, #tpu.memory_space<semaphore_mem>>
      %dma_start3A = arith.constant 0 : i32
      %dma_start3A_56 = tpu.memref_slice %arg10[%add3A_12, %dma_start3A] : memref<10240x128xf32, #tpu.memory_space<vmem_shared>> -> memref<128x128xf32, #tpu.memory_space<vmem_shared>>
      %dma_start3A_57 = arith.constant 0 : i32
      %dma_start3A_58 = tpu.memref_slice %arg10[%add3A_12, %dma_start3A_57] : memref<10240x128xf32, #tpu.memory_space<vmem_shared>> -> memref<128x128xf32, #tpu.memory_space<vmem_shared>>
      tpu.enqueue_dma source(%arg9 : memref<128x128xf32, #tpu.memory_space<vmem>>) target(%dma_start3A_58 : memref<128x128xf32, #tpu.memory_space<vmem_shared>>) target_semaphore(%run_scoped3A : memref<!tpu.dma_semaphore, #tpu.memory_space<semaphore_mem>>)
      %dma_wait3A = arith.constant 0 : i32
      %dma_wait3A_59 = tpu.memref_slice %arg10[%add3A_12, %dma_wait3A] : memref<10240x128xf32, #tpu.memory_space<vmem_shared>> -> memref<128x128xf32, #tpu.memory_space<vmem_shared>>
      %dma_wait3A_60 = arith.constant 0 : i32
      %dma_wait3A_61 = tpu.memref_slice %arg10[%add3A_12, %dma_wait3A_60] : memref<10240x128xf32, #tpu.memory_space<vmem_shared>> -> memref<128x128xf32, #tpu.memory_space<vmem_shared>>
      tpu.wait_dma2 semaphore(%run_scoped3A : memref<!tpu.dma_semaphore, #tpu.memory_space<semaphore_mem>>) src(%arg9 : memref<128x128xf32, #tpu.memory_space<vmem>>) dst(%dma_wait3A_61 : memref<128x128xf32, #tpu.memory_space<vmem_shared>>)
      tpu.yield
    }) : () -> ()
    %add3A_13 = arith.constant 512 : i32
    %add3A_14 = arith.addi %mul3A_4, %add3A_13 : i32
    "tpu.region"() ({
      %run_scoped3A = tpu.sem_alloc : memref<!tpu.dma_semaphore, #tpu.memory_space<semaphore_mem>>
      %dma_start3A = arith.constant 0 : i32
      %dma_start3A_56 = tpu.memref_slice %arg10[%add3A_14, %dma_start3A] : memref<10240x128xf32, #tpu.memory_space<vmem_shared>> -> memref<128x128xf32, #tpu.memory_space<vmem_shared>>
      %dma_start3A_57 = arith.constant 0 : i32
      %dma_start3A_58 = tpu.memref_slice %arg10[%add3A_14, %dma_start3A_57] : memref<10240x128xf32, #tpu.memory_space<vmem_shared>> -> memref<128x128xf32, #tpu.memory_space<vmem_shared>>
      tpu.enqueue_dma source(%arg9 : memref<128x128xf32, #tpu.memory_space<vmem>>) target(%dma_start3A_58 : memref<128x128xf32, #tpu.memory_space<vmem_shared>>) target_semaphore(%run_scoped3A : memref<!tpu.dma_semaphore, #tpu.memory_space<semaphore_mem>>)
      %dma_wait3A = arith.constant 0 : i32
      %dma_wait3A_59 = tpu.memref_slice %arg10[%add3A_14, %dma_wait3A] : memref<10240x128xf32, #tpu.memory_space<vmem_shared>> -> memref<128x128xf32, #tpu.memory_space<vmem_shared>>
      %dma_wait3A_60 = arith.constant 0 : i32
      %dma_wait3A_61 = tpu.memref_slice %arg10[%add3A_14, %dma_wait3A_60] : memref<10240x128xf32, #tpu.memory_space<vmem_shared>> -> memref<128x128xf32, #tpu.memory_space<vmem_shared>>
      tpu.wait_dma2 semaphore(%run_scoped3A : memref<!tpu.dma_semaphore, #tpu.memory_space<semaphore_mem>>) src(%arg9 : memref<128x128xf32, #tpu.memory_space<vmem>>) dst(%dma_wait3A_61 : memref<128x128xf32, #tpu.memory_space<vmem_shared>>)
      tpu.yield
    }) : () -> ()
    %barrier3A = arith.constant 0 : index
    tpu.barrier barrier_id(%barrier3A)
    %scan3A = arith.constant 0 : i32
    %scan3A_15 = arith.constant 0 : i32
    %scan3A_16 = arith.constant 79 : i32
    %scan3A_17 = arith.addi %scan3A_15, %scan3A_16 : i32
    %scan3A_18 = arith.constant 1 : i32
    scf.for %scan3A_56 = %scan3A_15 to %scan3A_17 step %scan3A_18  : i32 {
      %mul3A_57 = arith.constant 128 : i32
      %mul3A_58 = arith.muli %scan3A_56, %mul3A_57 : i32
      %add3A_59 = arith.addi %mul3A_2, %mul3A_58 : i32
      "tpu.region"() ({
        %run_scoped3A = tpu.sem_alloc : memref<!tpu.dma_semaphore, #tpu.memory_space<semaphore_mem>>
        %dma_start3A_64 = tpu.memref_slice %arg3[%add3A_59] : memref<323584xi32, #tpu.memory_space<hbm>> -> memref<128xi32, #tpu.memory_space<hbm>>
        %dma_start3A_65 = tpu.memref_slice %arg3[%add3A_59] : memref<323584xi32, #tpu.memory_space<hbm>> -> memref<128xi32, #tpu.memory_space<hbm>>
        tpu.enqueue_dma source(%dma_start3A_65 : memref<128xi32, #tpu.memory_space<hbm>>) target(%arg7 : memref<128xi32, #tpu.memory_space<vmem>>) target_semaphore(%run_scoped3A : memref<!tpu.dma_semaphore, #tpu.memory_space<semaphore_mem>>)
        %dma_wait3A_66 = tpu.memref_slice %arg3[%add3A_59] : memref<323584xi32, #tpu.memory_space<hbm>> -> memref<128xi32, #tpu.memory_space<hbm>>
        %dma_wait3A_67 = tpu.memref_slice %arg3[%add3A_59] : memref<323584xi32, #tpu.memory_space<hbm>> -> memref<128xi32, #tpu.memory_space<hbm>>
        tpu.wait_dma2 semaphore(%run_scoped3A : memref<!tpu.dma_semaphore, #tpu.memory_space<semaphore_mem>>) src(%dma_wait3A_67 : memref<128xi32, #tpu.memory_space<hbm>>) dst(%arg7 : memref<128xi32, #tpu.memory_space<vmem>>)
        tpu.yield
      }) : () -> ()
      "tpu.region"() ({
        %run_scoped3A = tpu.sem_alloc : memref<!tpu.dma_semaphore, #tpu.memory_space<semaphore_mem>>
        %dma_start3A_64 = tpu.memref_slice %arg4[%add3A_59] : memref<323584xi32, #tpu.memory_space<hbm>> -> memref<128xi32, #tpu.memory_space<hbm>>
        %dma_start3A_65 = tpu.memref_slice %arg4[%add3A_59] : memref<323584xi32, #tpu.memory_space<hbm>> -> memref<128xi32, #tpu.memory_space<hbm>>
        tpu.enqueue_dma source(%dma_start3A_65 : memref<128xi32, #tpu.memory_space<hbm>>) target(%arg8 : memref<128xi32, #tpu.memory_space<vmem>>) target_semaphore(%run_scoped3A : memref<!tpu.dma_semaphore, #tpu.memory_space<semaphore_mem>>)
        %dma_wait3A_66 = tpu.memref_slice %arg4[%add3A_59] : memref<323584xi32, #tpu.memory_space<hbm>> -> memref<128xi32, #tpu.memory_space<hbm>>
        %dma_wait3A_67 = tpu.memref_slice %arg4[%add3A_59] : memref<323584xi32, #tpu.memory_space<hbm>> -> memref<128xi32, #tpu.memory_space<hbm>>
        tpu.wait_dma2 semaphore(%run_scoped3A : memref<!tpu.dma_semaphore, #tpu.memory_space<semaphore_mem>>) src(%dma_wait3A_67 : memref<128xi32, #tpu.memory_space<hbm>>) dst(%arg8 : memref<128xi32, #tpu.memory_space<vmem>>)
        tpu.yield
      }) : () -> ()
      %dma_start3A = arith.constant 0 : i32
      %dma_start3A_60 = arith.constant 0 : i32
      %dma_start3A_61 = tpu.memref_slice %arg2[%dma_start3A, %dma_start3A_60] : memref<10000x128xf32, #tpu.memory_space<hbm>> -> memref<10000x128xf32, #tpu.memory_space<hbm>>
      tpu.enqueue_indirect_dma source(%dma_start3A_61 : memref<10000x128xf32, #tpu.memory_space<hbm>>) target(%arg9 : memref<128x128xf32, #tpu.memory_space<vmem>>) offsets(%arg7 : memref<128xi32, #tpu.memory_space<vmem>>) semaphore(%arg11 : memref<!tpu.dma_semaphore, #tpu.memory_space<semaphore_mem>>)
      %dma_wait3A = arith.constant 0 : i32
      %dma_wait3A_62 = arith.constant 0 : i32
      %dma_wait3A_63 = tpu.memref_slice %arg2[%dma_wait3A, %dma_wait3A_62] : memref<10000x128xf32, #tpu.memory_space<hbm>> -> memref<10000x128xf32, #tpu.memory_space<hbm>>
      tpu.wait_indirect_dma semaphore(%arg11 : memref<!tpu.dma_semaphore, #tpu.memory_space<semaphore_mem>>) src(%dma_wait3A_63 : memref<10000x128xf32, #tpu.memory_space<hbm>>) dst(%arg9 : memref<128x128xf32, #tpu.memory_space<vmem>>)
      "tpu.region"() ({
        %run_scoped3A = tpu.sem_alloc : memref<!tpu.dma_semaphore, #tpu.memory_space<semaphore_mem>>
        %dma_start3A_64 = arith.constant 0 : i32
        %dma_start3A_65 = arith.constant 0 : i32
        %dma_start3A_66 = tpu.memref_slice %arg10[%dma_start3A_64, %dma_start3A_65] : memref<10240x128xf32, #tpu.memory_space<vmem_shared>> -> memref<10240x128xf32, #tpu.memory_space<vmem_shared>>
        tpu.enqueue_indirect_dma source(%arg9 : memref<128x128xf32, #tpu.memory_space<vmem>>) target(%dma_start3A_66 : memref<10240x128xf32, #tpu.memory_space<vmem_shared>>) offsets(%arg8 : memref<128xi32, #tpu.memory_space<vmem>>) semaphore(%run_scoped3A : memref<!tpu.dma_semaphore, #tpu.memory_space<semaphore_mem>>) {add = true}
        %dma_wait3A_67 = arith.constant 0 : i32
        %dma_wait3A_68 = arith.constant 0 : i32
        %dma_wait3A_69 = tpu.memref_slice %arg10[%dma_wait3A_67, %dma_wait3A_68] : memref<10240x128xf32, #tpu.memory_space<vmem_shared>> -> memref<10240x128xf32, #tpu.memory_space<vmem_shared>>
        tpu.wait_indirect_dma semaphore(%run_scoped3A : memref<!tpu.dma_semaphore, #tpu.memory_space<semaphore_mem>>) src(%arg9 : memref<128x128xf32, #tpu.memory_space<vmem>>) dst(%dma_wait3A_69 : memref<10240x128xf32, #tpu.memory_space<vmem_shared>>)
        tpu.yield
      }) : () -> ()
    }
    %scan3A_19 = arith.constant 79 : i32
    %barrier3A_20 = arith.constant 0 : index
    tpu.barrier barrier_id(%barrier3A_20)
    %add3A_21 = arith.constant 0 : i32
    %add3A_22 = arith.addi %mul3A_4, %add3A_21 : i32
    "tpu.region"() ({
      %run_scoped3A = tpu.sem_alloc : memref<!tpu.dma_semaphore, #tpu.memory_space<semaphore_mem>>
      %dma_start3A = arith.constant 0 : i32
      %dma_start3A_56 = tpu.memref_slice %arg10[%add3A_22, %dma_start3A] : memref<10240x128xf32, #tpu.memory_space<vmem_shared>> -> memref<128x128xf32, #tpu.memory_space<vmem_shared>>
      %dma_start3A_57 = arith.constant 0 : i32
      %dma_start3A_58 = tpu.memref_slice %arg10[%add3A_22, %dma_start3A_57] : memref<10240x128xf32, #tpu.memory_space<vmem_shared>> -> memref<128x128xf32, #tpu.memory_space<vmem_shared>>
      tpu.enqueue_dma source(%dma_start3A_58 : memref<128x128xf32, #tpu.memory_space<vmem_shared>>) target(%arg9 : memref<128x128xf32, #tpu.memory_space<vmem>>) target_semaphore(%run_scoped3A : memref<!tpu.dma_semaphore, #tpu.memory_space<semaphore_mem>>)
      %dma_wait3A = arith.constant 0 : i32
      %dma_wait3A_59 = tpu.memref_slice %arg10[%add3A_22, %dma_wait3A] : memref<10240x128xf32, #tpu.memory_space<vmem_shared>> -> memref<128x128xf32, #tpu.memory_space<vmem_shared>>
      %dma_wait3A_60 = arith.constant 0 : i32
      %dma_wait3A_61 = tpu.memref_slice %arg10[%add3A_22, %dma_wait3A_60] : memref<10240x128xf32, #tpu.memory_space<vmem_shared>> -> memref<128x128xf32, #tpu.memory_space<vmem_shared>>
      tpu.wait_dma2 semaphore(%run_scoped3A : memref<!tpu.dma_semaphore, #tpu.memory_space<semaphore_mem>>) src(%dma_wait3A_61 : memref<128x128xf32, #tpu.memory_space<vmem_shared>>) dst(%arg9 : memref<128x128xf32, #tpu.memory_space<vmem>>)
      tpu.yield
    }) : () -> ()
    %mul3A_23 = arith.constant 10240 : i32
    %mul3A_24 = arith.muli %arg0, %mul3A_23 : i32
    %add3A_25 = arith.addi %mul3A_24, %mul3A_4 : i32
    %add3A_26 = arith.constant 0 : i32
    %add3A_27 = arith.addi %add3A_25, %add3A_26 : i32
    "tpu.region"() ({
      %run_scoped3A = tpu.sem_alloc : memref<!tpu.dma_semaphore, #tpu.memory_space<semaphore_mem>>
      %dma_start3A = arith.constant 0 : i32
      %dma_start3A_56 = tpu.memref_slice %arg6[%add3A_27, %dma_start3A] : memref<20480x128xf32, #tpu.memory_space<hbm>> -> memref<128x128xf32, #tpu.memory_space<hbm>>
      %dma_start3A_57 = arith.constant 0 : i32
      %dma_start3A_58 = tpu.memref_slice %arg6[%add3A_27, %dma_start3A_57] : memref<20480x128xf32, #tpu.memory_space<hbm>> -> memref<128x128xf32, #tpu.memory_space<hbm>>
      tpu.enqueue_dma source(%arg9 : memref<128x128xf32, #tpu.memory_space<vmem>>) target(%dma_start3A_58 : memref<128x128xf32, #tpu.memory_space<hbm>>) target_semaphore(%run_scoped3A : memref<!tpu.dma_semaphore, #tpu.memory_space<semaphore_mem>>)
      %dma_wait3A = arith.constant 0 : i32
      %dma_wait3A_59 = tpu.memref_slice %arg6[%add3A_27, %dma_wait3A] : memref<20480x128xf32, #tpu.memory_space<hbm>> -> memref<128x128xf32, #tpu.memory_space<hbm>>
      %dma_wait3A_60 = arith.constant 0 : i32
      %dma_wait3A_61 = tpu.memref_slice %arg6[%add3A_27, %dma_wait3A_60] : memref<20480x128xf32, #tpu.memory_space<hbm>> -> memref<128x128xf32, #tpu.memory_space<hbm>>
      tpu.wait_dma2 semaphore(%run_scoped3A : memref<!tpu.dma_semaphore, #tpu.memory_space<semaphore_mem>>) src(%arg9 : memref<128x128xf32, #tpu.memory_space<vmem>>) dst(%dma_wait3A_61 : memref<128x128xf32, #tpu.memory_space<hbm>>)
      tpu.yield
    }) : () -> ()
    %add3A_28 = arith.constant 128 : i32
    %add3A_29 = arith.addi %mul3A_4, %add3A_28 : i32
    "tpu.region"() ({
      %run_scoped3A = tpu.sem_alloc : memref<!tpu.dma_semaphore, #tpu.memory_space<semaphore_mem>>
      %dma_start3A = arith.constant 0 : i32
      %dma_start3A_56 = tpu.memref_slice %arg10[%add3A_29, %dma_start3A] : memref<10240x128xf32, #tpu.memory_space<vmem_shared>> -> memref<128x128xf32, #tpu.memory_space<vmem_shared>>
      %dma_start3A_57 = arith.constant 0 : i32
      %dma_start3A_58 = tpu.memref_slice %arg10[%add3A_29, %dma_start3A_57] : memref<10240x128xf32, #tpu.memory_space<vmem_shared>> -> memref<128x128xf32, #tpu.memory_space<vmem_shared>>
      tpu.enqueue_dma source(%dma_start3A_58 : memref<128x128xf32, #tpu.memory_space<vmem_shared>>) target(%arg9 : memref<128x128xf32, #tpu.memory_space<vmem>>) target_semaphore(%run_scoped3A : memref<!tpu.dma_semaphore, #tpu.memory_space<semaphore_mem>>)
      %dma_wait3A = arith.constant 0 : i32
      %dma_wait3A_59 = tpu.memref_slice %arg10[%add3A_29, %dma_wait3A] : memref<10240x128xf32, #tpu.memory_space<vmem_shared>> -> memref<128x128xf32, #tpu.memory_space<vmem_shared>>
      %dma_wait3A_60 = arith.constant 0 : i32
      %dma_wait3A_61 = tpu.memref_slice %arg10[%add3A_29, %dma_wait3A_60] : memref<10240x128xf32, #tpu.memory_space<vmem_shared>> -> memref<128x128xf32, #tpu.memory_space<vmem_shared>>
      tpu.wait_dma2 semaphore(%run_scoped3A : memref<!tpu.dma_semaphore, #tpu.memory_space<semaphore_mem>>) src(%dma_wait3A_61 : memref<128x128xf32, #tpu.memory_space<vmem_shared>>) dst(%arg9 : memref<128x128xf32, #tpu.memory_space<vmem>>)
      tpu.yield
    }) : () -> ()
    %mul3A_30 = arith.constant 10240 : i32
    %mul3A_31 = arith.muli %arg0, %mul3A_30 : i32
    %add3A_32 = arith.addi %mul3A_31, %mul3A_4 : i32
    %add3A_33 = arith.constant 128 : i32
    %add3A_34 = arith.addi %add3A_32, %add3A_33 : i32
    "tpu.region"() ({
      %run_scoped3A = tpu.sem_alloc : memref<!tpu.dma_semaphore, #tpu.memory_space<semaphore_mem>>
      %dma_start3A = arith.constant 0 : i32
      %dma_start3A_56 = tpu.memref_slice %arg6[%add3A_34, %dma_start3A] : memref<20480x128xf32, #tpu.memory_space<hbm>> -> memref<128x128xf32, #tpu.memory_space<hbm>>
      %dma_start3A_57 = arith.constant 0 : i32
      %dma_start3A_58 = tpu.memref_slice %arg6[%add3A_34, %dma_start3A_57] : memref<20480x128xf32, #tpu.memory_space<hbm>> -> memref<128x128xf32, #tpu.memory_space<hbm>>
      tpu.enqueue_dma source(%arg9 : memref<128x128xf32, #tpu.memory_space<vmem>>) target(%dma_start3A_58 : memref<128x128xf32, #tpu.memory_space<hbm>>) target_semaphore(%run_scoped3A : memref<!tpu.dma_semaphore, #tpu.memory_space<semaphore_mem>>)
      %dma_wait3A = arith.constant 0 : i32
      %dma_wait3A_59 = tpu.memref_slice %arg6[%add3A_34, %dma_wait3A] : memref<20480x128xf32, #tpu.memory_space<hbm>> -> memref<128x128xf32, #tpu.memory_space<hbm>>
      %dma_wait3A_60 = arith.constant 0 : i32
      %dma_wait3A_61 = tpu.memref_slice %arg6[%add3A_34, %dma_wait3A_60] : memref<20480x128xf32, #tpu.memory_space<hbm>> -> memref<128x128xf32, #tpu.memory_space<hbm>>
      tpu.wait_dma2 semaphore(%run_scoped3A : memref<!tpu.dma_semaphore, #tpu.memory_space<semaphore_mem>>) src(%arg9 : memref<128x128xf32, #tpu.memory_space<vmem>>) dst(%dma_wait3A_61 : memref<128x128xf32, #tpu.memory_space<hbm>>)
      tpu.yield
    }) : () -> ()
    %add3A_35 = arith.constant 256 : i32
    %add3A_36 = arith.addi %mul3A_4, %add3A_35 : i32
    "tpu.region"() ({
      %run_scoped3A = tpu.sem_alloc : memref<!tpu.dma_semaphore, #tpu.memory_space<semaphore_mem>>
      %dma_start3A = arith.constant 0 : i32
      %dma_start3A_56 = tpu.memref_slice %arg10[%add3A_36, %dma_start3A] : memref<10240x128xf32, #tpu.memory_space<vmem_shared>> -> memref<128x128xf32, #tpu.memory_space<vmem_shared>>
      %dma_start3A_57 = arith.constant 0 : i32
      %dma_start3A_58 = tpu.memref_slice %arg10[%add3A_36, %dma_start3A_57] : memref<10240x128xf32, #tpu.memory_space<vmem_shared>> -> memref<128x128xf32, #tpu.memory_space<vmem_shared>>
      tpu.enqueue_dma source(%dma_start3A_58 : memref<128x128xf32, #tpu.memory_space<vmem_shared>>) target(%arg9 : memref<128x128xf32, #tpu.memory_space<vmem>>) target_semaphore(%run_scoped3A : memref<!tpu.dma_semaphore, #tpu.memory_space<semaphore_mem>>)
      %dma_wait3A = arith.constant 0 : i32
      %dma_wait3A_59 = tpu.memref_slice %arg10[%add3A_36, %dma_wait3A] : memref<10240x128xf32, #tpu.memory_space<vmem_shared>> -> memref<128x128xf32, #tpu.memory_space<vmem_shared>>
      %dma_wait3A_60 = arith.constant 0 : i32
      %dma_wait3A_61 = tpu.memref_slice %arg10[%add3A_36, %dma_wait3A_60] : memref<10240x128xf32, #tpu.memory_space<vmem_shared>> -> memref<128x128xf32, #tpu.memory_space<vmem_shared>>
      tpu.wait_dma2 semaphore(%run_scoped3A : memref<!tpu.dma_semaphore, #tpu.memory_space<semaphore_mem>>) src(%dma_wait3A_61 : memref<128x128xf32, #tpu.memory_space<vmem_shared>>) dst(%arg9 : memref<128x128xf32, #tpu.memory_space<vmem>>)
      tpu.yield
    }) : () -> ()
    %mul3A_37 = arith.constant 10240 : i32
    %mul3A_38 = arith.muli %arg0, %mul3A_37 : i32
    %add3A_39 = arith.addi %mul3A_38, %mul3A_4 : i32
    %add3A_40 = arith.constant 256 : i32
    %add3A_41 = arith.addi %add3A_39, %add3A_40 : i32
    "tpu.region"() ({
      %run_scoped3A = tpu.sem_alloc : memref<!tpu.dma_semaphore, #tpu.memory_space<semaphore_mem>>
      %dma_start3A = arith.constant 0 : i32
      %dma_start3A_56 = tpu.memref_slice %arg6[%add3A_41, %dma_start3A] : memref<20480x128xf32, #tpu.memory_space<hbm>> -> memref<128x128xf32, #tpu.memory_space<hbm>>
      %dma_start3A_57 = arith.constant 0 : i32
      %dma_start3A_58 = tpu.memref_slice %arg6[%add3A_41, %dma_start3A_57] : memref<20480x128xf32, #tpu.memory_space<hbm>> -> memref<128x128xf32, #tpu.memory_space<hbm>>
      tpu.enqueue_dma source(%arg9 : memref<128x128xf32, #tpu.memory_space<vmem>>) target(%dma_start3A_58 : memref<128x128xf32, #tpu.memory_space<hbm>>) target_semaphore(%run_scoped3A : memref<!tpu.dma_semaphore, #tpu.memory_space<semaphore_mem>>)
      %dma_wait3A = arith.constant 0 : i32
      %dma_wait3A_59 = tpu.memref_slice %arg6[%add3A_41, %dma_wait3A] : memref<20480x128xf32, #tpu.memory_space<hbm>> -> memref<128x128xf32, #tpu.memory_space<hbm>>
      %dma_wait3A_60 = arith.constant 0 : i32
      %dma_wait3A_61 = tpu.memref_slice %arg6[%add3A_41, %dma_wait3A_60] : memref<20480x128xf32, #tpu.memory_space<hbm>> -> memref<128x128xf32, #tpu.memory_space<hbm>>
      tpu.wait_dma2 semaphore(%run_scoped3A : memref<!tpu.dma_semaphore, #tpu.memory_space<semaphore_mem>>) src(%arg9 : memref<128x128xf32, #tpu.memory_space<vmem>>) dst(%dma_wait3A_61 : memref<128x128xf32, #tpu.memory_space<hbm>>)
      tpu.yield
    }) : () -> ()
    %add3A_42 = arith.constant 384 : i32
    %add3A_43 = arith.addi %mul3A_4, %add3A_42 : i32
    "tpu.region"() ({
      %run_scoped3A = tpu.sem_alloc : memref<!tpu.dma_semaphore, #tpu.memory_space<semaphore_mem>>
      %dma_start3A = arith.constant 0 : i32
      %dma_start3A_56 = tpu.memref_slice %arg10[%add3A_43, %dma_start3A] : memref<10240x128xf32, #tpu.memory_space<vmem_shared>> -> memref<128x128xf32, #tpu.memory_space<vmem_shared>>
      %dma_start3A_57 = arith.constant 0 : i32
      %dma_start3A_58 = tpu.memref_slice %arg10[%add3A_43, %dma_start3A_57] : memref<10240x128xf32, #tpu.memory_space<vmem_shared>> -> memref<128x128xf32, #tpu.memory_space<vmem_shared>>
      tpu.enqueue_dma source(%dma_start3A_58 : memref<128x128xf32, #tpu.memory_space<vmem_shared>>) target(%arg9 : memref<128x128xf32, #tpu.memory_space<vmem>>) target_semaphore(%run_scoped3A : memref<!tpu.dma_semaphore, #tpu.memory_space<semaphore_mem>>)
      %dma_wait3A = arith.constant 0 : i32
      %dma_wait3A_59 = tpu.memref_slice %arg10[%add3A_43, %dma_wait3A] : memref<10240x128xf32, #tpu.memory_space<vmem_shared>> -> memref<128x128xf32, #tpu.memory_space<vmem_shared>>
      %dma_wait3A_60 = arith.constant 0 : i32
      %dma_wait3A_61 = tpu.memref_slice %arg10[%add3A_43, %dma_wait3A_60] : memref<10240x128xf32, #tpu.memory_space<vmem_shared>> -> memref<128x128xf32, #tpu.memory_space<vmem_shared>>
      tpu.wait_dma2 semaphore(%run_scoped3A : memref<!tpu.dma_semaphore, #tpu.memory_space<semaphore_mem>>) src(%dma_wait3A_61 : memref<128x128xf32, #tpu.memory_space<vmem_shared>>) dst(%arg9 : memref<128x128xf32, #tpu.memory_space<vmem>>)
      tpu.yield
    }) : () -> ()
    %mul3A_44 = arith.constant 10240 : i32
    %mul3A_45 = arith.muli %arg0, %mul3A_44 : i32
    %add3A_46 = arith.addi %mul3A_45, %mul3A_4 : i32
    %add3A_47 = arith.constant 384 : i32
    %add3A_48 = arith.addi %add3A_46, %add3A_47 : i32
    "tpu.region"() ({
      %run_scoped3A = tpu.sem_alloc : memref<!tpu.dma_semaphore, #tpu.memory_space<semaphore_mem>>
      %dma_start3A = arith.constant 0 : i32
      %dma_start3A_56 = tpu.memref_slice %arg6[%add3A_48, %dma_start3A] : memref<20480x128xf32, #tpu.memory_space<hbm>> -> memref<128x128xf32, #tpu.memory_space<hbm>>
      %dma_start3A_57 = arith.constant 0 : i32
      %dma_start3A_58 = tpu.memref_slice %arg6[%add3A_48, %dma_start3A_57] : memref<20480x128xf32, #tpu.memory_space<hbm>> -> memref<128x128xf32, #tpu.memory_space<hbm>>
      tpu.enqueue_dma source(%arg9 : memref<128x128xf32, #tpu.memory_space<vmem>>) target(%dma_start3A_58 : memref<128x128xf32, #tpu.memory_space<hbm>>) target_semaphore(%run_scoped3A : memref<!tpu.dma_semaphore, #tpu.memory_space<semaphore_mem>>)
      %dma_wait3A = arith.constant 0 : i32
      %dma_wait3A_59 = tpu.memref_slice %arg6[%add3A_48, %dma_wait3A] : memref<20480x128xf32, #tpu.memory_space<hbm>> -> memref<128x128xf32, #tpu.memory_space<hbm>>
      %dma_wait3A_60 = arith.constant 0 : i32
      %dma_wait3A_61 = tpu.memref_slice %arg6[%add3A_48, %dma_wait3A_60] : memref<20480x128xf32, #tpu.memory_space<hbm>> -> memref<128x128xf32, #tpu.memory_space<hbm>>
      tpu.wait_dma2 semaphore(%run_scoped3A : memref<!tpu.dma_semaphore, #tpu.memory_space<semaphore_mem>>) src(%arg9 : memref<128x128xf32, #tpu.memory_space<vmem>>) dst(%dma_wait3A_61 : memref<128x128xf32, #tpu.memory_space<hbm>>)
      tpu.yield
    }) : () -> ()
    %add3A_49 = arith.constant 512 : i32
    %add3A_50 = arith.addi %mul3A_4, %add3A_49 : i32
    "tpu.region"() ({
      %run_scoped3A = tpu.sem_alloc : memref<!tpu.dma_semaphore, #tpu.memory_space<semaphore_mem>>
      %dma_start3A = arith.constant 0 : i32
      %dma_start3A_56 = tpu.memref_slice %arg10[%add3A_50, %dma_start3A] : memref<10240x128xf32, #tpu.memory_space<vmem_shared>> -> memref<128x128xf32, #tpu.memory_space<vmem_shared>>
      %dma_start3A_57 = arith.constant 0 : i32
      %dma_start3A_58 = tpu.memref_slice %arg10[%add3A_50, %dma_start3A_57] : memref<10240x128xf32, #tpu.memory_space<vmem_shared>> -> memref<128x128xf32, #tpu.memory_space<vmem_shared>>
      tpu.enqueue_dma source(%dma_start3A_58 : memref<128x128xf32, #tpu.memory_space<vmem_shared>>) target(%arg9 : memref<128x128xf32, #tpu.memory_space<vmem>>) target_semaphore(%run_scoped3A : memref<!tpu.dma_semaphore, #tpu.memory_space<semaphore_mem>>)
      %dma_wait3A = arith.constant 0 : i32
      %dma_wait3A_59 = tpu.memref_slice %arg10[%add3A_50, %dma_wait3A] : memref<10240x128xf32, #tpu.memory_space<vmem_shared>> -> memref<128x128xf32, #tpu.memory_space<vmem_shared>>
      %dma_wait3A_60 = arith.constant 0 : i32
      %dma_wait3A_61 = tpu.memref_slice %arg10[%add3A_50, %dma_wait3A_60] : memref<10240x128xf32, #tpu.memory_space<vmem_shared>> -> memref<128x128xf32, #tpu.memory_space<vmem_shared>>
      tpu.wait_dma2 semaphore(%run_scoped3A : memref<!tpu.dma_semaphore, #tpu.memory_space<semaphore_mem>>) src(%dma_wait3A_61 : memref<128x128xf32, #tpu.memory_space<vmem_shared>>) dst(%arg9 : memref<128x128xf32, #tpu.memory_space<vmem>>)
      tpu.yield
    }) : () -> ()
    %mul3A_51 = arith.constant 10240 : i32
    %mul3A_52 = arith.muli %arg0, %mul3A_51 : i32
    %add3A_53 = arith.addi %mul3A_52, %mul3A_4 : i32
    %add3A_54 = arith.constant 512 : i32
    %add3A_55 = arith.addi %add3A_53, %add3A_54 : i32
    "tpu.region"() ({
      %run_scoped3A = tpu.sem_alloc : memref<!tpu.dma_semaphore, #tpu.memory_space<semaphore_mem>>
      %dma_start3A = arith.constant 0 : i32
      %dma_start3A_56 = tpu.memref_slice %arg6[%add3A_55, %dma_start3A] : memref<20480x128xf32, #tpu.memory_space<hbm>> -> memref<128x128xf32, #tpu.memory_space<hbm>>
      %dma_start3A_57 = arith.constant 0 : i32
      %dma_start3A_58 = tpu.memref_slice %arg6[%add3A_55, %dma_start3A_57] : memref<20480x128xf32, #tpu.memory_space<hbm>> -> memref<128x128xf32, #tpu.memory_space<hbm>>
      tpu.enqueue_dma source(%arg9 : memref<128x128xf32, #tpu.memory_space<vmem>>) target(%dma_start3A_58 : memref<128x128xf32, #tpu.memory_space<hbm>>) target_semaphore(%run_scoped3A : memref<!tpu.dma_semaphore, #tpu.memory_space<semaphore_mem>>)
      %dma_wait3A = arith.constant 0 : i32
      %dma_wait3A_59 = tpu.memref_slice %arg6[%add3A_55, %dma_wait3A] : memref<20480x128xf32, #tpu.memory_space<hbm>> -> memref<128x128xf32, #tpu.memory_space<hbm>>
      %dma_wait3A_60 = arith.constant 0 : i32
      %dma_wait3A_61 = tpu.memref_slice %arg6[%add3A_55, %dma_wait3A_60] : memref<20480x128xf32, #tpu.memory_space<hbm>> -> memref<128x128xf32, #tpu.memory_space<hbm>>
      tpu.wait_dma2 semaphore(%run_scoped3A : memref<!tpu.dma_semaphore, #tpu.memory_space<semaphore_mem>>) src(%arg9 : memref<128x128xf32, #tpu.memory_space<vmem>>) dst(%dma_wait3A_61 : memref<128x128xf32, #tpu.memory_space<hbm>>)
      tpu.yield
    }) : () -> ()
    return
  }
}

#map = affine_map<(d0, d1) -> (0, 0)>
module attributes {stable_mosaic.version = 14 : i64} {
  func.func @deg(%arg0: i32, %arg1: i32, %arg2: memref<128x128xf32, #tpu.memory_space<hbm>>, %arg3: memref<128x128xf32, #tpu.memory_space<hbm>>, %arg4: memref<2560x128xi32, #tpu.memory_space<hbm>>, %arg5: memref<20480x128xf32, #tpu.memory_space<hbm>>, %arg6: memref<80x128xi32, #tpu.memory_space<vmem>>, %arg7: memref<128x128xf32, #tpu.memory_space<vmem>>, %arg8: memref<10240x128xf32, #tpu.memory_space<vmem_shared>>, %arg9: memref<!tpu.dma_semaphore, #tpu.memory_space<semaphore_mem>>) attributes {dimension_semantics = [#tpu.dimension_semantics<core_parallel>, #tpu.dimension_semantics<subcore_parallel>], iteration_bounds = array<i64: 2, 16>, scalar_prefetch = 0 : i64, scratch_operands = 4 : i64, tpu.core_type = #tpu.core_type<sc_vector_subcore>, window_params = [{transform_indices = #map}, {transform_indices = #map}, {transform_indices = #map}, {transform_indices = #map}]} {
    %mul3A = arith.constant 16 : i32
    %mul3A_0 = arith.muli %arg0, %mul3A : i32
    %add3A = arith.addi %mul3A_0, %arg1 : i32
    %mul3A_1 = arith.constant 80 : i32
    %mul3A_2 = arith.muli %add3A, %mul3A_1 : i32
    "tpu.region"() ({
      %run_scoped3A = tpu.sem_alloc : memref<!tpu.dma_semaphore, #tpu.memory_space<semaphore_mem>>
      %dma_start3A = arith.constant 0 : i32
      %dma_start3A_58 = tpu.memref_slice %arg4[%mul3A_2, %dma_start3A] : memref<2560x128xi32, #tpu.memory_space<hbm>> -> memref<80x128xi32, #tpu.memory_space<hbm>>
      %dma_start3A_59 = arith.constant 0 : i32
      %dma_start3A_60 = tpu.memref_slice %arg4[%mul3A_2, %dma_start3A_59] : memref<2560x128xi32, #tpu.memory_space<hbm>> -> memref<80x128xi32, #tpu.memory_space<hbm>>
      tpu.enqueue_dma source(%dma_start3A_60 : memref<80x128xi32, #tpu.memory_space<hbm>>) target(%arg6 : memref<80x128xi32, #tpu.memory_space<vmem>>) target_semaphore(%run_scoped3A : memref<!tpu.dma_semaphore, #tpu.memory_space<semaphore_mem>>)
      %dma_wait3A = arith.constant 0 : i32
      %dma_wait3A_61 = tpu.memref_slice %arg4[%mul3A_2, %dma_wait3A] : memref<2560x128xi32, #tpu.memory_space<hbm>> -> memref<80x128xi32, #tpu.memory_space<hbm>>
      %dma_wait3A_62 = arith.constant 0 : i32
      %dma_wait3A_63 = tpu.memref_slice %arg4[%mul3A_2, %dma_wait3A_62] : memref<2560x128xi32, #tpu.memory_space<hbm>> -> memref<80x128xi32, #tpu.memory_space<hbm>>
      tpu.wait_dma2 semaphore(%run_scoped3A : memref<!tpu.dma_semaphore, #tpu.memory_space<semaphore_mem>>) src(%dma_wait3A_63 : memref<80x128xi32, #tpu.memory_space<hbm>>) dst(%arg6 : memref<80x128xi32, #tpu.memory_space<vmem>>)
      tpu.yield
    }) : () -> ()
    "tpu.region"() ({
      %run_scoped3A = tpu.sem_alloc : memref<!tpu.dma_semaphore, #tpu.memory_space<semaphore_mem>>
      tpu.enqueue_dma source(%arg3 : memref<128x128xf32, #tpu.memory_space<hbm>>) target(%arg7 : memref<128x128xf32, #tpu.memory_space<vmem>>) target_semaphore(%run_scoped3A : memref<!tpu.dma_semaphore, #tpu.memory_space<semaphore_mem>>)
      tpu.wait_dma2 semaphore(%run_scoped3A : memref<!tpu.dma_semaphore, #tpu.memory_space<semaphore_mem>>) src(%arg3 : memref<128x128xf32, #tpu.memory_space<hbm>>) dst(%arg7 : memref<128x128xf32, #tpu.memory_space<vmem>>)
      tpu.yield
    }) : () -> ()
    %mul3A_3 = arith.constant 640 : i32
    %mul3A_4 = arith.muli %arg1, %mul3A_3 : i32
    %add3A_5 = arith.constant 640 : i32
    %add3A_6 = arith.addi %mul3A_4, %add3A_5 : i32
    %add3A_7 = arith.constant 0 : i32
    %add3A_8 = arith.addi %mul3A_4, %add3A_7 : i32
    "tpu.region"() ({
      %run_scoped3A = tpu.sem_alloc : memref<!tpu.dma_semaphore, #tpu.memory_space<semaphore_mem>>
      %dma_start3A = arith.constant 0 : i32
      %dma_start3A_58 = tpu.memref_slice %arg8[%add3A_8, %dma_start3A] : memref<10240x128xf32, #tpu.memory_space<vmem_shared>> -> memref<128x128xf32, #tpu.memory_space<vmem_shared>>
      %dma_start3A_59 = arith.constant 0 : i32
      %dma_start3A_60 = tpu.memref_slice %arg8[%add3A_8, %dma_start3A_59] : memref<10240x128xf32, #tpu.memory_space<vmem_shared>> -> memref<128x128xf32, #tpu.memory_space<vmem_shared>>
      tpu.enqueue_dma source(%arg7 : memref<128x128xf32, #tpu.memory_space<vmem>>) target(%dma_start3A_60 : memref<128x128xf32, #tpu.memory_space<vmem_shared>>) target_semaphore(%run_scoped3A : memref<!tpu.dma_semaphore, #tpu.memory_space<semaphore_mem>>)
      %dma_wait3A = arith.constant 0 : i32
      %dma_wait3A_61 = tpu.memref_slice %arg8[%add3A_8, %dma_wait3A] : memref<10240x128xf32, #tpu.memory_space<vmem_shared>> -> memref<128x128xf32, #tpu.memory_space<vmem_shared>>
      %dma_wait3A_62 = arith.constant 0 : i32
      %dma_wait3A_63 = tpu.memref_slice %arg8[%add3A_8, %dma_wait3A_62] : memref<10240x128xf32, #tpu.memory_space<vmem_shared>> -> memref<128x128xf32, #tpu.memory_space<vmem_shared>>
      tpu.wait_dma2 semaphore(%run_scoped3A : memref<!tpu.dma_semaphore, #tpu.memory_space<semaphore_mem>>) src(%arg7 : memref<128x128xf32, #tpu.memory_space<vmem>>) dst(%dma_wait3A_63 : memref<128x128xf32, #tpu.memory_space<vmem_shared>>)
      tpu.yield
    }) : () -> ()
    %add3A_9 = arith.constant 128 : i32
    %add3A_10 = arith.addi %mul3A_4, %add3A_9 : i32
    "tpu.region"() ({
      %run_scoped3A = tpu.sem_alloc : memref<!tpu.dma_semaphore, #tpu.memory_space<semaphore_mem>>
      %dma_start3A = arith.constant 0 : i32
      %dma_start3A_58 = tpu.memref_slice %arg8[%add3A_10, %dma_start3A] : memref<10240x128xf32, #tpu.memory_space<vmem_shared>> -> memref<128x128xf32, #tpu.memory_space<vmem_shared>>
      %dma_start3A_59 = arith.constant 0 : i32
      %dma_start3A_60 = tpu.memref_slice %arg8[%add3A_10, %dma_start3A_59] : memref<10240x128xf32, #tpu.memory_space<vmem_shared>> -> memref<128x128xf32, #tpu.memory_space<vmem_shared>>
      tpu.enqueue_dma source(%arg7 : memref<128x128xf32, #tpu.memory_space<vmem>>) target(%dma_start3A_60 : memref<128x128xf32, #tpu.memory_space<vmem_shared>>) target_semaphore(%run_scoped3A : memref<!tpu.dma_semaphore, #tpu.memory_space<semaphore_mem>>)
      %dma_wait3A = arith.constant 0 : i32
      %dma_wait3A_61 = tpu.memref_slice %arg8[%add3A_10, %dma_wait3A] : memref<10240x128xf32, #tpu.memory_space<vmem_shared>> -> memref<128x128xf32, #tpu.memory_space<vmem_shared>>
      %dma_wait3A_62 = arith.constant 0 : i32
      %dma_wait3A_63 = tpu.memref_slice %arg8[%add3A_10, %dma_wait3A_62] : memref<10240x128xf32, #tpu.memory_space<vmem_shared>> -> memref<128x128xf32, #tpu.memory_space<vmem_shared>>
      tpu.wait_dma2 semaphore(%run_scoped3A : memref<!tpu.dma_semaphore, #tpu.memory_space<semaphore_mem>>) src(%arg7 : memref<128x128xf32, #tpu.memory_space<vmem>>) dst(%dma_wait3A_63 : memref<128x128xf32, #tpu.memory_space<vmem_shared>>)
      tpu.yield
    }) : () -> ()
    %add3A_11 = arith.constant 256 : i32
    %add3A_12 = arith.addi %mul3A_4, %add3A_11 : i32
    "tpu.region"() ({
      %run_scoped3A = tpu.sem_alloc : memref<!tpu.dma_semaphore, #tpu.memory_space<semaphore_mem>>
      %dma_start3A = arith.constant 0 : i32
      %dma_start3A_58 = tpu.memref_slice %arg8[%add3A_12, %dma_start3A] : memref<10240x128xf32, #tpu.memory_space<vmem_shared>> -> memref<128x128xf32, #tpu.memory_space<vmem_shared>>
      %dma_start3A_59 = arith.constant 0 : i32
      %dma_start3A_60 = tpu.memref_slice %arg8[%add3A_12, %dma_start3A_59] : memref<10240x128xf32, #tpu.memory_space<vmem_shared>> -> memref<128x128xf32, #tpu.memory_space<vmem_shared>>
      tpu.enqueue_dma source(%arg7 : memref<128x128xf32, #tpu.memory_space<vmem>>) target(%dma_start3A_60 : memref<128x128xf32, #tpu.memory_space<vmem_shared>>) target_semaphore(%run_scoped3A : memref<!tpu.dma_semaphore, #tpu.memory_space<semaphore_mem>>)
      %dma_wait3A = arith.constant 0 : i32
      %dma_wait3A_61 = tpu.memref_slice %arg8[%add3A_12, %dma_wait3A] : memref<10240x128xf32, #tpu.memory_space<vmem_shared>> -> memref<128x128xf32, #tpu.memory_space<vmem_shared>>
      %dma_wait3A_62 = arith.constant 0 : i32
      %dma_wait3A_63 = tpu.memref_slice %arg8[%add3A_12, %dma_wait3A_62] : memref<10240x128xf32, #tpu.memory_space<vmem_shared>> -> memref<128x128xf32, #tpu.memory_space<vmem_shared>>
      tpu.wait_dma2 semaphore(%run_scoped3A : memref<!tpu.dma_semaphore, #tpu.memory_space<semaphore_mem>>) src(%arg7 : memref<128x128xf32, #tpu.memory_space<vmem>>) dst(%dma_wait3A_63 : memref<128x128xf32, #tpu.memory_space<vmem_shared>>)
      tpu.yield
    }) : () -> ()
    %add3A_13 = arith.constant 384 : i32
    %add3A_14 = arith.addi %mul3A_4, %add3A_13 : i32
    "tpu.region"() ({
      %run_scoped3A = tpu.sem_alloc : memref<!tpu.dma_semaphore, #tpu.memory_space<semaphore_mem>>
      %dma_start3A = arith.constant 0 : i32
      %dma_start3A_58 = tpu.memref_slice %arg8[%add3A_14, %dma_start3A] : memref<10240x128xf32, #tpu.memory_space<vmem_shared>> -> memref<128x128xf32, #tpu.memory_space<vmem_shared>>
      %dma_start3A_59 = arith.constant 0 : i32
      %dma_start3A_60 = tpu.memref_slice %arg8[%add3A_14, %dma_start3A_59] : memref<10240x128xf32, #tpu.memory_space<vmem_shared>> -> memref<128x128xf32, #tpu.memory_space<vmem_shared>>
      tpu.enqueue_dma source(%arg7 : memref<128x128xf32, #tpu.memory_space<vmem>>) target(%dma_start3A_60 : memref<128x128xf32, #tpu.memory_space<vmem_shared>>) target_semaphore(%run_scoped3A : memref<!tpu.dma_semaphore, #tpu.memory_space<semaphore_mem>>)
      %dma_wait3A = arith.constant 0 : i32
      %dma_wait3A_61 = tpu.memref_slice %arg8[%add3A_14, %dma_wait3A] : memref<10240x128xf32, #tpu.memory_space<vmem_shared>> -> memref<128x128xf32, #tpu.memory_space<vmem_shared>>
      %dma_wait3A_62 = arith.constant 0 : i32
      %dma_wait3A_63 = tpu.memref_slice %arg8[%add3A_14, %dma_wait3A_62] : memref<10240x128xf32, #tpu.memory_space<vmem_shared>> -> memref<128x128xf32, #tpu.memory_space<vmem_shared>>
      tpu.wait_dma2 semaphore(%run_scoped3A : memref<!tpu.dma_semaphore, #tpu.memory_space<semaphore_mem>>) src(%arg7 : memref<128x128xf32, #tpu.memory_space<vmem>>) dst(%dma_wait3A_63 : memref<128x128xf32, #tpu.memory_space<vmem_shared>>)
      tpu.yield
    }) : () -> ()
    %add3A_15 = arith.constant 512 : i32
    %add3A_16 = arith.addi %mul3A_4, %add3A_15 : i32
    "tpu.region"() ({
      %run_scoped3A = tpu.sem_alloc : memref<!tpu.dma_semaphore, #tpu.memory_space<semaphore_mem>>
      %dma_start3A = arith.constant 0 : i32
      %dma_start3A_58 = tpu.memref_slice %arg8[%add3A_16, %dma_start3A] : memref<10240x128xf32, #tpu.memory_space<vmem_shared>> -> memref<128x128xf32, #tpu.memory_space<vmem_shared>>
      %dma_start3A_59 = arith.constant 0 : i32
      %dma_start3A_60 = tpu.memref_slice %arg8[%add3A_16, %dma_start3A_59] : memref<10240x128xf32, #tpu.memory_space<vmem_shared>> -> memref<128x128xf32, #tpu.memory_space<vmem_shared>>
      tpu.enqueue_dma source(%arg7 : memref<128x128xf32, #tpu.memory_space<vmem>>) target(%dma_start3A_60 : memref<128x128xf32, #tpu.memory_space<vmem_shared>>) target_semaphore(%run_scoped3A : memref<!tpu.dma_semaphore, #tpu.memory_space<semaphore_mem>>)
      %dma_wait3A = arith.constant 0 : i32
      %dma_wait3A_61 = tpu.memref_slice %arg8[%add3A_16, %dma_wait3A] : memref<10240x128xf32, #tpu.memory_space<vmem_shared>> -> memref<128x128xf32, #tpu.memory_space<vmem_shared>>
      %dma_wait3A_62 = arith.constant 0 : i32
      %dma_wait3A_63 = tpu.memref_slice %arg8[%add3A_16, %dma_wait3A_62] : memref<10240x128xf32, #tpu.memory_space<vmem_shared>> -> memref<128x128xf32, #tpu.memory_space<vmem_shared>>
      tpu.wait_dma2 semaphore(%run_scoped3A : memref<!tpu.dma_semaphore, #tpu.memory_space<semaphore_mem>>) src(%arg7 : memref<128x128xf32, #tpu.memory_space<vmem>>) dst(%dma_wait3A_63 : memref<128x128xf32, #tpu.memory_space<vmem_shared>>)
      tpu.yield
    }) : () -> ()
    "tpu.region"() ({
      %run_scoped3A = tpu.sem_alloc : memref<!tpu.dma_semaphore, #tpu.memory_space<semaphore_mem>>
      tpu.enqueue_dma source(%arg2 : memref<128x128xf32, #tpu.memory_space<hbm>>) target(%arg7 : memref<128x128xf32, #tpu.memory_space<vmem>>) target_semaphore(%run_scoped3A : memref<!tpu.dma_semaphore, #tpu.memory_space<semaphore_mem>>)
      tpu.wait_dma2 semaphore(%run_scoped3A : memref<!tpu.dma_semaphore, #tpu.memory_space<semaphore_mem>>) src(%arg2 : memref<128x128xf32, #tpu.memory_space<hbm>>) dst(%arg7 : memref<128x128xf32, #tpu.memory_space<vmem>>)
      tpu.yield
    }) : () -> ()
    %barrier3A = arith.constant 0 : index
    tpu.barrier barrier_id(%barrier3A)
    %scan3A = arith.constant 0 : i32
    %scan3A_17 = arith.constant 0 : i32
    %scan3A_18 = arith.constant 10 : i32
    %scan3A_19 = arith.addi %scan3A_17, %scan3A_18 : i32
    %scan3A_20 = arith.constant 1 : i32
    scf.for %scan3A_58 = %scan3A_17 to %scan3A_19 step %scan3A_20  : i32 {
      %mul3A_59 = arith.constant 8 : i32
      %mul3A_60 = arith.muli %scan3A_58, %mul3A_59 : i32
      %add3A_61 = arith.constant 0 : i32
      %add3A_62 = arith.addi %mul3A_60, %add3A_61 : i32
      %dma_start3A = arith.constant 0 : i32
      %dma_start3A_63 = tpu.memref_slice %arg6[%add3A_62, %dma_start3A] : memref<80x128xi32, #tpu.memory_space<vmem>> -> memref<1x128xi32, #tpu.memory_space<vmem>>
      %dma_start3A_64 = tpu.memref_squeeze %dma_start3A_63 : memref<1x128xi32, #tpu.memory_space<vmem>> -> memref<128xi32, #tpu.memory_space<vmem>>
      %dma_start3A_65 = arith.constant 0 : i32
      %dma_start3A_66 = arith.constant 0 : i32
      %dma_start3A_67 = tpu.memref_slice %arg8[%dma_start3A_65, %dma_start3A_66] : memref<10240x128xf32, #tpu.memory_space<vmem_shared>> -> memref<10240x128xf32, #tpu.memory_space<vmem_shared>>
      tpu.enqueue_indirect_dma source(%arg7 : memref<128x128xf32, #tpu.memory_space<vmem>>) target(%dma_start3A_67 : memref<10240x128xf32, #tpu.memory_space<vmem_shared>>) offsets(%dma_start3A_64 : memref<128xi32, #tpu.memory_space<vmem>>) semaphore(%arg9 : memref<!tpu.dma_semaphore, #tpu.memory_space<semaphore_mem>>) {add = true}
      %add3A_68 = arith.constant 1 : i32
      %add3A_69 = arith.addi %mul3A_60, %add3A_68 : i32
      %dma_start3A_70 = arith.constant 0 : i32
      %dma_start3A_71 = tpu.memref_slice %arg6[%add3A_69, %dma_start3A_70] : memref<80x128xi32, #tpu.memory_space<vmem>> -> memref<1x128xi32, #tpu.memory_space<vmem>>
      %dma_start3A_72 = tpu.memref_squeeze %dma_start3A_71 : memref<1x128xi32, #tpu.memory_space<vmem>> -> memref<128xi32, #tpu.memory_space<vmem>>
      %dma_start3A_73 = arith.constant 0 : i32
      %dma_start3A_74 = arith.constant 0 : i32
      %dma_start3A_75 = tpu.memref_slice %arg8[%dma_start3A_73, %dma_start3A_74] : memref<10240x128xf32, #tpu.memory_space<vmem_shared>> -> memref<10240x128xf32, #tpu.memory_space<vmem_shared>>
      tpu.enqueue_indirect_dma source(%arg7 : memref<128x128xf32, #tpu.memory_space<vmem>>) target(%dma_start3A_75 : memref<10240x128xf32, #tpu.memory_space<vmem_shared>>) offsets(%dma_start3A_72 : memref<128xi32, #tpu.memory_space<vmem>>) semaphore(%arg9 : memref<!tpu.dma_semaphore, #tpu.memory_space<semaphore_mem>>) {add = true}
      %add3A_76 = arith.constant 2 : i32
      %add3A_77 = arith.addi %mul3A_60, %add3A_76 : i32
      %dma_start3A_78 = arith.constant 0 : i32
      %dma_start3A_79 = tpu.memref_slice %arg6[%add3A_77, %dma_start3A_78] : memref<80x128xi32, #tpu.memory_space<vmem>> -> memref<1x128xi32, #tpu.memory_space<vmem>>
      %dma_start3A_80 = tpu.memref_squeeze %dma_start3A_79 : memref<1x128xi32, #tpu.memory_space<vmem>> -> memref<128xi32, #tpu.memory_space<vmem>>
      %dma_start3A_81 = arith.constant 0 : i32
      %dma_start3A_82 = arith.constant 0 : i32
      %dma_start3A_83 = tpu.memref_slice %arg8[%dma_start3A_81, %dma_start3A_82] : memref<10240x128xf32, #tpu.memory_space<vmem_shared>> -> memref<10240x128xf32, #tpu.memory_space<vmem_shared>>
      tpu.enqueue_indirect_dma source(%arg7 : memref<128x128xf32, #tpu.memory_space<vmem>>) target(%dma_start3A_83 : memref<10240x128xf32, #tpu.memory_space<vmem_shared>>) offsets(%dma_start3A_80 : memref<128xi32, #tpu.memory_space<vmem>>) semaphore(%arg9 : memref<!tpu.dma_semaphore, #tpu.memory_space<semaphore_mem>>) {add = true}
      %add3A_84 = arith.constant 3 : i32
      %add3A_85 = arith.addi %mul3A_60, %add3A_84 : i32
      %dma_start3A_86 = arith.constant 0 : i32
      %dma_start3A_87 = tpu.memref_slice %arg6[%add3A_85, %dma_start3A_86] : memref<80x128xi32, #tpu.memory_space<vmem>> -> memref<1x128xi32, #tpu.memory_space<vmem>>
      %dma_start3A_88 = tpu.memref_squeeze %dma_start3A_87 : memref<1x128xi32, #tpu.memory_space<vmem>> -> memref<128xi32, #tpu.memory_space<vmem>>
      %dma_start3A_89 = arith.constant 0 : i32
      %dma_start3A_90 = arith.constant 0 : i32
      %dma_start3A_91 = tpu.memref_slice %arg8[%dma_start3A_89, %dma_start3A_90] : memref<10240x128xf32, #tpu.memory_space<vmem_shared>> -> memref<10240x128xf32, #tpu.memory_space<vmem_shared>>
      tpu.enqueue_indirect_dma source(%arg7 : memref<128x128xf32, #tpu.memory_space<vmem>>) target(%dma_start3A_91 : memref<10240x128xf32, #tpu.memory_space<vmem_shared>>) offsets(%dma_start3A_88 : memref<128xi32, #tpu.memory_space<vmem>>) semaphore(%arg9 : memref<!tpu.dma_semaphore, #tpu.memory_space<semaphore_mem>>) {add = true}
      %add3A_92 = arith.constant 4 : i32
      %add3A_93 = arith.addi %mul3A_60, %add3A_92 : i32
      %dma_start3A_94 = arith.constant 0 : i32
      %dma_start3A_95 = tpu.memref_slice %arg6[%add3A_93, %dma_start3A_94] : memref<80x128xi32, #tpu.memory_space<vmem>> -> memref<1x128xi32, #tpu.memory_space<vmem>>
      %dma_start3A_96 = tpu.memref_squeeze %dma_start3A_95 : memref<1x128xi32, #tpu.memory_space<vmem>> -> memref<128xi32, #tpu.memory_space<vmem>>
      %dma_start3A_97 = arith.constant 0 : i32
      %dma_start3A_98 = arith.constant 0 : i32
      %dma_start3A_99 = tpu.memref_slice %arg8[%dma_start3A_97, %dma_start3A_98] : memref<10240x128xf32, #tpu.memory_space<vmem_shared>> -> memref<10240x128xf32, #tpu.memory_space<vmem_shared>>
      tpu.enqueue_indirect_dma source(%arg7 : memref<128x128xf32, #tpu.memory_space<vmem>>) target(%dma_start3A_99 : memref<10240x128xf32, #tpu.memory_space<vmem_shared>>) offsets(%dma_start3A_96 : memref<128xi32, #tpu.memory_space<vmem>>) semaphore(%arg9 : memref<!tpu.dma_semaphore, #tpu.memory_space<semaphore_mem>>) {add = true}
      %add3A_100 = arith.constant 5 : i32
      %add3A_101 = arith.addi %mul3A_60, %add3A_100 : i32
      %dma_start3A_102 = arith.constant 0 : i32
      %dma_start3A_103 = tpu.memref_slice %arg6[%add3A_101, %dma_start3A_102] : memref<80x128xi32, #tpu.memory_space<vmem>> -> memref<1x128xi32, #tpu.memory_space<vmem>>
      %dma_start3A_104 = tpu.memref_squeeze %dma_start3A_103 : memref<1x128xi32, #tpu.memory_space<vmem>> -> memref<128xi32, #tpu.memory_space<vmem>>
      %dma_start3A_105 = arith.constant 0 : i32
      %dma_start3A_106 = arith.constant 0 : i32
      %dma_start3A_107 = tpu.memref_slice %arg8[%dma_start3A_105, %dma_start3A_106] : memref<10240x128xf32, #tpu.memory_space<vmem_shared>> -> memref<10240x128xf32, #tpu.memory_space<vmem_shared>>
      tpu.enqueue_indirect_dma source(%arg7 : memref<128x128xf32, #tpu.memory_space<vmem>>) target(%dma_start3A_107 : memref<10240x128xf32, #tpu.memory_space<vmem_shared>>) offsets(%dma_start3A_104 : memref<128xi32, #tpu.memory_space<vmem>>) semaphore(%arg9 : memref<!tpu.dma_semaphore, #tpu.memory_space<semaphore_mem>>) {add = true}
      %add3A_108 = arith.constant 6 : i32
      %add3A_109 = arith.addi %mul3A_60, %add3A_108 : i32
      %dma_start3A_110 = arith.constant 0 : i32
      %dma_start3A_111 = tpu.memref_slice %arg6[%add3A_109, %dma_start3A_110] : memref<80x128xi32, #tpu.memory_space<vmem>> -> memref<1x128xi32, #tpu.memory_space<vmem>>
      %dma_start3A_112 = tpu.memref_squeeze %dma_start3A_111 : memref<1x128xi32, #tpu.memory_space<vmem>> -> memref<128xi32, #tpu.memory_space<vmem>>
      %dma_start3A_113 = arith.constant 0 : i32
      %dma_start3A_114 = arith.constant 0 : i32
      %dma_start3A_115 = tpu.memref_slice %arg8[%dma_start3A_113, %dma_start3A_114] : memref<10240x128xf32, #tpu.memory_space<vmem_shared>> -> memref<10240x128xf32, #tpu.memory_space<vmem_shared>>
      tpu.enqueue_indirect_dma source(%arg7 : memref<128x128xf32, #tpu.memory_space<vmem>>) target(%dma_start3A_115 : memref<10240x128xf32, #tpu.memory_space<vmem_shared>>) offsets(%dma_start3A_112 : memref<128xi32, #tpu.memory_space<vmem>>) semaphore(%arg9 : memref<!tpu.dma_semaphore, #tpu.memory_space<semaphore_mem>>) {add = true}
      %add3A_116 = arith.constant 7 : i32
      %add3A_117 = arith.addi %mul3A_60, %add3A_116 : i32
      %dma_start3A_118 = arith.constant 0 : i32
      %dma_start3A_119 = tpu.memref_slice %arg6[%add3A_117, %dma_start3A_118] : memref<80x128xi32, #tpu.memory_space<vmem>> -> memref<1x128xi32, #tpu.memory_space<vmem>>
      %dma_start3A_120 = tpu.memref_squeeze %dma_start3A_119 : memref<1x128xi32, #tpu.memory_space<vmem>> -> memref<128xi32, #tpu.memory_space<vmem>>
      %dma_start3A_121 = arith.constant 0 : i32
      %dma_start3A_122 = arith.constant 0 : i32
      %dma_start3A_123 = tpu.memref_slice %arg8[%dma_start3A_121, %dma_start3A_122] : memref<10240x128xf32, #tpu.memory_space<vmem_shared>> -> memref<10240x128xf32, #tpu.memory_space<vmem_shared>>
      tpu.enqueue_indirect_dma source(%arg7 : memref<128x128xf32, #tpu.memory_space<vmem>>) target(%dma_start3A_123 : memref<10240x128xf32, #tpu.memory_space<vmem_shared>>) offsets(%dma_start3A_120 : memref<128xi32, #tpu.memory_space<vmem>>) semaphore(%arg9 : memref<!tpu.dma_semaphore, #tpu.memory_space<semaphore_mem>>) {add = true}
      %dma_wait3A = arith.constant 0 : i32
      %dma_wait3A_124 = tpu.memref_slice %arg6[%mul3A_60, %dma_wait3A] : memref<80x128xi32, #tpu.memory_space<vmem>> -> memref<1x128xi32, #tpu.memory_space<vmem>>
      %dma_wait3A_125 = tpu.memref_squeeze %dma_wait3A_124 : memref<1x128xi32, #tpu.memory_space<vmem>> -> memref<128xi32, #tpu.memory_space<vmem>>
      %dma_wait3A_126 = arith.constant 0 : i32
      %dma_wait3A_127 = arith.constant 0 : i32
      %dma_wait3A_128 = tpu.memref_slice %arg8[%dma_wait3A_126, %dma_wait3A_127] : memref<10240x128xf32, #tpu.memory_space<vmem_shared>> -> memref<10240x128xf32, #tpu.memory_space<vmem_shared>>
      tpu.wait_indirect_dma semaphore(%arg9 : memref<!tpu.dma_semaphore, #tpu.memory_space<semaphore_mem>>) src(%arg7 : memref<128x128xf32, #tpu.memory_space<vmem>>) dst(%dma_wait3A_128 : memref<10240x128xf32, #tpu.memory_space<vmem_shared>>)
      %dma_wait3A_129 = arith.constant 0 : i32
      %dma_wait3A_130 = tpu.memref_slice %arg6[%mul3A_60, %dma_wait3A_129] : memref<80x128xi32, #tpu.memory_space<vmem>> -> memref<1x128xi32, #tpu.memory_space<vmem>>
      %dma_wait3A_131 = tpu.memref_squeeze %dma_wait3A_130 : memref<1x128xi32, #tpu.memory_space<vmem>> -> memref<128xi32, #tpu.memory_space<vmem>>
      %dma_wait3A_132 = arith.constant 0 : i32
      %dma_wait3A_133 = arith.constant 0 : i32
      %dma_wait3A_134 = tpu.memref_slice %arg8[%dma_wait3A_132, %dma_wait3A_133] : memref<10240x128xf32, #tpu.memory_space<vmem_shared>> -> memref<10240x128xf32, #tpu.memory_space<vmem_shared>>
      tpu.wait_indirect_dma semaphore(%arg9 : memref<!tpu.dma_semaphore, #tpu.memory_space<semaphore_mem>>) src(%arg7 : memref<128x128xf32, #tpu.memory_space<vmem>>) dst(%dma_wait3A_134 : memref<10240x128xf32, #tpu.memory_space<vmem_shared>>)
      %dma_wait3A_135 = arith.constant 0 : i32
      %dma_wait3A_136 = tpu.memref_slice %arg6[%mul3A_60, %dma_wait3A_135] : memref<80x128xi32, #tpu.memory_space<vmem>> -> memref<1x128xi32, #tpu.memory_space<vmem>>
      %dma_wait3A_137 = tpu.memref_squeeze %dma_wait3A_136 : memref<1x128xi32, #tpu.memory_space<vmem>> -> memref<128xi32, #tpu.memory_space<vmem>>
      %dma_wait3A_138 = arith.constant 0 : i32
      %dma_wait3A_139 = arith.constant 0 : i32
      %dma_wait3A_140 = tpu.memref_slice %arg8[%dma_wait3A_138, %dma_wait3A_139] : memref<10240x128xf32, #tpu.memory_space<vmem_shared>> -> memref<10240x128xf32, #tpu.memory_space<vmem_shared>>
      tpu.wait_indirect_dma semaphore(%arg9 : memref<!tpu.dma_semaphore, #tpu.memory_space<semaphore_mem>>) src(%arg7 : memref<128x128xf32, #tpu.memory_space<vmem>>) dst(%dma_wait3A_140 : memref<10240x128xf32, #tpu.memory_space<vmem_shared>>)
      %dma_wait3A_141 = arith.constant 0 : i32
      %dma_wait3A_142 = tpu.memref_slice %arg6[%mul3A_60, %dma_wait3A_141] : memref<80x128xi32, #tpu.memory_space<vmem>> -> memref<1x128xi32, #tpu.memory_space<vmem>>
      %dma_wait3A_143 = tpu.memref_squeeze %dma_wait3A_142 : memref<1x128xi32, #tpu.memory_space<vmem>> -> memref<128xi32, #tpu.memory_space<vmem>>
      %dma_wait3A_144 = arith.constant 0 : i32
      %dma_wait3A_145 = arith.constant 0 : i32
      %dma_wait3A_146 = tpu.memref_slice %arg8[%dma_wait3A_144, %dma_wait3A_145] : memref<10240x128xf32, #tpu.memory_space<vmem_shared>> -> memref<10240x128xf32, #tpu.memory_space<vmem_shared>>
      tpu.wait_indirect_dma semaphore(%arg9 : memref<!tpu.dma_semaphore, #tpu.memory_space<semaphore_mem>>) src(%arg7 : memref<128x128xf32, #tpu.memory_space<vmem>>) dst(%dma_wait3A_146 : memref<10240x128xf32, #tpu.memory_space<vmem_shared>>)
      %dma_wait3A_147 = arith.constant 0 : i32
      %dma_wait3A_148 = tpu.memref_slice %arg6[%mul3A_60, %dma_wait3A_147] : memref<80x128xi32, #tpu.memory_space<vmem>> -> memref<1x128xi32, #tpu.memory_space<vmem>>
      %dma_wait3A_149 = tpu.memref_squeeze %dma_wait3A_148 : memref<1x128xi32, #tpu.memory_space<vmem>> -> memref<128xi32, #tpu.memory_space<vmem>>
      %dma_wait3A_150 = arith.constant 0 : i32
      %dma_wait3A_151 = arith.constant 0 : i32
      %dma_wait3A_152 = tpu.memref_slice %arg8[%dma_wait3A_150, %dma_wait3A_151] : memref<10240x128xf32, #tpu.memory_space<vmem_shared>> -> memref<10240x128xf32, #tpu.memory_space<vmem_shared>>
      tpu.wait_indirect_dma semaphore(%arg9 : memref<!tpu.dma_semaphore, #tpu.memory_space<semaphore_mem>>) src(%arg7 : memref<128x128xf32, #tpu.memory_space<vmem>>) dst(%dma_wait3A_152 : memref<10240x128xf32, #tpu.memory_space<vmem_shared>>)
      %dma_wait3A_153 = arith.constant 0 : i32
      %dma_wait3A_154 = tpu.memref_slice %arg6[%mul3A_60, %dma_wait3A_153] : memref<80x128xi32, #tpu.memory_space<vmem>> -> memref<1x128xi32, #tpu.memory_space<vmem>>
      %dma_wait3A_155 = tpu.memref_squeeze %dma_wait3A_154 : memref<1x128xi32, #tpu.memory_space<vmem>> -> memref<128xi32, #tpu.memory_space<vmem>>
      %dma_wait3A_156 = arith.constant 0 : i32
      %dma_wait3A_157 = arith.constant 0 : i32
      %dma_wait3A_158 = tpu.memref_slice %arg8[%dma_wait3A_156, %dma_wait3A_157] : memref<10240x128xf32, #tpu.memory_space<vmem_shared>> -> memref<10240x128xf32, #tpu.memory_space<vmem_shared>>
      tpu.wait_indirect_dma semaphore(%arg9 : memref<!tpu.dma_semaphore, #tpu.memory_space<semaphore_mem>>) src(%arg7 : memref<128x128xf32, #tpu.memory_space<vmem>>) dst(%dma_wait3A_158 : memref<10240x128xf32, #tpu.memory_space<vmem_shared>>)
      %dma_wait3A_159 = arith.constant 0 : i32
      %dma_wait3A_160 = tpu.memref_slice %arg6[%mul3A_60, %dma_wait3A_159] : memref<80x128xi32, #tpu.memory_space<vmem>> -> memref<1x128xi32, #tpu.memory_space<vmem>>
      %dma_wait3A_161 = tpu.memref_squeeze %dma_wait3A_160 : memref<1x128xi32, #tpu.memory_space<vmem>> -> memref<128xi32, #tpu.memory_space<vmem>>
      %dma_wait3A_162 = arith.constant 0 : i32
      %dma_wait3A_163 = arith.constant 0 : i32
      %dma_wait3A_164 = tpu.memref_slice %arg8[%dma_wait3A_162, %dma_wait3A_163] : memref<10240x128xf32, #tpu.memory_space<vmem_shared>> -> memref<10240x128xf32, #tpu.memory_space<vmem_shared>>
      tpu.wait_indirect_dma semaphore(%arg9 : memref<!tpu.dma_semaphore, #tpu.memory_space<semaphore_mem>>) src(%arg7 : memref<128x128xf32, #tpu.memory_space<vmem>>) dst(%dma_wait3A_164 : memref<10240x128xf32, #tpu.memory_space<vmem_shared>>)
      %dma_wait3A_165 = arith.constant 0 : i32
      %dma_wait3A_166 = tpu.memref_slice %arg6[%mul3A_60, %dma_wait3A_165] : memref<80x128xi32, #tpu.memory_space<vmem>> -> memref<1x128xi32, #tpu.memory_space<vmem>>
      %dma_wait3A_167 = tpu.memref_squeeze %dma_wait3A_166 : memref<1x128xi32, #tpu.memory_space<vmem>> -> memref<128xi32, #tpu.memory_space<vmem>>
      %dma_wait3A_168 = arith.constant 0 : i32
      %dma_wait3A_169 = arith.constant 0 : i32
      %dma_wait3A_170 = tpu.memref_slice %arg8[%dma_wait3A_168, %dma_wait3A_169] : memref<10240x128xf32, #tpu.memory_space<vmem_shared>> -> memref<10240x128xf32, #tpu.memory_space<vmem_shared>>
      tpu.wait_indirect_dma semaphore(%arg9 : memref<!tpu.dma_semaphore, #tpu.memory_space<semaphore_mem>>) src(%arg7 : memref<128x128xf32, #tpu.memory_space<vmem>>) dst(%dma_wait3A_170 : memref<10240x128xf32, #tpu.memory_space<vmem_shared>>)
    }
    %scan3A_21 = arith.constant 10 : i32
    %barrier3A_22 = arith.constant 0 : index
    tpu.barrier barrier_id(%barrier3A_22)
    %add3A_23 = arith.constant 0 : i32
    %add3A_24 = arith.addi %mul3A_4, %add3A_23 : i32
    "tpu.region"() ({
      %run_scoped3A = tpu.sem_alloc : memref<!tpu.dma_semaphore, #tpu.memory_space<semaphore_mem>>
      %dma_start3A = arith.constant 0 : i32
      %dma_start3A_58 = tpu.memref_slice %arg8[%add3A_24, %dma_start3A] : memref<10240x128xf32, #tpu.memory_space<vmem_shared>> -> memref<128x128xf32, #tpu.memory_space<vmem_shared>>
      %dma_start3A_59 = arith.constant 0 : i32
      %dma_start3A_60 = tpu.memref_slice %arg8[%add3A_24, %dma_start3A_59] : memref<10240x128xf32, #tpu.memory_space<vmem_shared>> -> memref<128x128xf32, #tpu.memory_space<vmem_shared>>
      tpu.enqueue_dma source(%dma_start3A_60 : memref<128x128xf32, #tpu.memory_space<vmem_shared>>) target(%arg7 : memref<128x128xf32, #tpu.memory_space<vmem>>) target_semaphore(%run_scoped3A : memref<!tpu.dma_semaphore, #tpu.memory_space<semaphore_mem>>)
      %dma_wait3A = arith.constant 0 : i32
      %dma_wait3A_61 = tpu.memref_slice %arg8[%add3A_24, %dma_wait3A] : memref<10240x128xf32, #tpu.memory_space<vmem_shared>> -> memref<128x128xf32, #tpu.memory_space<vmem_shared>>
      %dma_wait3A_62 = arith.constant 0 : i32
      %dma_wait3A_63 = tpu.memref_slice %arg8[%add3A_24, %dma_wait3A_62] : memref<10240x128xf32, #tpu.memory_space<vmem_shared>> -> memref<128x128xf32, #tpu.memory_space<vmem_shared>>
      tpu.wait_dma2 semaphore(%run_scoped3A : memref<!tpu.dma_semaphore, #tpu.memory_space<semaphore_mem>>) src(%dma_wait3A_63 : memref<128x128xf32, #tpu.memory_space<vmem_shared>>) dst(%arg7 : memref<128x128xf32, #tpu.memory_space<vmem>>)
      tpu.yield
    }) : () -> ()
    %mul3A_25 = arith.constant 10240 : i32
    %mul3A_26 = arith.muli %arg0, %mul3A_25 : i32
    %add3A_27 = arith.addi %mul3A_26, %mul3A_4 : i32
    %add3A_28 = arith.constant 0 : i32
    %add3A_29 = arith.addi %add3A_27, %add3A_28 : i32
    "tpu.region"() ({
      %run_scoped3A = tpu.sem_alloc : memref<!tpu.dma_semaphore, #tpu.memory_space<semaphore_mem>>
      %dma_start3A = arith.constant 0 : i32
      %dma_start3A_58 = tpu.memref_slice %arg5[%add3A_29, %dma_start3A] : memref<20480x128xf32, #tpu.memory_space<hbm>> -> memref<128x128xf32, #tpu.memory_space<hbm>>
      %dma_start3A_59 = arith.constant 0 : i32
      %dma_start3A_60 = tpu.memref_slice %arg5[%add3A_29, %dma_start3A_59] : memref<20480x128xf32, #tpu.memory_space<hbm>> -> memref<128x128xf32, #tpu.memory_space<hbm>>
      tpu.enqueue_dma source(%arg7 : memref<128x128xf32, #tpu.memory_space<vmem>>) target(%dma_start3A_60 : memref<128x128xf32, #tpu.memory_space<hbm>>) target_semaphore(%run_scoped3A : memref<!tpu.dma_semaphore, #tpu.memory_space<semaphore_mem>>)
      %dma_wait3A = arith.constant 0 : i32
      %dma_wait3A_61 = tpu.memref_slice %arg5[%add3A_29, %dma_wait3A] : memref<20480x128xf32, #tpu.memory_space<hbm>> -> memref<128x128xf32, #tpu.memory_space<hbm>>
      %dma_wait3A_62 = arith.constant 0 : i32
      %dma_wait3A_63 = tpu.memref_slice %arg5[%add3A_29, %dma_wait3A_62] : memref<20480x128xf32, #tpu.memory_space<hbm>> -> memref<128x128xf32, #tpu.memory_space<hbm>>
      tpu.wait_dma2 semaphore(%run_scoped3A : memref<!tpu.dma_semaphore, #tpu.memory_space<semaphore_mem>>) src(%arg7 : memref<128x128xf32, #tpu.memory_space<vmem>>) dst(%dma_wait3A_63 : memref<128x128xf32, #tpu.memory_space<hbm>>)
      tpu.yield
    }) : () -> ()
    %add3A_30 = arith.constant 128 : i32
    %add3A_31 = arith.addi %mul3A_4, %add3A_30 : i32
    "tpu.region"() ({
      %run_scoped3A = tpu.sem_alloc : memref<!tpu.dma_semaphore, #tpu.memory_space<semaphore_mem>>
      %dma_start3A = arith.constant 0 : i32
      %dma_start3A_58 = tpu.memref_slice %arg8[%add3A_31, %dma_start3A] : memref<10240x128xf32, #tpu.memory_space<vmem_shared>> -> memref<128x128xf32, #tpu.memory_space<vmem_shared>>
      %dma_start3A_59 = arith.constant 0 : i32
      %dma_start3A_60 = tpu.memref_slice %arg8[%add3A_31, %dma_start3A_59] : memref<10240x128xf32, #tpu.memory_space<vmem_shared>> -> memref<128x128xf32, #tpu.memory_space<vmem_shared>>
      tpu.enqueue_dma source(%dma_start3A_60 : memref<128x128xf32, #tpu.memory_space<vmem_shared>>) target(%arg7 : memref<128x128xf32, #tpu.memory_space<vmem>>) target_semaphore(%run_scoped3A : memref<!tpu.dma_semaphore, #tpu.memory_space<semaphore_mem>>)
      %dma_wait3A = arith.constant 0 : i32
      %dma_wait3A_61 = tpu.memref_slice %arg8[%add3A_31, %dma_wait3A] : memref<10240x128xf32, #tpu.memory_space<vmem_shared>> -> memref<128x128xf32, #tpu.memory_space<vmem_shared>>
      %dma_wait3A_62 = arith.constant 0 : i32
      %dma_wait3A_63 = tpu.memref_slice %arg8[%add3A_31, %dma_wait3A_62] : memref<10240x128xf32, #tpu.memory_space<vmem_shared>> -> memref<128x128xf32, #tpu.memory_space<vmem_shared>>
      tpu.wait_dma2 semaphore(%run_scoped3A : memref<!tpu.dma_semaphore, #tpu.memory_space<semaphore_mem>>) src(%dma_wait3A_63 : memref<128x128xf32, #tpu.memory_space<vmem_shared>>) dst(%arg7 : memref<128x128xf32, #tpu.memory_space<vmem>>)
      tpu.yield
    }) : () -> ()
    %mul3A_32 = arith.constant 10240 : i32
    %mul3A_33 = arith.muli %arg0, %mul3A_32 : i32
    %add3A_34 = arith.addi %mul3A_33, %mul3A_4 : i32
    %add3A_35 = arith.constant 128 : i32
    %add3A_36 = arith.addi %add3A_34, %add3A_35 : i32
    "tpu.region"() ({
      %run_scoped3A = tpu.sem_alloc : memref<!tpu.dma_semaphore, #tpu.memory_space<semaphore_mem>>
      %dma_start3A = arith.constant 0 : i32
      %dma_start3A_58 = tpu.memref_slice %arg5[%add3A_36, %dma_start3A] : memref<20480x128xf32, #tpu.memory_space<hbm>> -> memref<128x128xf32, #tpu.memory_space<hbm>>
      %dma_start3A_59 = arith.constant 0 : i32
      %dma_start3A_60 = tpu.memref_slice %arg5[%add3A_36, %dma_start3A_59] : memref<20480x128xf32, #tpu.memory_space<hbm>> -> memref<128x128xf32, #tpu.memory_space<hbm>>
      tpu.enqueue_dma source(%arg7 : memref<128x128xf32, #tpu.memory_space<vmem>>) target(%dma_start3A_60 : memref<128x128xf32, #tpu.memory_space<hbm>>) target_semaphore(%run_scoped3A : memref<!tpu.dma_semaphore, #tpu.memory_space<semaphore_mem>>)
      %dma_wait3A = arith.constant 0 : i32
      %dma_wait3A_61 = tpu.memref_slice %arg5[%add3A_36, %dma_wait3A] : memref<20480x128xf32, #tpu.memory_space<hbm>> -> memref<128x128xf32, #tpu.memory_space<hbm>>
      %dma_wait3A_62 = arith.constant 0 : i32
      %dma_wait3A_63 = tpu.memref_slice %arg5[%add3A_36, %dma_wait3A_62] : memref<20480x128xf32, #tpu.memory_space<hbm>> -> memref<128x128xf32, #tpu.memory_space<hbm>>
      tpu.wait_dma2 semaphore(%run_scoped3A : memref<!tpu.dma_semaphore, #tpu.memory_space<semaphore_mem>>) src(%arg7 : memref<128x128xf32, #tpu.memory_space<vmem>>) dst(%dma_wait3A_63 : memref<128x128xf32, #tpu.memory_space<hbm>>)
      tpu.yield
    }) : () -> ()
    %add3A_37 = arith.constant 256 : i32
    %add3A_38 = arith.addi %mul3A_4, %add3A_37 : i32
    "tpu.region"() ({
      %run_scoped3A = tpu.sem_alloc : memref<!tpu.dma_semaphore, #tpu.memory_space<semaphore_mem>>
      %dma_start3A = arith.constant 0 : i32
      %dma_start3A_58 = tpu.memref_slice %arg8[%add3A_38, %dma_start3A] : memref<10240x128xf32, #tpu.memory_space<vmem_shared>> -> memref<128x128xf32, #tpu.memory_space<vmem_shared>>
      %dma_start3A_59 = arith.constant 0 : i32
      %dma_start3A_60 = tpu.memref_slice %arg8[%add3A_38, %dma_start3A_59] : memref<10240x128xf32, #tpu.memory_space<vmem_shared>> -> memref<128x128xf32, #tpu.memory_space<vmem_shared>>
      tpu.enqueue_dma source(%dma_start3A_60 : memref<128x128xf32, #tpu.memory_space<vmem_shared>>) target(%arg7 : memref<128x128xf32, #tpu.memory_space<vmem>>) target_semaphore(%run_scoped3A : memref<!tpu.dma_semaphore, #tpu.memory_space<semaphore_mem>>)
      %dma_wait3A = arith.constant 0 : i32
      %dma_wait3A_61 = tpu.memref_slice %arg8[%add3A_38, %dma_wait3A] : memref<10240x128xf32, #tpu.memory_space<vmem_shared>> -> memref<128x128xf32, #tpu.memory_space<vmem_shared>>
      %dma_wait3A_62 = arith.constant 0 : i32
      %dma_wait3A_63 = tpu.memref_slice %arg8[%add3A_38, %dma_wait3A_62] : memref<10240x128xf32, #tpu.memory_space<vmem_shared>> -> memref<128x128xf32, #tpu.memory_space<vmem_shared>>
      tpu.wait_dma2 semaphore(%run_scoped3A : memref<!tpu.dma_semaphore, #tpu.memory_space<semaphore_mem>>) src(%dma_wait3A_63 : memref<128x128xf32, #tpu.memory_space<vmem_shared>>) dst(%arg7 : memref<128x128xf32, #tpu.memory_space<vmem>>)
      tpu.yield
    }) : () -> ()
    %mul3A_39 = arith.constant 10240 : i32
    %mul3A_40 = arith.muli %arg0, %mul3A_39 : i32
    %add3A_41 = arith.addi %mul3A_40, %mul3A_4 : i32
    %add3A_42 = arith.constant 256 : i32
    %add3A_43 = arith.addi %add3A_41, %add3A_42 : i32
    "tpu.region"() ({
      %run_scoped3A = tpu.sem_alloc : memref<!tpu.dma_semaphore, #tpu.memory_space<semaphore_mem>>
      %dma_start3A = arith.constant 0 : i32
      %dma_start3A_58 = tpu.memref_slice %arg5[%add3A_43, %dma_start3A] : memref<20480x128xf32, #tpu.memory_space<hbm>> -> memref<128x128xf32, #tpu.memory_space<hbm>>
      %dma_start3A_59 = arith.constant 0 : i32
      %dma_start3A_60 = tpu.memref_slice %arg5[%add3A_43, %dma_start3A_59] : memref<20480x128xf32, #tpu.memory_space<hbm>> -> memref<128x128xf32, #tpu.memory_space<hbm>>
      tpu.enqueue_dma source(%arg7 : memref<128x128xf32, #tpu.memory_space<vmem>>) target(%dma_start3A_60 : memref<128x128xf32, #tpu.memory_space<hbm>>) target_semaphore(%run_scoped3A : memref<!tpu.dma_semaphore, #tpu.memory_space<semaphore_mem>>)
      %dma_wait3A = arith.constant 0 : i32
      %dma_wait3A_61 = tpu.memref_slice %arg5[%add3A_43, %dma_wait3A] : memref<20480x128xf32, #tpu.memory_space<hbm>> -> memref<128x128xf32, #tpu.memory_space<hbm>>
      %dma_wait3A_62 = arith.constant 0 : i32
      %dma_wait3A_63 = tpu.memref_slice %arg5[%add3A_43, %dma_wait3A_62] : memref<20480x128xf32, #tpu.memory_space<hbm>> -> memref<128x128xf32, #tpu.memory_space<hbm>>
      tpu.wait_dma2 semaphore(%run_scoped3A : memref<!tpu.dma_semaphore, #tpu.memory_space<semaphore_mem>>) src(%arg7 : memref<128x128xf32, #tpu.memory_space<vmem>>) dst(%dma_wait3A_63 : memref<128x128xf32, #tpu.memory_space<hbm>>)
      tpu.yield
    }) : () -> ()
    %add3A_44 = arith.constant 384 : i32
    %add3A_45 = arith.addi %mul3A_4, %add3A_44 : i32
    "tpu.region"() ({
      %run_scoped3A = tpu.sem_alloc : memref<!tpu.dma_semaphore, #tpu.memory_space<semaphore_mem>>
      %dma_start3A = arith.constant 0 : i32
      %dma_start3A_58 = tpu.memref_slice %arg8[%add3A_45, %dma_start3A] : memref<10240x128xf32, #tpu.memory_space<vmem_shared>> -> memref<128x128xf32, #tpu.memory_space<vmem_shared>>
      %dma_start3A_59 = arith.constant 0 : i32
      %dma_start3A_60 = tpu.memref_slice %arg8[%add3A_45, %dma_start3A_59] : memref<10240x128xf32, #tpu.memory_space<vmem_shared>> -> memref<128x128xf32, #tpu.memory_space<vmem_shared>>
      tpu.enqueue_dma source(%dma_start3A_60 : memref<128x128xf32, #tpu.memory_space<vmem_shared>>) target(%arg7 : memref<128x128xf32, #tpu.memory_space<vmem>>) target_semaphore(%run_scoped3A : memref<!tpu.dma_semaphore, #tpu.memory_space<semaphore_mem>>)
      %dma_wait3A = arith.constant 0 : i32
      %dma_wait3A_61 = tpu.memref_slice %arg8[%add3A_45, %dma_wait3A] : memref<10240x128xf32, #tpu.memory_space<vmem_shared>> -> memref<128x128xf32, #tpu.memory_space<vmem_shared>>
      %dma_wait3A_62 = arith.constant 0 : i32
      %dma_wait3A_63 = tpu.memref_slice %arg8[%add3A_45, %dma_wait3A_62] : memref<10240x128xf32, #tpu.memory_space<vmem_shared>> -> memref<128x128xf32, #tpu.memory_space<vmem_shared>>
      tpu.wait_dma2 semaphore(%run_scoped3A : memref<!tpu.dma_semaphore, #tpu.memory_space<semaphore_mem>>) src(%dma_wait3A_63 : memref<128x128xf32, #tpu.memory_space<vmem_shared>>) dst(%arg7 : memref<128x128xf32, #tpu.memory_space<vmem>>)
      tpu.yield
    }) : () -> ()
    %mul3A_46 = arith.constant 10240 : i32
    %mul3A_47 = arith.muli %arg0, %mul3A_46 : i32
    %add3A_48 = arith.addi %mul3A_47, %mul3A_4 : i32
    %add3A_49 = arith.constant 384 : i32
    %add3A_50 = arith.addi %add3A_48, %add3A_49 : i32
    "tpu.region"() ({
      %run_scoped3A = tpu.sem_alloc : memref<!tpu.dma_semaphore, #tpu.memory_space<semaphore_mem>>
      %dma_start3A = arith.constant 0 : i32
      %dma_start3A_58 = tpu.memref_slice %arg5[%add3A_50, %dma_start3A] : memref<20480x128xf32, #tpu.memory_space<hbm>> -> memref<128x128xf32, #tpu.memory_space<hbm>>
      %dma_start3A_59 = arith.constant 0 : i32
      %dma_start3A_60 = tpu.memref_slice %arg5[%add3A_50, %dma_start3A_59] : memref<20480x128xf32, #tpu.memory_space<hbm>> -> memref<128x128xf32, #tpu.memory_space<hbm>>
      tpu.enqueue_dma source(%arg7 : memref<128x128xf32, #tpu.memory_space<vmem>>) target(%dma_start3A_60 : memref<128x128xf32, #tpu.memory_space<hbm>>) target_semaphore(%run_scoped3A : memref<!tpu.dma_semaphore, #tpu.memory_space<semaphore_mem>>)
      %dma_wait3A = arith.constant 0 : i32
      %dma_wait3A_61 = tpu.memref_slice %arg5[%add3A_50, %dma_wait3A] : memref<20480x128xf32, #tpu.memory_space<hbm>> -> memref<128x128xf32, #tpu.memory_space<hbm>>
      %dma_wait3A_62 = arith.constant 0 : i32
      %dma_wait3A_63 = tpu.memref_slice %arg5[%add3A_50, %dma_wait3A_62] : memref<20480x128xf32, #tpu.memory_space<hbm>> -> memref<128x128xf32, #tpu.memory_space<hbm>>
      tpu.wait_dma2 semaphore(%run_scoped3A : memref<!tpu.dma_semaphore, #tpu.memory_space<semaphore_mem>>) src(%arg7 : memref<128x128xf32, #tpu.memory_space<vmem>>) dst(%dma_wait3A_63 : memref<128x128xf32, #tpu.memory_space<hbm>>)
      tpu.yield
    }) : () -> ()
    %add3A_51 = arith.constant 512 : i32
    %add3A_52 = arith.addi %mul3A_4, %add3A_51 : i32
    "tpu.region"() ({
      %run_scoped3A = tpu.sem_alloc : memref<!tpu.dma_semaphore, #tpu.memory_space<semaphore_mem>>
      %dma_start3A = arith.constant 0 : i32
      %dma_start3A_58 = tpu.memref_slice %arg8[%add3A_52, %dma_start3A] : memref<10240x128xf32, #tpu.memory_space<vmem_shared>> -> memref<128x128xf32, #tpu.memory_space<vmem_shared>>
      %dma_start3A_59 = arith.constant 0 : i32
      %dma_start3A_60 = tpu.memref_slice %arg8[%add3A_52, %dma_start3A_59] : memref<10240x128xf32, #tpu.memory_space<vmem_shared>> -> memref<128x128xf32, #tpu.memory_space<vmem_shared>>
      tpu.enqueue_dma source(%dma_start3A_60 : memref<128x128xf32, #tpu.memory_space<vmem_shared>>) target(%arg7 : memref<128x128xf32, #tpu.memory_space<vmem>>) target_semaphore(%run_scoped3A : memref<!tpu.dma_semaphore, #tpu.memory_space<semaphore_mem>>)
      %dma_wait3A = arith.constant 0 : i32
      %dma_wait3A_61 = tpu.memref_slice %arg8[%add3A_52, %dma_wait3A] : memref<10240x128xf32, #tpu.memory_space<vmem_shared>> -> memref<128x128xf32, #tpu.memory_space<vmem_shared>>
      %dma_wait3A_62 = arith.constant 0 : i32
      %dma_wait3A_63 = tpu.memref_slice %arg8[%add3A_52, %dma_wait3A_62] : memref<10240x128xf32, #tpu.memory_space<vmem_shared>> -> memref<128x128xf32, #tpu.memory_space<vmem_shared>>
      tpu.wait_dma2 semaphore(%run_scoped3A : memref<!tpu.dma_semaphore, #tpu.memory_space<semaphore_mem>>) src(%dma_wait3A_63 : memref<128x128xf32, #tpu.memory_space<vmem_shared>>) dst(%arg7 : memref<128x128xf32, #tpu.memory_space<vmem>>)
      tpu.yield
    }) : () -> ()
    %mul3A_53 = arith.constant 10240 : i32
    %mul3A_54 = arith.muli %arg0, %mul3A_53 : i32
    %add3A_55 = arith.addi %mul3A_54, %mul3A_4 : i32
    %add3A_56 = arith.constant 512 : i32
    %add3A_57 = arith.addi %add3A_55, %add3A_56 : i32
    "tpu.region"() ({
      %run_scoped3A = tpu.sem_alloc : memref<!tpu.dma_semaphore, #tpu.memory_space<semaphore_mem>>
      %dma_start3A = arith.constant 0 : i32
      %dma_start3A_58 = tpu.memref_slice %arg5[%add3A_57, %dma_start3A] : memref<20480x128xf32, #tpu.memory_space<hbm>> -> memref<128x128xf32, #tpu.memory_space<hbm>>
      %dma_start3A_59 = arith.constant 0 : i32
      %dma_start3A_60 = tpu.memref_slice %arg5[%add3A_57, %dma_start3A_59] : memref<20480x128xf32, #tpu.memory_space<hbm>> -> memref<128x128xf32, #tpu.memory_space<hbm>>
      tpu.enqueue_dma source(%arg7 : memref<128x128xf32, #tpu.memory_space<vmem>>) target(%dma_start3A_60 : memref<128x128xf32, #tpu.memory_space<hbm>>) target_semaphore(%run_scoped3A : memref<!tpu.dma_semaphore, #tpu.memory_space<semaphore_mem>>)
      %dma_wait3A = arith.constant 0 : i32
      %dma_wait3A_61 = tpu.memref_slice %arg5[%add3A_57, %dma_wait3A] : memref<20480x128xf32, #tpu.memory_space<hbm>> -> memref<128x128xf32, #tpu.memory_space<hbm>>
      %dma_wait3A_62 = arith.constant 0 : i32
      %dma_wait3A_63 = tpu.memref_slice %arg5[%add3A_57, %dma_wait3A_62] : memref<20480x128xf32, #tpu.memory_space<hbm>> -> memref<128x128xf32, #tpu.memory_space<hbm>>
      tpu.wait_dma2 semaphore(%run_scoped3A : memref<!tpu.dma_semaphore, #tpu.memory_space<semaphore_mem>>) src(%arg7 : memref<128x128xf32, #tpu.memory_space<vmem>>) dst(%dma_wait3A_63 : memref<128x128xf32, #tpu.memory_space<hbm>>)
      tpu.yield
    }) : () -> ()
    return
  }
}

module attributes {stable_mosaic.version = 14 : i64} {
  func.func @_tc_first_body(%arg0: i32, %arg1: memref<2000x128xf32, #tpu.memory_space<vmem>>, %arg2: memref<128x128xf32, #tpu.memory_space<vmem>>, %arg3: memref<128x128xf32, #tpu.memory_space<vmem>>, %arg4: memref<1x128xf32, #tpu.memory_space<vmem>>, %arg5: memref<2000x128xf32, #tpu.memory_space<vmem>>, %arg6: memref<2000x128xf32, #tpu.memory_space<vmem>>) attributes {dimension_semantics = [#tpu.dimension_semantics<arbitrary>], iteration_bounds = array<i64: 5>, scalar_prefetch = 0 : i64, scratch_operands = 0 : i64, tpu.core_type = #tpu.core_type<tc>, window_params = [{transform_indices = @transform_0, window_bounds = array<i64: 2000, 128>}, {pipeline_mode = #tpu.pipeline_mode<synchronous>, transform_indices = @transform_1, window_bounds = array<i64: 128, 128>}, {pipeline_mode = #tpu.pipeline_mode<synchronous>, transform_indices = @transform_2, window_bounds = array<i64: 128, 128>}, {pipeline_mode = #tpu.pipeline_mode<synchronous>, transform_indices = @transform_3, window_bounds = array<i64: 1, 128>}, {transform_indices = @transform_4, window_bounds = array<i64: 2000, 128>}, {transform_indices = @transform_5, window_bounds = array<i64: 2000, 128>}]} {
    %get3A = arith.constant 0 : index
    %get3A_0 = arith.constant 0 : index
    %get3A_1 = vector.load %arg1[%get3A, %get3A_0] : memref<2000x128xf32, #tpu.memory_space<vmem>>, vector<2000x128xf32>
    %get3A_2 = arith.constant 0 : index
    %get3A_3 = arith.constant 0 : index
    %get3A_4 = vector.load %arg2[%get3A_2, %get3A_3] : memref<128x128xf32, #tpu.memory_space<vmem>>, vector<128x128xf32>
    %dot_general3A = arith.constant dense<0.000000e+00> : vector<2000x128xf32>
    %dot_general3A_5 = tpu.matmul %get3A_1, %get3A_4, %dot_general3A {dimension_numbers = #tpu.dot_dimension_numbers<[1], [0], [0], [1], [0, 0, 1, 1], [], []>, transpose_lhs_hint = false} : vector<2000x128xf32>, vector<128x128xf32>, vector<2000x128xf32> -> vector<2000x128xf32>
    %swap3A = arith.constant 0 : index
    %swap3A_6 = arith.constant 0 : index
    %swap3A_7 = vector.load %arg5[%swap3A, %swap3A_6] : memref<2000x128xf32, #tpu.memory_space<vmem>>, vector<2000x128xf32>
    tpu.vector_store %arg5[%swap3A, %swap3A_6], %dot_general3A_5 {strides = array<i32>} : memref<2000x128xf32, #tpu.memory_space<vmem>>, vector<2000x128xf32>,
    %get3A_8 = arith.constant 0 : index
    %get3A_9 = arith.constant 0 : index
    %get3A_10 = vector.load %arg3[%get3A_8, %get3A_9] : memref<128x128xf32, #tpu.memory_space<vmem>>, vector<128x128xf32>
    %dot_general3A_11 = arith.constant dense<0.000000e+00> : vector<2000x128xf32>
    %dot_general3A_12 = tpu.matmul %get3A_1, %get3A_10, %dot_general3A_11 {dimension_numbers = #tpu.dot_dimension_numbers<[1], [0], [0], [1], [0, 0, 1, 1], [], []>, transpose_lhs_hint = false} : vector<2000x128xf32>, vector<128x128xf32>, vector<2000x128xf32> -> vector<2000x128xf32>
    %get3A_13 = arith.constant 0 : index
    %get3A_14 = arith.constant 0 : index
    %get3A_15 = vector.load %arg4[%get3A_13, %get3A_14] : memref<1x128xf32, #tpu.memory_space<vmem>>, vector<1x128xf32>
    %add3A = vector.broadcast %get3A_15 : vector<1x128xf32> to vector<2000x128xf32>
    %add3A_16 = arith.addf %dot_general3A_12, %add3A : vector<2000x128xf32>
    %swap3A_17 = arith.constant 0 : index
    %swap3A_18 = arith.constant 0 : index
    %swap3A_19 = vector.load %arg6[%swap3A_17, %swap3A_18] : memref<2000x128xf32, #tpu.memory_space<vmem>>, vector<2000x128xf32>
    tpu.vector_store %arg6[%swap3A_17, %swap3A_18], %add3A_16 {strides = array<i32>} : memref<2000x128xf32, #tpu.memory_space<vmem>>, vector<2000x128xf32>,
    return
  }
  func.func @transform_0(%arg0: i32) -> (i32, i32) {
    %c0_i32 = arith.constant 0 : i32
    %c0_i32_0 = arith.constant 0 : i32
    return %arg0, %c0_i32 : i32, i32
  }
  func.func @transform_1(%arg0: i32) -> (i32, i32) {
    %c0_i32 = arith.constant 0 : i32
    %c0_i32_0 = arith.constant 0 : i32
    %c0_i32_1 = arith.constant 0 : i32
    return %c0_i32, %c0_i32_0 : i32, i32
  }
  func.func @transform_2(%arg0: i32) -> (i32, i32) {
    %c0_i32 = arith.constant 0 : i32
    %c0_i32_0 = arith.constant 0 : i32
    %c0_i32_1 = arith.constant 0 : i32
    return %c0_i32, %c0_i32_0 : i32, i32
  }
  func.func @transform_3(%arg0: i32) -> (i32, i32) {
    %c0_i32 = arith.constant 0 : i32
    %c0_i32_0 = arith.constant 0 : i32
    %c0_i32_1 = arith.constant 0 : i32
    return %c0_i32, %c0_i32_0 : i32, i32
  }
  func.func @transform_4(%arg0: i32) -> (i32, i32) {
    %c0_i32 = arith.constant 0 : i32
    %c0_i32_0 = arith.constant 0 : i32
    return %arg0, %c0_i32 : i32, i32
  }
  func.func @transform_5(%arg0: i32) -> (i32, i32) {
    %c0_i32 = arith.constant 0 : i32
    %c0_i32_0 = arith.constant 0 : i32
    return %arg0, %c0_i32 : i32, i32
  }
}

module attributes {stable_mosaic.version = 14 : i64} {
  func.func @_tc_mid_body(%arg0: i32, %arg1: memref<2000x128xf32, #tpu.memory_space<vmem>>, %arg2: memref<2x2000x128xf32, #tpu.memory_space<vmem>>, %arg3: memref<2x2000x128xf32, #tpu.memory_space<vmem>>, %arg4: memref<128x128xf32, #tpu.memory_space<vmem>>, %arg5: memref<128x128xf32, #tpu.memory_space<vmem>>, %arg6: memref<1x128xf32, #tpu.memory_space<vmem>>, %arg7: memref<2000x128xf32, #tpu.memory_space<vmem>>, %arg8: memref<2000x128xf32, #tpu.memory_space<vmem>>) attributes {dimension_semantics = [#tpu.dimension_semantics<arbitrary>], iteration_bounds = array<i64: 5>, scalar_prefetch = 0 : i64, scratch_operands = 0 : i64, tpu.core_type = #tpu.core_type<tc>, window_params = [{transform_indices = @transform_0, window_bounds = array<i64: 2000, 128>}, {transform_indices = @transform_1, window_bounds = array<i64: 2, 2000, 128>}, {transform_indices = @transform_2, window_bounds = array<i64: 2, 2000, 128>}, {pipeline_mode = #tpu.pipeline_mode<synchronous>, transform_indices = @transform_3, window_bounds = array<i64: 128, 128>}, {pipeline_mode = #tpu.pipeline_mode<synchronous>, transform_indices = @transform_4, window_bounds = array<i64: 128, 128>}, {pipeline_mode = #tpu.pipeline_mode<synchronous>, transform_indices = @transform_5, window_bounds = array<i64: 1, 128>}, {transform_indices = @transform_6, window_bounds = array<i64: 2000, 128>}, {transform_indices = @transform_7, window_bounds = array<i64: 2000, 128>}]} {
    %get3A = arith.constant 0 : index
    %get3A_0 = arith.constant 0 : index
    %get3A_1 = arith.constant 0 : index
    %get3A_2 = vector.load %arg2[%get3A, %get3A_0, %get3A_1] : memref<2x2000x128xf32, #tpu.memory_space<vmem>>, vector<1x2000x128xf32>
    %get3A_3 = vector.shape_cast %get3A_2 : vector<1x2000x128xf32> to vector<2000x128xf32>
    %get3A_4 = arith.constant 1 : index
    %get3A_5 = arith.constant 0 : index
    %get3A_6 = arith.constant 0 : index
    %get3A_7 = vector.load %arg2[%get3A_4, %get3A_5, %get3A_6] : memref<2x2000x128xf32, #tpu.memory_space<vmem>>, vector<1x2000x128xf32>
    %get3A_8 = vector.shape_cast %get3A_7 : vector<1x2000x128xf32> to vector<2000x128xf32>
    %add3A = arith.addf %get3A_3, %get3A_8 : vector<2000x128xf32>
    %get3A_9 = arith.constant 0 : index
    %get3A_10 = arith.constant 0 : index
    %get3A_11 = arith.constant 0 : index
    %get3A_12 = vector.load %arg3[%get3A_9, %get3A_10, %get3A_11] : memref<2x2000x128xf32, #tpu.memory_space<vmem>>, vector<1x2000x1xf32>
    %get3A_13 = vector.shape_cast %get3A_12 : vector<1x2000x1xf32> to vector<2000x1xf32>
    %get3A_14 = arith.constant 1 : index
    %get3A_15 = arith.constant 0 : index
    %get3A_16 = arith.constant 0 : index
    %get3A_17 = vector.load %arg3[%get3A_14, %get3A_15, %get3A_16] : memref<2x2000x128xf32, #tpu.memory_space<vmem>>, vector<1x2000x1xf32>
    %get3A_18 = vector.shape_cast %get3A_17 : vector<1x2000x1xf32> to vector<2000x1xf32>
    %add3A_19 = arith.addf %get3A_13, %get3A_18 : vector<2000x1xf32>
    %max3A = arith.constant 1.000000e+00 : f32
    %max3A_20 = vector.broadcast %max3A : f32 to vector<2000x1xf32>
    %max3A_21 = arith.maximumf %add3A_19, %max3A_20 : vector<2000x1xf32>
    %get3A_22 = arith.constant 0 : index
    %get3A_23 = arith.constant 0 : index
    %get3A_24 = vector.load %arg1[%get3A_22, %get3A_23] : memref<2000x128xf32, #tpu.memory_space<vmem>>, vector<2000x128xf32>
    %div3A = vector.broadcast %max3A_21 : vector<2000x1xf32> to vector<2000x128xf32>
    %div3A_25 = arith.divf %add3A, %div3A : vector<2000x128xf32>
    %add3A_26 = arith.addf %get3A_24, %div3A_25 : vector<2000x128xf32>
    %max3A_27 = arith.constant 0.000000e+00 : f32
    %max3A_28 = vector.broadcast %max3A_27 : f32 to vector<2000x128xf32>
    %max3A_29 = arith.maximumf %add3A_26, %max3A_28 : vector<2000x128xf32>
    %get3A_30 = arith.constant 0 : index
    %get3A_31 = arith.constant 0 : index
    %get3A_32 = vector.load %arg4[%get3A_30, %get3A_31] : memref<128x128xf32, #tpu.memory_space<vmem>>, vector<128x128xf32>
    %dot_general3A = arith.constant dense<0.000000e+00> : vector<2000x128xf32>
    %dot_general3A_33 = tpu.matmul %max3A_29, %get3A_32, %dot_general3A {dimension_numbers = #tpu.dot_dimension_numbers<[1], [0], [0], [1], [0, 0, 1, 1], [], []>, transpose_lhs_hint = false} : vector<2000x128xf32>, vector<128x128xf32>, vector<2000x128xf32> -> vector<2000x128xf32>
    %swap3A = arith.constant 0 : index
    %swap3A_34 = arith.constant 0 : index
    %swap3A_35 = vector.load %arg7[%swap3A, %swap3A_34] : memref<2000x128xf32, #tpu.memory_space<vmem>>, vector<2000x128xf32>
    tpu.vector_store %arg7[%swap3A, %swap3A_34], %dot_general3A_33 {strides = array<i32>} : memref<2000x128xf32, #tpu.memory_space<vmem>>, vector<2000x128xf32>,
    %get3A_36 = arith.constant 0 : index
    %get3A_37 = arith.constant 0 : index
    %get3A_38 = vector.load %arg5[%get3A_36, %get3A_37] : memref<128x128xf32, #tpu.memory_space<vmem>>, vector<128x128xf32>
    %dot_general3A_39 = arith.constant dense<0.000000e+00> : vector<2000x128xf32>
    %dot_general3A_40 = tpu.matmul %max3A_29, %get3A_38, %dot_general3A_39 {dimension_numbers = #tpu.dot_dimension_numbers<[1], [0], [0], [1], [0, 0, 1, 1], [], []>, transpose_lhs_hint = false} : vector<2000x128xf32>, vector<128x128xf32>, vector<2000x128xf32> -> vector<2000x128xf32>
    %get3A_41 = arith.constant 0 : index
    %get3A_42 = arith.constant 0 : index
    %get3A_43 = vector.load %arg6[%get3A_41, %get3A_42] : memref<1x128xf32, #tpu.memory_space<vmem>>, vector<1x128xf32>
    %add3A_44 = vector.broadcast %get3A_43 : vector<1x128xf32> to vector<2000x128xf32>
    %add3A_45 = arith.addf %dot_general3A_40, %add3A_44 : vector<2000x128xf32>
    %swap3A_46 = arith.constant 0 : index
    %swap3A_47 = arith.constant 0 : index
    %swap3A_48 = vector.load %arg8[%swap3A_46, %swap3A_47] : memref<2000x128xf32, #tpu.memory_space<vmem>>, vector<2000x128xf32>
    tpu.vector_store %arg8[%swap3A_46, %swap3A_47], %add3A_45 {strides = array<i32>} : memref<2000x128xf32, #tpu.memory_space<vmem>>, vector<2000x128xf32>,
    return
  }
  func.func @transform_0(%arg0: i32) -> (i32, i32) {
    %c0_i32 = arith.constant 0 : i32
    %c0_i32_0 = arith.constant 0 : i32
    return %arg0, %c0_i32 : i32, i32
  }
  func.func @transform_1(%arg0: i32) -> (i32, i32, i32) {
    %c0_i32 = arith.constant 0 : i32
    %c0_i32_0 = arith.constant 0 : i32
    %c0_i32_1 = arith.constant 0 : i32
    return %c0_i32, %arg0, %c0_i32_0 : i32, i32, i32
  }
  func.func @transform_2(%arg0: i32) -> (i32, i32, i32) {
    %c0_i32 = arith.constant 0 : i32
    %c0_i32_0 = arith.constant 0 : i32
    %c0_i32_1 = arith.constant 0 : i32
    return %c0_i32, %arg0, %c0_i32_0 : i32, i32, i32
  }
  func.func @transform_3(%arg0: i32) -> (i32, i32) {
    %c0_i32 = arith.constant 0 : i32
    %c0_i32_0 = arith.constant 0 : i32
    %c0_i32_1 = arith.constant 0 : i32
    return %c0_i32, %c0_i32_0 : i32, i32
  }
  func.func @transform_4(%arg0: i32) -> (i32, i32) {
    %c0_i32 = arith.constant 0 : i32
    %c0_i32_0 = arith.constant 0 : i32
    %c0_i32_1 = arith.constant 0 : i32
    return %c0_i32, %c0_i32_0 : i32, i32
  }
  func.func @transform_5(%arg0: i32) -> (i32, i32) {
    %c0_i32 = arith.constant 0 : i32
    %c0_i32_0 = arith.constant 0 : i32
    %c0_i32_1 = arith.constant 0 : i32
    return %c0_i32, %c0_i32_0 : i32, i32
  }
  func.func @transform_6(%arg0: i32) -> (i32, i32) {
    %c0_i32 = arith.constant 0 : i32
    %c0_i32_0 = arith.constant 0 : i32
    return %arg0, %c0_i32 : i32, i32
  }
  func.func @transform_7(%arg0: i32) -> (i32, i32) {
    %c0_i32 = arith.constant 0 : i32
    %c0_i32_0 = arith.constant 0 : i32
    return %arg0, %c0_i32 : i32, i32
  }
}

module attributes {stable_mosaic.version = 14 : i64} {
  func.func @_tc_last_body(%arg0: i32, %arg1: memref<2000x128xf32, #tpu.memory_space<vmem>>, %arg2: memref<2x2000x128xf32, #tpu.memory_space<vmem>>, %arg3: memref<2x2000x128xf32, #tpu.memory_space<vmem>>, %arg4: memref<2000x128xf32, #tpu.memory_space<vmem>>) attributes {dimension_semantics = [#tpu.dimension_semantics<arbitrary>], iteration_bounds = array<i64: 5>, scalar_prefetch = 0 : i64, scratch_operands = 0 : i64, tpu.core_type = #tpu.core_type<tc>, window_params = [{transform_indices = @transform_0, window_bounds = array<i64: 2000, 128>}, {transform_indices = @transform_1, window_bounds = array<i64: 2, 2000, 128>}, {transform_indices = @transform_2, window_bounds = array<i64: 2, 2000, 128>}, {transform_indices = @transform_3, window_bounds = array<i64: 2000, 128>}]} {
    %get3A = arith.constant 0 : index
    %get3A_0 = arith.constant 0 : index
    %get3A_1 = arith.constant 0 : index
    %get3A_2 = vector.load %arg2[%get3A, %get3A_0, %get3A_1] : memref<2x2000x128xf32, #tpu.memory_space<vmem>>, vector<1x2000x128xf32>
    %get3A_3 = vector.shape_cast %get3A_2 : vector<1x2000x128xf32> to vector<2000x128xf32>
    %get3A_4 = arith.constant 1 : index
    %get3A_5 = arith.constant 0 : index
    %get3A_6 = arith.constant 0 : index
    %get3A_7 = vector.load %arg2[%get3A_4, %get3A_5, %get3A_6] : memref<2x2000x128xf32, #tpu.memory_space<vmem>>, vector<1x2000x128xf32>
    %get3A_8 = vector.shape_cast %get3A_7 : vector<1x2000x128xf32> to vector<2000x128xf32>
    %add3A = arith.addf %get3A_3, %get3A_8 : vector<2000x128xf32>
    %get3A_9 = arith.constant 0 : index
    %get3A_10 = arith.constant 0 : index
    %get3A_11 = arith.constant 0 : index
    %get3A_12 = vector.load %arg3[%get3A_9, %get3A_10, %get3A_11] : memref<2x2000x128xf32, #tpu.memory_space<vmem>>, vector<1x2000x1xf32>
    %get3A_13 = vector.shape_cast %get3A_12 : vector<1x2000x1xf32> to vector<2000x1xf32>
    %get3A_14 = arith.constant 1 : index
    %get3A_15 = arith.constant 0 : index
    %get3A_16 = arith.constant 0 : index
    %get3A_17 = vector.load %arg3[%get3A_14, %get3A_15, %get3A_16] : memref<2x2000x128xf32, #tpu.memory_space<vmem>>, vector<1x2000x1xf32>
    %get3A_18 = vector.shape_cast %get3A_17 : vector<1x2000x1xf32> to vector<2000x1xf32>
    %add3A_19 = arith.addf %get3A_13, %get3A_18 : vector<2000x1xf32>
    %max3A = arith.constant 1.000000e+00 : f32
    %max3A_20 = vector.broadcast %max3A : f32 to vector<2000x1xf32>
    %max3A_21 = arith.maximumf %add3A_19, %max3A_20 : vector<2000x1xf32>
    %get3A_22 = arith.constant 0 : index
    %get3A_23 = arith.constant 0 : index
    %get3A_24 = vector.load %arg1[%get3A_22, %get3A_23] : memref<2000x128xf32, #tpu.memory_space<vmem>>, vector<2000x128xf32>
    %div3A = vector.broadcast %max3A_21 : vector<2000x1xf32> to vector<2000x128xf32>
    %div3A_25 = arith.divf %add3A, %div3A : vector<2000x128xf32>
    %add3A_26 = arith.addf %get3A_24, %div3A_25 : vector<2000x128xf32>
    %swap3A = arith.constant 0 : index
    %swap3A_27 = arith.constant 0 : index
    %swap3A_28 = vector.load %arg4[%swap3A, %swap3A_27] : memref<2000x128xf32, #tpu.memory_space<vmem>>, vector<2000x128xf32>
    tpu.vector_store %arg4[%swap3A, %swap3A_27], %add3A_26 {strides = array<i32>} : memref<2000x128xf32, #tpu.memory_space<vmem>>, vector<2000x128xf32>,
    return
  }
  func.func @transform_0(%arg0: i32) -> (i32, i32) {
    %c0_i32 = arith.constant 0 : i32
    %c0_i32_0 = arith.constant 0 : i32
    return %arg0, %c0_i32 : i32, i32
  }
  func.func @transform_1(%arg0: i32) -> (i32, i32, i32) {
    %c0_i32 = arith.constant 0 : i32
    %c0_i32_0 = arith.constant 0 : i32
    %c0_i32_1 = arith.constant 0 : i32
    return %c0_i32, %arg0, %c0_i32_0 : i32, i32, i32
  }
  func.func @transform_2(%arg0: i32) -> (i32, i32, i32) {
    %c0_i32 = arith.constant 0 : i32
    %c0_i32_0 = arith.constant 0 : i32
    %c0_i32_1 = arith.constant 0 : i32
    return %c0_i32, %arg0, %c0_i32_0 : i32, i32, i32
  }
  func.func @transform_3(%arg0: i32) -> (i32, i32) {
    %c0_i32 = arith.constant 0 : i32
    %c0_i32_0 = arith.constant 0 : i32
    return %arg0, %c0_i32 : i32, i32
  }
}

</mosaic_0001>

<sc_bundles>
// kernel: kernel.10.cloned.1.call-start
scs
__scs_entry_jumppad:
0x0: {  	(pc) =	sbr.rel $0x88, $3  }
0x1: {  	(tag) =	ssettag $0x0;
	lr =	simm.s32 $0x1  }
0x2: {  	[smem:$0x3F96] =	sst lr;
	_ =	strace $0xD0000000  }
0x3: {  	_ = 	snop  }
0x4: {  	_ = 	snop  }
0x5: {  	_ = 	snop  }
0x6: {  	_ = 	snop  }
0x7: {  	_ = 	snop  }
__scs_overlays_trampoline_lowered:
0x8: {  	[smem:$0x3FA5] =	sst s0  }
0x9: {  	[smem:$0x3FA6] =	sst s1  }
0xa: {  	[smem:$0x3FA7] =	sst s2  }
0xb: {  	[smem:$0x3FA8] =	sst s3  }
0xc: {  	[smem:$0x3FA9] =	sst s4  }
0xd: {  	[smem:$0x3FAA] =	sst s5  }
0xe: {  	[smem:$0x3FAB] =	sst s6  }
0xf: {  	[smem:$0x3FAC] =	sst s7  }
0x10: {  	[smem:$0x3FAD] =	sst s8  }
0x11: {  	[smem:$0x3FAE] =	sst s9;
	s0 =	simm.s32 @!p0 $0x0  }
0x12: {  	s1 =	sld [smem:$0x3F94];
	s0 =	simm.s32 @p0 $0x1  }
0x13: {  	[smem:$0x3FAF] =	sst s0;
	s0 =	simm.s32 @!p1 $0x0  }
0x14: {  	s2 =	sld [smem:$0x3F93];
	s0 =	simm.s32 @p1 $0x1  }
0x15: {  	[smem:$0x3FB0] =	sst s0;
	s0 =	simm.s32 @!p2 $0x0  }
0x16: {  	s3 =	sld [smem:$0x3FDB];
	s0 =	simm.s32 @p2 $0x1  }
0x17: {  	s4 =	simm.s32 $0x1BF5;
	[smem:$0x3FB2] =	sst s0  }
0x18: {  	s0 =	sld [smem:$0x3F95];
	_ =	swait.ge [sflag:s4], $0x0  }
0x19: {  	s7 =	sld [smem:$0x3F96]  }
0x1a: {  	s8 =	sadd.s32 $0xFFFFE003, lr  }
0x1b: {  	s9 =	sadd.s32 $0xFFFFFEF7, lr;
	s5 =	simm.s32 $0xFFFFFFFF;
	p2 =	slt.u32 s8, $0xFFFFF086  }
0x1c: {  	p1 =	slt.u32 s9, $0xF7A;
	s5 =	simm.s32 @!p2 $0x0  }
0x1d: {  	s5 =	simm.s32 @p1 $0x1;
	p0 =	seq.s32 s7, s2  }
0x1e: {  	s7 =	smul.u32 @!p0 $0xF7A, s2;
	p2 =	seq.s32 @!p0 s5, $0x0  }
0x1f: {  	s9 =	smul.u32 $0xF7A, s1;
	s8 =	simm.s32 @!p0 $0x1BF5;
	p2 =	por !p2, p0  }
0x20: {  	[sflag:s8] =	ssyncset.s32 @!p0 $0xFFFFF086;
	s6 =	sadd.s32 @!p0 s3, s7;
	s7 =	simm.s32 @!p0 $0x108  }
0x21: {  	s3 =	sadd.s32 s3, s9;
	s6 =	sadd.s32 @!p0 $0x88, s6;
	s7 =	simm.s32 @p2 $0x1082  }
0x22: {  	[simem:s7], [sflag:s8] =	dma.local @!p0 [hbm:s6], $0xF7A  }
0x23: {  	s9 =	sor.u32 $0xD0000000, s2;
	s6 =	simm.s32 $0x108;
	_ =	swait.ge @!p0 [sflag:s8], $0x0  }
0x24: {  	s3 =	sadd.s32 $0x88, s3;
	s6 =	simm.s32 @!p1 $0x1082;
	[sflag:s4] =	ssyncset.s32 $0xFFFFF086  }
0x25: {  	[simem:s6], [sflag:s4] =	dma.local [hbm:s3], $0xF7A  }
0x26: {  	[smem:$0x3F96] =	sst s1;
	(tag) =	ssettag s2;
	_ =	strace s9  }
0x27: {  	s1 =	sld [smem:$0x3FA6]  }
0x28: {  	s2 =	sld [smem:$0x3FA7]  }
0x29: {  	s4 =	sld [smem:$0x3FA9]  }
0x2a: {  	p0 =	seq.s32 s5, $0x0;
	s5 =	sld [smem:$0x3FAA]  }
0x2b: {  	s6 =	sld [smem:$0x3FAB]  }
0x2c: {  	s7 =	sld [smem:$0x3FAC]  }
0x2d: {  	s3 =	simm.s32 $0x108;
	s8 =	sld [smem:$0x3FAD]  }
0x2e: {  	s3 =	simm.s32 @!p0 $0x1082;
	s9 =	sld [smem:$0x3FAE]  }
0x2f: {  	lr =	sadd.s32 s0, s3;
	s0 =	sld [smem:$0x3FA5]  }
0x30: {  	s3 =	sld [smem:$0x3FA8]  }
0x31: {  	[smem:$0x3FB1] =	sst s10  }
0x32: {  	s10 =	sld [smem:$0x3FAF];
	_ =	sdelay $0x3  }
0x33: {  	p0 =	seq.s32 s10, $0x1;
	s10 =	sld [smem:$0x3FB1];
	_ =	sdelay $0x3  }
0x34: {  	[smem:$0x3FB1] =	sst s10  }
0x35: {  	s10 =	sld [smem:$0x3FB0];
	_ =	sdelay $0x3  }
0x36: {  	p1 =	seq.s32 s10, $0x1;
	s10 =	sld [smem:$0x3FB1];
	_ =	sdelay $0x3  }
0x37: {  	[smem:$0x3FB1] =	sst s10  }
0x38: {  	s10 =	sld [smem:$0x3FB2]  }
0x39: {  	_ = 	snop;
	(pc) =	sbr.ind lr, $3  }
0x3a: {  	_ = 	snop  }
0x3b: {  	_ = 	snop  }
0x3c: {  	p2 =	seq.s32 s10, $0x1;
	s10 =	sld [smem:$0x3FB1]  }
0x3d: {  	_ =	shalt  }
0x3e: {  	_ =	shalt  }
0x3f: {  	_ =	shalt  }
0x40: {  	_ =	shalt  }
0x41: {  	_ =	shalt  }
0x42: {  	_ =	shalt  }
0x43: {  	_ =	shalt  }
0x44: {  	_ =	shalt  }
0x45: {  	_ =	shalt  }
0x46: {  	_ =	shalt  }
0x47: {  	_ =	shalt  }
0x48: {  	_ =	shalt  }
0x49: {  	_ =	shalt  }
0x4a: {  	_ =	shalt  }
0x4b: {  	_ =	shalt  }
0x4c: {  	_ =	shalt  }
0x4d: {  	_ =	shalt  }
0x4e: {  	_ =	shalt  }
0x4f: {  	_ =	shalt  }
0x50: {  	_ =	shalt  }
0x51: {  	_ =	shalt  }
0x52: {  	_ =	shalt  }
0x53: {  	_ =	shalt  }
0x54: {  	_ =	shalt  }
0x55: {  	_ =	shalt  }
0x56: {  	_ =	shalt  }
0x57: {  	_ =	shalt  }
0x58: {  	_ =	shalt  }
0x59: {  	_ =	shalt  }
0x5a: {  	_ =	shalt  }
0x5b: {  	_ =	shalt  }
0x5c: {  	_ =	shalt  }
0x5d: {  	_ =	shalt  }
0x5e: {  	_ =	shalt  }
0x5f: {  	_ =	shalt  }
0x60: {  	_ =	shalt  }
0x61: {  	_ =	shalt  }
0x62: {  	_ =	shalt  }
0x63: {  	_ =	shalt  }
0x64: {  	_ =	shalt  }
0x65: {  	_ =	shalt  }
0x66: {  	_ =	shalt  }
0x67: {  	_ =	shalt  }
0x68: {  	_ =	shalt  }
0x69: {  	_ =	shalt  }
0x6a: {  	_ =	shalt  }
0x6b: {  	_ =	shalt  }
0x6c: {  	_ =	shalt  }
0x6d: {  	_ =	shalt  }
0x6e: {  	_ =	shalt  }
0x6f: {  	_ =	shalt  }
0x70: {  	_ =	shalt  }
0x71: {  	_ =	shalt  }
0x72: {  	_ =	shalt  }
0x73: {  	_ =	shalt  }
0x74: {  	_ =	shalt  }
0x75: {  	_ =	shalt  }
0x76: {  	_ =	shalt  }
0x77: {  	_ =	shalt  }
0x78: {  	_ =	shalt  }
0x79: {  	_ =	shalt  }
0x7a: {  	_ =	shalt  }
0x7b: {  	_ =	shalt  }
0x7c: {  	_ =	shalt  }
0x7d: {  	_ =	shalt  }
0x7e: {  	_ =	shalt  }
0x7f: {  	_ =	shalt  }
0x80: {  	_ =	shalt  }
0x81: {  	_ =	shalt  }
0x82: {  	_ =	shalt  }
0x83: {  	_ =	shalt  }
0x84: {  	_ =	shalt  }
0x85: {  	_ =	shalt  }
0x86: {  	_ =	shalt  }
0x87: {  	_ =	shalt  }
.Lfunc_end0:
.L_simem_size_0:
called_computation_lowered:
.L_overlay_start_0:
0x88: {  	s2 =	sld [smem:$0x3FD9]  }
0x89: {  	s3 =	sld [smem:$0x3FFE];
	_ =	sdelay $0x1  }
0x8a: {  	s1 =	srdreg.scid  }
0x8b: {  	s0 =	sand.u32 $0x1, s1  }
0x8c: {  	s17 =	sshll.u32 s0, $0xA;
	s2 =	sadd.s32 s3, s2  }
0x8d: {  	s2 =	sadd.s32 s2, s17  }
0x8e: {  	[smem:$0x3FBD] =	sst s2  }
0x8f: {  	_ = 	snop  }
0x90: {  	s18 =	sld [smem:$0x3FD0];
	(tm) =	ssettm $0x1  }
0x91: {  	s19 =	sld [smem:$0x3FFB];
	_ =	sdelay $0x3  }
0x92: {  	_ =	strace s19  }
0x93: {  	s2 =	sld [smem:$0x3FFC];
	_ =	sdelay $0x3  }
0x94: {  	_ =	strace s2  }
0x95: {  	s2 =	sld [smem:$0x3FFD];
	_ =	sdelay $0x3  }
0x96: {  	_ =	strace s2  }
0x97: {  	_ =	strace $0x8FFFFFFF  }
0x98: {  	s20 =	sld [smem:$0x3FDB];
	_ =	sdelay $0x1  }
0x99: {  	s4 =	simm.s32 $_scs_section_size  }
0x9a: {  	s5 =	simm.s32 $_size__tile_overlayer_lowered;
	s6 =	simm.s32 $_tile_overlayer_lowered  }
0x9b: {  	s7 =	simm.s32 $0x1BFF;
	s21 =	sshll.u32 s6, $0x1;
	s4 =	sadd.s32 s4, s20  }
0x9c: {  	s22 =	simm.s32 $0x0;
	s5 =	sshll.u32 s5, $0x1;
	s6 =	sadd.s32 s21, s4  }
0x9d: {  	[timem:s22], [sflag:s7] =	dma.local [hbm:s6], s5  }
0x9e: {  	_ =	swait.ge [sflag:s7], s5  }
0x9f: {  	s5 =	ssub.s32 $0x0, s5;
	[sflag:s7] =	ssyncset.done $0x0  }
0xa0: {  	[sflag:s7] =	ssyncadd.s32 s5;
	_ =	sdelay $0x1  }
0xa1: {  	s23 =	simm.s32 $0x1B8B  }
0xa2: {  	_ =	swait.ge [sflag:s23], $0x1  }
0xa3: {  	[sflag:s23] =	ssyncset.done $0x0  }
0xa4: {  	[sflag:s23] =	ssyncadd.s32 $0xFFFFFFFF  }
0xa5: {  	s5 =	sld [smem:$0x0]  }
0xa6: {  	s6 =	sand.u32 $0xFFFFFFFE, s1  }
0xa7: {  	p0 =	sne.s32 s1, s6  }
0xa8: {  	s6 =	sshll.u32 @p0 s6, $0xE  }
0xa9: {  	s6 =	sadd.s32 @p0 $0x11B8D, s6;
	s7 =	sshll.u32 @p0 s5, $0x11  }
0xaa: {  	s6 =	sor.u32 @p0 s7, s6  }
0xab: {  	[sflag:s6] =	ssyncadd.remote.s32 @p0 $0x1;
	_ =	sdelay $0x1  }
0xac: {  	s6 =	simm.s32 @p0 $0x1B8D  }
0xad: {  	_ =	swait.eq @p0 [sflag:s6], $0x1  }
0xae: {  	[sflag:s6] =	ssyncadd.s32 @p0 $0xFFFFFFFF  }
0xaf: {  	s7 =	sshll.u32 @!p0 s1, $0xE  }
0xb0: {  	s7 =	sor.u32 @!p0 $0x4000, s7;
	s6 =	simm.s32 @!p0 $0x1B8D  }
0xb1: {  	s5 =	sshll.u32 @!p0 s5, $0x11;
	s7 =	sadd.s32 @!p0 $0x11B8D, s7;
	_ =	swait.eq @!p0 [sflag:s6], $0x1  }
0xb2: {  	s5 =	sor.u32 @!p0 s5, s7;
	[sflag:s6] =	ssyncadd.s32 @!p0 $0xFFFFFFFF  }
0xb3: {  	s25 =	simm.s32 $0x1B8E;
	s24 =	sld [smem:$0x3FFE];
	[sflag:s5] =	ssyncadd.remote.s32 @!p0 $0x1  }
0xb4: {  	s26 =	simm.s32 $execute0_lowered;
	[smem:$0x3FD2] =	sst s25  }
0xb5: {  	s6 =	sshll.u32 s26, $0x1;
	_ =	strace $0x80000049;
	[dreg:$0x1] =	wrdreg $0xFFFFFFFF  }
0xb6: {  	s28 =	simm.s32 $_size_execute0_lowered;
	s4 =	sadd.s32 s4, s6;
	[dreg:$0x0] =	wrdreg $0x0  }
0xb7: {  	s6 =	sshll.u32 s28, $0x1;
	[dreg:$0x2] =	wrdreg s4  }
0xb8: {  	[dreg:$0x3] =	wrdreg s6  }
0xb9: {  	[dreg:$0x4] =	wrdreg $0xC0  }
0xba: {  	_ =	task [dreg:s22], $0x5FFFF  }
0xbb: {  	[dreg:$0x1] =	wrdreg $0xFFFFFFFF  }
0xbc: {  	[dreg:$0x0] =	wrdreg $0x60  }
0xbd: {  	[dreg:$0x2] =	wrdreg s24  }
0xbe: {  	[dreg:$0x3] =	wrdreg s18  }
0xbf: {  	[dreg:$0x4] =	wrdreg $0x68000  }
0xc0: {  	[dreg:$0x5] =	wrdreg $0x9  }
0xc1: {  	_ =	task.clear_ibuf [dreg:s22], $0x6FFFF;
	_ =	strace $0x90000049  }
0xc2: {  	s29 =	simm.s32 $0x9;
	_ =	strace $0x8000004B  }
0xc3: {  	_ =	swait.ge [sflag:s29], $0x1  }
0xc4: {  	[sflag:s29] =	ssyncadd.s32 $0xFFFFFFFF  }
0xc5: {  	_ =	strace $0x9000004B  }
0xc6: {  	_ =	sfence  }
0xc7: {  	s30 =	sld [smem:$0x0];
	_ =	sdelay $0x2  }
0xc8: {  	s31 =	sshll.u32 s1, $0xD;
	s1 =	sshrl.u32 s1, $0x2  }
0xc9: {  	s4 =	sand.u32 $0x4000, s31;
	s1 =	sadd.s32 s1, s30  }
0xca: {  	s0 =	sor.u32 s4, s0;
	s1 =	sshll.u32 s1, $0x11  }
0xcb: {  	s0 =	sor.u32 s1, s0  }
0xcc: {  	s0 =	sadd.s32 $0x8F2B, s0  }
0xcd: {  	[sflag:s0] =	ssyncadd.remote.s32 $0x1  }
0xce: {  	_ =	sfence.sel $0xFFFF  }
0xcf: {  	[dreg:$0x0] =	wrdreg $0xFFFFFFFF;
	(pc) =	sbr.abs _section_cstart, $3  }
0xd0: {  	[dreg:$0x1] =	wrdreg $0xFFFFFFFF  }
0xd1: {  	_ =	task.clear_ibuf [dreg:s22], $0x2FFFF;
	_ =	strace $0x9FFFFFFF  }
0xd2: {  	(tm) =	ssettm $0x7FFFFFFF  }
0xd3: {  	_ =	shalt  }
tec
execute0_lowered:
.L_overlay_start_1:
0x0: {  	(tag) =	ssettag $0x1  }
0x1: {  	s6 =	rddreg [dreg:$0x0]  }
0x2: {  	s7 =	rddreg [dreg:$0x1]  }
0x3: {  	s2 =	rddreg [dreg:$0x2]  }
0x4: {  	s0 =	rddreg [dreg:$0x3];
	s3 =	simm.s32 $0x0;
	s4 =	srdreg.scid  }
0x5: {  	s1 =	stileid.u32;
	s18 =	simm.s32 $0x2;
	s19 =	simm.s32 $0x2800  }
0x6: {  	s20 =	simm.s32 $0x80;
	s21 =	simm.s32 $0x1;
	s22 =	simm.s32 $0x0  }
0x7: {  	[smem:$0x7FF] =	sst s3;
	s8 =	sand.u32 $0x1, s4;
	s9 =	smul.u32 $0x280, s1  }
0x8: {  	s4 =	sadd.s32 $0x8E000, s6;
	s5 =	sadd.s32 $0x3D800, s6;
	s29 =	smul.u32 $0x50000, s1  }
0x9: {  	s10 =	smul.u32 $0x2800, s8;
	s11 =	sshll.u32 s8, $0x4;
	s8 =	ssub.s32 $0x2, s8  }
0xa: {  	_ =	strace $0x8000004A;
	s28 =	sor.u32 s1, s11;
	s30 =	sshrl.u32 s8, $0x1  }
0xb: {  	s9 =	sadd.s32 s9, s10;
	s10 =	smul.u32 $0x500, s28;
	s17 =	ssub.s32 s8, s30  }
0xc: {  	s31 =	sshrl.u32 s29, $0x2;
	s9 =	sshll.u32 s9, $0x4;
	s17 =	smax.u32 s17, $0x1  }
0xd: {  	s16 =	sadd.s32 s9, s6;
	s6 =	sadd.s32 s7, s10;
	s7 =	sadd.s32 s31, s2  }
0xe: {  	s8 =	sadd.s32 $0x4000, s7;
	s9 =	sadd.s32 $0x8000, s7;
	s10 =	sadd.s32 $0xC000, s7  }
0xf: {  	s11 =	sadd.s32 $0x10000, s7;
	s12 =	sadd.s32 $0x8E800, s16;
	s13 =	sadd.s32 $0x8F000, s16  }
0x10: {  	s14 =	sadd.s32 $0x8F800, s16;
	s15 =	sadd.s32 $0x90000, s16;
	s16 =	sadd.s32 $0x90800, s16  }
.LBB2_1:
0x11: {  	[tilespmem:s3], [sflag:$0x2] =	stream.linear.gather [hbm4b:s6+s3], $0x2800, $0x38;
	[tilespmem:$0x1A800] =	vst v63  }
0x12: {  	_ =	swait.ge [sflag:s18], $0x2800  }
0x13: {  	[sflag:s18] =	ssyncset.done $0x0  }
0x14: {  	[sflag:s18] =	ssyncadd.s32 $0xFFFFD800  }
0x15: {  	[tilespmem:s19], [sflag:$0x2] =	stream.linear.gather [hbm4b:s5+s3], $0x4000, $0x38;
	[tilespmem:$0x1A800] =	vst v63  }
0x16: {  	_ =	swait.ge [sflag:s18], $0x4000  }
0x17: {  	[sflag:s18] =	ssyncset.done $0x0  }
0x18: {  	[sflag:s18] =	ssyncadd.s32 $0xFFFFC000  }
0x19: {  	[spmem:s7] =	stream.linear.scatter [tilespmem:s19], [sflag:$0x2], $0x4000, $0x38;
	[tilespmem:$0x1A800] =	vst v63  }
0x1a: {  	_ =	swait.ge [sflag:s18], $0x4000  }
0x1b: {  	[sflag:s18] =	ssyncset.done $0x0  }
0x1c: {  	[sflag:s18] =	ssyncadd.s32 $0xFFFFC000  }
0x1d: {  	[spmem:s8] =	stream.linear.scatter [tilespmem:s19], [sflag:$0x2], $0x4000, $0x38;
	[tilespmem:$0x1A800] =	vst v63  }
0x1e: {  	_ =	swait.ge [sflag:s18], $0x4000  }
0x1f: {  	[sflag:s18] =	ssyncset.done $0x0  }
0x20: {  	[sflag:s18] =	ssyncadd.s32 $0xFFFFC000  }
0x21: {  	[spmem:s9] =	stream.linear.scatter [tilespmem:s19], [sflag:$0x2], $0x4000, $0x38;
	[tilespmem:$0x1A800] =	vst v63  }
0x22: {  	_ =	swait.ge [sflag:s18], $0x4000  }
0x23: {  	[sflag:s18] =	ssyncset.done $0x0  }
0x24: {  	[sflag:s18] =	ssyncadd.s32 $0xFFFFC000  }
0x25: {  	[spmem:s10] =	stream.linear.scatter [tilespmem:s19], [sflag:$0x2], $0x4000, $0x38;
	[tilespmem:$0x1A800] =	vst v63  }
0x26: {  	_ =	swait.ge [sflag:s18], $0x4000  }
0x27: {  	[sflag:s18] =	ssyncset.done $0x0  }
0x28: {  	[sflag:s18] =	ssyncadd.s32 $0xFFFFC000  }
0x29: {  	[spmem:s11] =	stream.linear.scatter [tilespmem:s19], [sflag:$0x2], $0x4000, $0x38;
	[tilespmem:$0x1A800] =	vst v63  }
0x2a: {  	_ =	swait.ge [sflag:s18], $0x4000  }
0x2b: {  	[sflag:s18] =	ssyncset.done $0x0  }
0x2c: {  	[sflag:s18] =	ssyncadd.s32 $0xFFFFC000  }
0x2d: {  	[tilespmem:s19], [sflag:$0x2] =	stream.linear.gather [hbm4b:s4+s3], $0x4000, $0x38;
	[tilespmem:$0x1A800] =	vst v63  }
0x2e: {  	_ =	swait.ge [sflag:s18], $0x4000  }
0x2f: {  	[sflag:s18] =	ssyncset.done $0x0  }
0x30: {  	[sflag:s18] =	ssyncadd.s32 $0xFFFFC000  }
0x31: {  	s23 =	simm.s32 $0x0;
	[bflag:$0x0] =	sbarrier.arrive $0xFFFF  }
0x32: {  	[spmem:s2] =	stream.indirect.scatter.add.f32 [tilespmem:s19], [sflag:$0x1], $0x80, s23, s20, $0xb8;
	[tilespmem:$0x1A800] =	vst v63  }
0x33: {  	s24 =	simm.s32 $0x80  }
0x34: {  	[spmem:s2] =	stream.indirect.scatter.add.f32 [tilespmem:s19], [sflag:$0x1], $0x80, s24, s20, $0xb8;
	[tilespmem:$0x1A800] =	vst v63  }
0x35: {  	s25 =	simm.s32 $0x100  }
0x36: {  	[spmem:s2] =	stream.indirect.scatter.add.f32 [tilespmem:s19], [sflag:$0x1], $0x80, s25, s20, $0xb8;
	[tilespmem:$0x1A800] =	vst v63  }
0x37: {  	s26 =	simm.s32 $0x180  }
0x38: {  	[spmem:s2] =	stream.indirect.scatter.add.f32 [tilespmem:s19], [sflag:$0x1], $0x80, s26, s20, $0xb8;
	[tilespmem:$0x1A800] =	vst v63  }
0x39: {  	s28 =	simm.s32 $0x200  }
0x3a: {  	[spmem:s2] =	stream.indirect.scatter.add.f32 [tilespmem:s19], [sflag:$0x1], $0x80, s28, s20, $0xb8;
	[tilespmem:$0x1A800] =	vst v63  }
0x3b: {  	s29 =	simm.s32 $0x280  }
0x3c: {  	[spmem:s2] =	stream.indirect.scatter.add.f32 [tilespmem:s19], [sflag:$0x1], $0x80, s29, s20, $0xb8;
	[tilespmem:$0x1A800] =	vst v63  }
0x3d: {  	s30 =	simm.s32 $0x300  }
0x3e: {  	[spmem:s2] =	stream.indirect.scatter.add.f32 [tilespmem:s19], [sflag:$0x1], $0x80, s30, s20, $0xb8;
	[tilespmem:$0x1A800] =	vst v63  }
0x3f: {  	s31 =	simm.s32 $0x380  }
0x40: {  	[spmem:s2] =	stream.indirect.scatter.add.f32 [tilespmem:s19], [sflag:$0x1], $0x80, s31, s20, $0xb8;
	[tilespmem:$0x1A800] =	vst v63  }
0x41: {  	_ =	swait.ge [sflag:s21], $0x4000  }
0x42: {  	[sflag:s21] =	ssyncset.done $0x0  }
0x43: {  	[sflag:s21] =	ssyncadd.s32 $0xFFFFC000  }
0x44: {  	_ =	swait.ge [sflag:s21], $0x4000  }
0x45: {  	[sflag:s21] =	ssyncset.done $0x0  }
0x46: {  	[sflag:s21] =	ssyncadd.s32 $0xFFFFC000  }
0x47: {  	_ =	swait.ge [sflag:s21], $0x4000  }
0x48: {  	[sflag:s21] =	ssyncset.done $0x0  }
0x49: {  	[sflag:s21] =	ssyncadd.s32 $0xFFFFC000  }
0x4a: {  	_ =	swait.ge [sflag:s21], $0x4000  }
0x4b: {  	[sflag:s21] =	ssyncset.done $0x0  }
0x4c: {  	[sflag:s21] =	ssyncadd.s32 $0xFFFFC000  }
0x4d: {  	_ =	swait.ge [sflag:s21], $0x4000  }
0x4e: {  	[sflag:s21] =	ssyncset.done $0x0  }
0x4f: {  	[sflag:s21] =	ssyncadd.s32 $0xFFFFC000  }
0x50: {  	_ =	swait.ge [sflag:s21], $0x4000  }
0x51: {  	[sflag:s21] =	ssyncset.done $0x0  }
0x52: {  	[sflag:s21] =	ssyncadd.s32 $0xFFFFC000  }
0x53: {  	_ =	swait.ge [sflag:s21], $0x4000  }
0x54: {  	[sflag:s21] =	ssyncset.done $0x0  }
0x55: {  	[sflag:s21] =	ssyncadd.s32 $0xFFFFC000  }
0x56: {  	_ =	swait.ge [sflag:s21], $0x4000  }
0x57: {  	s23 =	simm.s32 $0x1000;
	s25 =	simm.s32 $0x2000;
	[sflag:s21] =	ssyncset.done $0x0  }
.LBB2_2:
0x58: {  	s26 =	sshra.s32 s23, $0x2  }
0x59: {  	[sflag:s21] =	ssyncadd.s32 $0xFFFFC000;
	s23 =	smov.u32 s25;
	s24 =	sadd.s32 $0x1000, s25  }
0x5a: {  	[spmem:s2] =	stream.indirect.scatter.add.f32 [tilespmem:s19], [sflag:$0x1], $0x80, s26, s20, $0xb8;
	[tilespmem:$0x1A800] =	vst v63  }
0x5b: {  	p0 =	sne.s32 s25, $0x9000;
	s25 =	sadd.s32 $0x80, s26  }
0x5c: {  	[spmem:s2] =	stream.indirect.scatter.add.f32 [tilespmem:s19], [sflag:$0x1], $0x80, s25, s20, $0xb8;
	[tilespmem:$0x1A800] =	vst v63  }
0x5d: {  	s25 =	sadd.s32 $0x100, s26  }
0x5e: {  	[spmem:s2] =	stream.indirect.scatter.add.f32 [tilespmem:s19], [sflag:$0x1], $0x80, s25, s20, $0xb8;
	[tilespmem:$0x1A800] =	vst v63  }
0x5f: {  	s25 =	sadd.s32 $0x180, s26  }
0x60: {  	[spmem:s2] =	stream.indirect.scatter.add.f32 [tilespmem:s19], [sflag:$0x1], $0x80, s25, s20, $0xb8;
	[tilespmem:$0x1A800] =	vst v63  }
0x61: {  	s25 =	sadd.s32 $0x200, s26  }
0x62: {  	[spmem:s2] =	stream.indirect.scatter.add.f32 [tilespmem:s19], [sflag:$0x1], $0x80, s25, s20, $0xb8;
	[tilespmem:$0x1A800] =	vst v63  }
0x63: {  	s25 =	sadd.s32 $0x280, s26  }
0x64: {  	[spmem:s2] =	stream.indirect.scatter.add.f32 [tilespmem:s19], [sflag:$0x1], $0x80, s25, s20, $0xb8;
	[tilespmem:$0x1A800] =	vst v63  }
0x65: {  	s25 =	sadd.s32 $0x300, s26  }
0x66: {  	[spmem:s2] =	stream.indirect.scatter.add.f32 [tilespmem:s19], [sflag:$0x1], $0x80, s25, s20, $0xb8;
	[tilespmem:$0x1A800] =	vst v63  }
0x67: {  	s25 =	sadd.s32 $0x380, s26  }
0x68: {  	[spmem:s2] =	stream.indirect.scatter.add.f32 [tilespmem:s19], [sflag:$0x1], $0x80, s25, s20, $0xb8;
	[tilespmem:$0x1A800] =	vst v63  }
0x69: {  	_ =	swait.ge [sflag:s21], $0x4000  }
0x6a: {  	[sflag:s21] =	ssyncset.done $0x0  }
0x6b: {  	[sflag:s21] =	ssyncadd.s32 $0xFFFFC000  }
0x6c: {  	_ =	swait.ge [sflag:s21], $0x4000  }
0x6d: {  	[sflag:s21] =	ssyncset.done $0x0  }
0x6e: {  	[sflag:s21] =	ssyncadd.s32 $0xFFFFC000  }
0x6f: {  	_ =	swait.ge [sflag:s21], $0x4000  }
0x70: {  	[sflag:s21] =	ssyncset.done $0x0  }
0x71: {  	[sflag:s21] =	ssyncadd.s32 $0xFFFFC000  }
0x72: {  	_ =	swait.ge [sflag:s21], $0x4000  }
0x73: {  	[sflag:s21] =	ssyncset.done $0x0  }
0x74: {  	[sflag:s21] =	ssyncadd.s32 $0xFFFFC000  }
0x75: {  	_ =	swait.ge [sflag:s21], $0x4000  }
0x76: {  	[sflag:s21] =	ssyncset.done $0x0  }
0x77: {  	[sflag:s21] =	ssyncadd.s32 $0xFFFFC000  }
0x78: {  	_ =	swait.ge [sflag:s21], $0x4000  }
0x79: {  	[sflag:s21] =	ssyncset.done $0x0  }
0x7a: {  	[sflag:s21] =	ssyncadd.s32 $0xFFFFC000  }
.Ltmp0:
0x7b: {  	_ =	swait.ge [sflag:s21], $0x4000;
	(pc) =	sbr.rel @p0 .LBB2_2-.Ltmp0, $4  }
0x7c: {  	[sflag:s21] =	ssyncset.done $0x0  }
0x7d: {  	[sflag:s21] =	ssyncadd.s32 $0xFFFFC000  }
0x7e: {  	_ =	swait.ge [sflag:s21], $0x4000  }
0x7f: {  	s25 =	smov.u32 s24;
	[sflag:s21] =	ssyncset.done $0x0  }
0x80: {  	s23 =	sshra.s32 s23, $0x2;
	[sflag:s21] =	ssyncadd.s32 $0xFFFFC000  }
0x81: {  	[spmem:s2] =	stream.indirect.scatter.add.f32 [tilespmem:s19], [sflag:$0x1], $0x80, s23, s20, $0xb8;
	[tilespmem:$0x1A800] =	vst v63  }
0x82: {  	s24 =	sadd.s32 $0x80, s23  }
0x83: {  	[spmem:s2] =	stream.indirect.scatter.add.f32 [tilespmem:s19], [sflag:$0x1], $0x80, s24, s20, $0xb8;
	[tilespmem:$0x1A800] =	vst v63  }
0x84: {  	s26 =	sadd.s32 $0x100, s23  }
0x85: {  	[spmem:s2] =	stream.indirect.scatter.add.f32 [tilespmem:s19], [sflag:$0x1], $0x80, s26, s20, $0xb8;
	[tilespmem:$0x1A800] =	vst v63  }
0x86: {  	s28 =	sadd.s32 $0x180, s23  }
0x87: {  	[spmem:s2] =	stream.indirect.scatter.add.f32 [tilespmem:s19], [sflag:$0x1], $0x80, s28, s20, $0xb8;
	[tilespmem:$0x1A800] =	vst v63  }
0x88: {  	s29 =	sadd.s32 $0x200, s23  }
0x89: {  	[spmem:s2] =	stream.indirect.scatter.add.f32 [tilespmem:s19], [sflag:$0x1], $0x80, s29, s20, $0xb8;
	[tilespmem:$0x1A800] =	vst v63  }
0x8a: {  	s30 =	sadd.s32 $0x280, s23  }
0x8b: {  	[spmem:s2] =	stream.indirect.scatter.add.f32 [tilespmem:s19], [sflag:$0x1], $0x80, s30, s20, $0xb8;
	[tilespmem:$0x1A800] =	vst v63  }
0x8c: {  	s31 =	sadd.s32 $0x300, s23  }
0x8d: {  	[spmem:s2] =	stream.indirect.scatter.add.f32 [tilespmem:s19], [sflag:$0x1], $0x80, s31, s20, $0xb8;
	[tilespmem:$0x1A800] =	vst v63  }
0x8e: {  	s23 =	sadd.s32 $0x380, s23  }
0x8f: {  	[spmem:s2] =	stream.indirect.scatter.add.f32 [tilespmem:s19], [sflag:$0x1], $0x80, s23, s20, $0xb8;
	[tilespmem:$0x1A800] =	vst v63  }
0x90: {  	_ =	swait.ge [sflag:s21], $0x4000  }
0x91: {  	[sflag:s21] =	ssyncset.done $0x0  }
0x92: {  	[sflag:s21] =	ssyncadd.s32 $0xFFFFC000  }
0x93: {  	_ =	swait.ge [sflag:s21], $0x4000  }
0x94: {  	[sflag:s21] =	ssyncset.done $0x0  }
0x95: {  	[sflag:s21] =	ssyncadd.s32 $0xFFFFC000  }
0x96: {  	_ =	swait.ge [sflag:s21], $0x4000  }
0x97: {  	[sflag:s21] =	ssyncset.done $0x0  }
0x98: {  	[sflag:s21] =	ssyncadd.s32 $0xFFFFC000  }
0x99: {  	_ =	swait.ge [sflag:s21], $0x4000  }
0x9a: {  	[sflag:s21] =	ssyncset.done $0x0  }
0x9b: {  	[sflag:s21] =	ssyncadd.s32 $0xFFFFC000  }
0x9c: {  	_ =	swait.ge [sflag:s21], $0x4000  }
0x9d: {  	[sflag:s21] =	ssyncset.done $0x0  }
0x9e: {  	[sflag:s21] =	ssyncadd.s32 $0xFFFFC000  }
0x9f: {  	_ =	swait.ge [sflag:s21], $0x4000  }
0xa0: {  	[sflag:s21] =	ssyncset.done $0x0  }
0xa1: {  	[sflag:s21] =	ssyncadd.s32 $0xFFFFC000  }
0xa2: {  	_ =	swait.ge [sflag:s21], $0x4000  }
0xa3: {  	[sflag:s21] =	ssyncset.done $0x0  }
0xa4: {  	[sflag:s21] =	ssyncadd.s32 $0xFFFFC000  }
0xa5: {  	_ =	swait.ge [sflag:s21], $0x4000  }
0xa6: {  	[sflag:s21] =	ssyncset.done $0x0  }
0xa7: {  	[sflag:s21] =	ssyncadd.s32 $0xFFFFC000  }
0xa8: {  	[bflag:$0x0] =	sbarrier.arrive $0xFFFF  }
0xa9: {  	[tilespmem:s19], [sflag:$0x2] =	stream.linear.gather [spmem:s7], $0x4000, $0x38;
	[tilespmem:$0x1A800] =	vst v63  }
0xaa: {  	_ =	swait.ge [sflag:s18], $0x4000  }
0xab: {  	[sflag:s18] =	ssyncset.done $0x0  }
0xac: {  	[sflag:s18] =	ssyncadd.s32 $0xFFFFC000  }
0xad: {  	[hbm4b:s12+s3] =	stream.linear.scatter [tilespmem:s19], [sflag:$0x2], $0x4000, $0x38;
	[tilespmem:$0x1A800] =	vst v63  }
0xae: {  	_ =	swait.ge [sflag:s18], $0x4000  }
0xaf: {  	[sflag:s18] =	ssyncset.done $0x0  }
0xb0: {  	[sflag:s18] =	ssyncadd.s32 $0xFFFFC000  }
0xb1: {  	[tilespmem:s19], [sflag:$0x2] =	stream.linear.gather [spmem:s8], $0x4000, $0x38;
	[tilespmem:$0x1A800] =	vst v63  }
0xb2: {  	_ =	swait.ge [sflag:s18], $0x4000  }
0xb3: {  	[sflag:s18] =	ssyncset.done $0x0  }
0xb4: {  	[sflag:s18] =	ssyncadd.s32 $0xFFFFC000  }
0xb5: {  	[hbm4b:s13+s3] =	stream.linear.scatter [tilespmem:s19], [sflag:$0x2], $0x4000, $0x38;
	[tilespmem:$0x1A800] =	vst v63  }
0xb6: {  	_ =	swait.ge [sflag:s18], $0x4000  }
0xb7: {  	[sflag:s18] =	ssyncset.done $0x0  }
0xb8: {  	[sflag:s18] =	ssyncadd.s32 $0xFFFFC000  }
0xb9: {  	[tilespmem:s19], [sflag:$0x2] =	stream.linear.gather [spmem:s9], $0x4000, $0x38;
	[tilespmem:$0x1A800] =	vst v63  }
0xba: {  	_ =	swait.ge [sflag:s18], $0x4000  }
0xbb: {  	[sflag:s18] =	ssyncset.done $0x0  }
0xbc: {  	[sflag:s18] =	ssyncadd.s32 $0xFFFFC000  }
0xbd: {  	[hbm4b:s14+s3] =	stream.linear.scatter [tilespmem:s19], [sflag:$0x2], $0x4000, $0x38;
	[tilespmem:$0x1A800] =	vst v63  }
0xbe: {  	_ =	swait.ge [sflag:s18], $0x4000  }
0xbf: {  	[sflag:s18] =	ssyncset.done $0x0  }
0xc0: {  	[sflag:s18] =	ssyncadd.s32 $0xFFFFC000  }
0xc1: {  	[tilespmem:s19], [sflag:$0x2] =	stream.linear.gather [spmem:s10], $0x4000, $0x38;
	[tilespmem:$0x1A800] =	vst v63  }
0xc2: {  	_ =	swait.ge [sflag:s18], $0x4000  }
0xc3: {  	[sflag:s18] =	ssyncset.done $0x0  }
0xc4: {  	[sflag:s18] =	ssyncadd.s32 $0xFFFFC000  }
0xc5: {  	[hbm4b:s15+s3] =	stream.linear.scatter [tilespmem:s19], [sflag:$0x2], $0x4000, $0x38;
	[tilespmem:$0x1A800] =	vst v63  }
0xc6: {  	_ =	swait.ge [sflag:s18], $0x4000  }
0xc7: {  	[sflag:s18] =	ssyncset.done $0x0  }
0xc8: {  	[sflag:s18] =	ssyncadd.s32 $0xFFFFC000  }
0xc9: {  	[tilespmem:s19], [sflag:$0x2] =	stream.linear.gather [spmem:s11], $0x4000, $0x38;
	[tilespmem:$0x1A800] =	vst v63  }
0xca: {  	s22 =	sadd.s32 $0x1, s22;
	_ =	swait.ge [sflag:s18], $0x4000  }
0xcb: {  	p0 =	sne.s32 s22, s17;
	[sflag:s18] =	ssyncset.done $0x0  }
.Ltmp1:
0xcc: {  	[sflag:s18] =	ssyncadd.s32 $0xFFFFC000;
	(pc) =	sbr.rel @p0 .LBB2_1-.Ltmp1, $4  }
0xcd: {  	[hbm4b:s16+s3] =	stream.linear.scatter [tilespmem:s19], [sflag:$0x2], $0x4000, $0x38;
	[tilespmem:$0x1A800] =	vst v63  }
0xce: {  	_ =	swait.ge [sflag:s18], $0x4000  }
0xcf: {  	[sflag:s18] =	ssyncset.done $0x0  }
0xd0: {  	[sflag:s18] =	ssyncadd.s32 $0xFFFFC000  }
0xd1: {  	_ =	sfence.sel $0x180000  }
0xd2: {  	[bflag:$0x0] =	sbarrier.arrive $0xFFFF  }
0xd3: {  	p0 =	sne.s32 s1, $0x0;
	_ =	strace $0x9000004A  }
0xd4: {  	s0 =	sadd.s32 @!p0 $0x100000, s0;
	[bflag:$0x2] =	sbarrier.arrive $0xFFFF  }
0xd5: {  	[sflag:s0] =	ssyncadd.tile.s32 @!p0 $0x1;
	_ =	shalt  }
.Lfunc_end2:
_tile_overlayer_lowered:
.L_overlay_start_2:
0xd6: {  	(tag) =	ssettag $0x2  }
0xd7: {  	s0 =	rddreg [dreg:$0x0];
	s2 =	stileid.u32  }
0xd8: {  	s1 =	rddreg [dreg:$0x1];
	p0 =	sne.s32 s2, $0x0  }
0xd9: {  	s3 =	rddreg [dreg:$0x2];
	[bflag:$0x3] =	sbarrier.arrive $0xFFFF;
	s2 =	simm.s32 @!p0 $0x1C02  }
0xda: {  	[timem:s3], [sflag:s2] =	dma.local @!p0 [hbm:s0], s1  }
0xdb: {  	s0 =	simm.s32 @!p0 $0x2  }
0xdc: {  	_ =	swait.ge @!p0 [sflag:s0], s1  }
0xdd: {  	s1 =	ssub.s32 @!p0 $0x0, s1;
	[sflag:s0] =	ssyncset.done @!p0 $0x0  }
0xde: {  	[sflag:s0] =	ssyncadd.s32 @!p0 s1  }
0xdf: {  	[bflag:$0x3] =	sbarrier.arrive $0xFFFF  }
0xe0: {  	_ =	shalt  }

// kernel: kernel.13.cloned.1.call-start
scs
__scs_entry_jumppad:
0x0: {  	(pc) =	sbr.rel $0x88, $3  }
0x1: {  	(tag) =	ssettag $0x0;
	lr =	simm.s32 $0x1  }
0x2: {  	[smem:$0x3F96] =	sst lr;
	_ =	strace $0xD0000000  }
0x3: {  	_ = 	snop  }
0x4: {  	_ = 	snop  }
0x5: {  	_ = 	snop  }
0x6: {  	_ = 	snop  }
0x7: {  	_ = 	snop  }
__scs_overlays_trampoline_lowered:
0x8: {  	[smem:$0x3FA5] =	sst s0  }
0x9: {  	[smem:$0x3FA6] =	sst s1  }
0xa: {  	[smem:$0x3FA7] =	sst s2  }
0xb: {  	[smem:$0x3FA8] =	sst s3  }
0xc: {  	[smem:$0x3FA9] =	sst s4  }
0xd: {  	[smem:$0x3FAA] =	sst s5  }
0xe: {  	[smem:$0x3FAB] =	sst s6  }
0xf: {  	[smem:$0x3FAC] =	sst s7  }
0x10: {  	[smem:$0x3FAD] =	sst s8  }
0x11: {  	[smem:$0x3FAE] =	sst s9;
	s0 =	simm.s32 @!p0 $0x0  }
0x12: {  	s1 =	sld [smem:$0x3F94];
	s0 =	simm.s32 @p0 $0x1  }
0x13: {  	[smem:$0x3FAF] =	sst s0;
	s0 =	simm.s32 @!p1 $0x0  }
0x14: {  	s2 =	sld [smem:$0x3F93];
	s0 =	simm.s32 @p1 $0x1  }
0x15: {  	[smem:$0x3FB0] =	sst s0;
	s0 =	simm.s32 @!p2 $0x0  }
0x16: {  	s3 =	sld [smem:$0x3FDB];
	s0 =	simm.s32 @p2 $0x1  }
0x17: {  	s4 =	simm.s32 $0x1BF5;
	[smem:$0x3FB2] =	sst s0  }
0x18: {  	s0 =	sld [smem:$0x3F95];
	_ =	swait.ge [sflag:s4], $0x0  }
0x19: {  	s7 =	sld [smem:$0x3F96]  }
0x1a: {  	s8 =	sadd.s32 $0xFFFFE003, lr  }
0x1b: {  	s9 =	sadd.s32 $0xFFFFFEF7, lr;
	s5 =	simm.s32 $0xFFFFFFFF;
	p2 =	slt.u32 s8, $0xFFFFF086  }
0x1c: {  	p1 =	slt.u32 s9, $0xF7A;
	s5 =	simm.s32 @!p2 $0x0  }
0x1d: {  	s5 =	simm.s32 @p1 $0x1;
	p0 =	seq.s32 s7, s2  }
0x1e: {  	s7 =	smul.u32 @!p0 $0xF7A, s2;
	p2 =	seq.s32 @!p0 s5, $0x0  }
0x1f: {  	s9 =	smul.u32 $0xF7A, s1;
	s8 =	simm.s32 @!p0 $0x1BF5;
	p2 =	por !p2, p0  }
0x20: {  	[sflag:s8] =	ssyncset.s32 @!p0 $0xFFFFF086;
	s6 =	sadd.s32 @!p0 s3, s7;
	s7 =	simm.s32 @!p0 $0x108  }
0x21: {  	s3 =	sadd.s32 s3, s9;
	s6 =	sadd.s32 @!p0 $0x88, s6;
	s7 =	simm.s32 @p2 $0x1082  }
0x22: {  	[simem:s7], [sflag:s8] =	dma.local @!p0 [hbm:s6], $0xF7A  }
0x23: {  	s9 =	sor.u32 $0xD0000000, s2;
	s6 =	simm.s32 $0x108;
	_ =	swait.ge @!p0 [sflag:s8], $0x0  }
0x24: {  	s3 =	sadd.s32 $0x88, s3;
	s6 =	simm.s32 @!p1 $0x1082;
	[sflag:s4] =	ssyncset.s32 $0xFFFFF086  }
0x25: {  	[simem:s6], [sflag:s4] =	dma.local [hbm:s3], $0xF7A  }
0x26: {  	[smem:$0x3F96] =	sst s1;
	(tag) =	ssettag s2;
	_ =	strace s9  }
0x27: {  	s1 =	sld [smem:$0x3FA6]  }
0x28: {  	s2 =	sld [smem:$0x3FA7]  }
0x29: {  	s4 =	sld [smem:$0x3FA9]  }
0x2a: {  	p0 =	seq.s32 s5, $0x0;
	s5 =	sld [smem:$0x3FAA]  }
0x2b: {  	s6 =	sld [smem:$0x3FAB]  }
0x2c: {  	s7 =	sld [smem:$0x3FAC]  }
0x2d: {  	s3 =	simm.s32 $0x108;
	s8 =	sld [smem:$0x3FAD]  }
0x2e: {  	s3 =	simm.s32 @!p0 $0x1082;
	s9 =	sld [smem:$0x3FAE]  }
0x2f: {  	lr =	sadd.s32 s0, s3;
	s0 =	sld [smem:$0x3FA5]  }
0x30: {  	s3 =	sld [smem:$0x3FA8]  }
0x31: {  	[smem:$0x3FB1] =	sst s10  }
0x32: {  	s10 =	sld [smem:$0x3FAF];
	_ =	sdelay $0x3  }
0x33: {  	p0 =	seq.s32 s10, $0x1;
	s10 =	sld [smem:$0x3FB1];
	_ =	sdelay $0x3  }
0x34: {  	[smem:$0x3FB1] =	sst s10  }
0x35: {  	s10 =	sld [smem:$0x3FB0];
	_ =	sdelay $0x3  }
0x36: {  	p1 =	seq.s32 s10, $0x1;
	s10 =	sld [smem:$0x3FB1];
	_ =	sdelay $0x3  }
0x37: {  	[smem:$0x3FB1] =	sst s10  }
0x38: {  	s10 =	sld [smem:$0x3FB2]  }
0x39: {  	_ = 	snop;
	(pc) =	sbr.ind lr, $3  }
0x3a: {  	_ = 	snop  }
0x3b: {  	_ = 	snop  }
0x3c: {  	p2 =	seq.s32 s10, $0x1;
	s10 =	sld [smem:$0x3FB1]  }
0x3d: {  	_ =	shalt  }
0x3e: {  	_ =	shalt  }
0x3f: {  	_ =	shalt  }
0x40: {  	_ =	shalt  }
0x41: {  	_ =	shalt  }
0x42: {  	_ =	shalt  }
0x43: {  	_ =	shalt  }
0x44: {  	_ =	shalt  }
0x45: {  	_ =	shalt  }
0x46: {  	_ =	shalt  }
0x47: {  	_ =	shalt  }
0x48: {  	_ =	shalt  }
0x49: {  	_ =	shalt  }
0x4a: {  	_ =	shalt  }
0x4b: {  	_ =	shalt  }
0x4c: {  	_ =	shalt  }
0x4d: {  	_ =	shalt  }
0x4e: {  	_ =	shalt  }
0x4f: {  	_ =	shalt  }
0x50: {  	_ =	shalt  }
0x51: {  	_ =	shalt  }
0x52: {  	_ =	shalt  }
0x53: {  	_ =	shalt  }
0x54: {  	_ =	shalt  }
0x55: {  	_ =	shalt  }
0x56: {  	_ =	shalt  }
0x57: {  	_ =	shalt  }
0x58: {  	_ =	shalt  }
0x59: {  	_ =	shalt  }
0x5a: {  	_ =	shalt  }
0x5b: {  	_ =	shalt  }
0x5c: {  	_ =	shalt  }
0x5d: {  	_ =	shalt  }
0x5e: {  	_ =	shalt  }
0x5f: {  	_ =	shalt  }
0x60: {  	_ =	shalt  }
0x61: {  	_ =	shalt  }
0x62: {  	_ =	shalt  }
0x63: {  	_ =	shalt  }
0x64: {  	_ =	shalt  }
0x65: {  	_ =	shalt  }
0x66: {  	_ =	shalt  }
0x67: {  	_ =	shalt  }
0x68: {  	_ =	shalt  }
0x69: {  	_ =	shalt  }
0x6a: {  	_ =	shalt  }
0x6b: {  	_ =	shalt  }
0x6c: {  	_ =	shalt  }
0x6d: {  	_ =	shalt  }
0x6e: {  	_ =	shalt  }
0x6f: {  	_ =	shalt  }
0x70: {  	_ =	shalt  }
0x71: {  	_ =	shalt  }
0x72: {  	_ =	shalt  }
0x73: {  	_ =	shalt  }
0x74: {  	_ =	shalt  }
0x75: {  	_ =	shalt  }
0x76: {  	_ =	shalt  }
0x77: {  	_ =	shalt  }
0x78: {  	_ =	shalt  }
0x79: {  	_ =	shalt  }
0x7a: {  	_ =	shalt  }
0x7b: {  	_ =	shalt  }
0x7c: {  	_ =	shalt  }
0x7d: {  	_ =	shalt  }
0x7e: {  	_ =	shalt  }
0x7f: {  	_ =	shalt  }
0x80: {  	_ =	shalt  }
0x81: {  	_ =	shalt  }
0x82: {  	_ =	shalt  }
0x83: {  	_ =	shalt  }
0x84: {  	_ =	shalt  }
0x85: {  	_ =	shalt  }
0x86: {  	_ =	shalt  }
0x87: {  	_ =	shalt  }
.Lfunc_end0:
.L_simem_size_0:
called_computation.1_lowered:
.L_overlay_start_0:
0x88: {  	s2 =	sld [smem:$0x3FD9]  }
0x89: {  	s3 =	sld [smem:$0x3FFE];
	_ =	sdelay $0x1  }
0x8a: {  	s1 =	srdreg.scid  }
0x8b: {  	s0 =	sand.u32 $0x1, s1  }
0x8c: {  	s16 =	sshll.u32 s0, $0xA;
	s2 =	sadd.s32 s3, s2  }
0x8d: {  	s2 =	sadd.s32 s2, s16  }
0x8e: {  	[smem:$0x3FBD] =	sst s2  }
0x8f: {  	_ = 	snop  }
0x90: {  	(tm) =	ssettm $0x1  }
0x91: {  	s17 =	sld [smem:$0x3FFB];
	_ =	sdelay $0x3  }
0x92: {  	_ =	strace s17  }
0x93: {  	s2 =	sld [smem:$0x3FFC];
	_ =	sdelay $0x3  }
0x94: {  	_ =	strace s2  }
0x95: {  	s2 =	sld [smem:$0x3FFD];
	_ =	sdelay $0x3  }
0x96: {  	_ =	strace s2  }
0x97: {  	_ =	strace $0x8FFFFFFF  }
0x98: {  	s18 =	sld [smem:$0x3FDB];
	_ =	sdelay $0x1  }
0x99: {  	s19 =	simm.s32 $_scs_section_size  }
0x9a: {  	s4 =	simm.s32 $_size__tile_overlayer_lowered;
	s5 =	simm.s32 $_tile_overlayer_lowered  }
0x9b: {  	s22 =	simm.s32 $0x1BFF;
	s21 =	sshll.u32 s5, $0x1;
	s2 =	sadd.s32 s19, s18  }
0x9c: {  	s6 =	simm.s32 $0x0;
	s20 =	sshll.u32 s4, $0x1;
	s4 =	sadd.s32 s21, s2  }
0x9d: {  	[timem:s6], [sflag:s22] =	dma.local [hbm:s4], s20  }
0x9e: {  	_ =	swait.ge [sflag:s22], s20  }
0x9f: {  	s3 =	ssub.s32 $0x0, s20;
	[sflag:s22] =	ssyncset.done $0x0  }
0xa0: {  	[sflag:s22] =	ssyncadd.s32 s3;
	_ =	sdelay $0x1  }
0xa1: {  	s23 =	simm.s32 $0x1B8B  }
0xa2: {  	_ =	swait.ge [sflag:s23], $0x1  }
0xa3: {  	[sflag:s23] =	ssyncset.done $0x0  }
0xa4: {  	s25 =	simm.s32 $0x1B8E;
	s24 =	sld [smem:$0x3FFE];
	[sflag:s23] =	ssyncadd.s32 $0xFFFFFFFF  }
0xa5: {  	s26 =	simm.s32 $execute0_lowered;
	[smem:$0x3FD2] =	sst s25  }
0xa6: {  	s4 =	sshll.u32 s26, $0x1;
	_ =	strace $0x80000046;
	[dreg:$0x1] =	wrdreg $0xFFFFFFFF  }
0xa7: {  	s28 =	simm.s32 $_size_execute0_lowered;
	s2 =	sadd.s32 s2, s4;
	[dreg:$0x0] =	wrdreg $0x0  }
0xa8: {  	s4 =	sshll.u32 s28, $0x1;
	[dreg:$0x2] =	wrdreg s2  }
0xa9: {  	[dreg:$0x3] =	wrdreg s4  }
0xaa: {  	[dreg:$0x4] =	wrdreg $0xC0  }
0xab: {  	_ =	task [dreg:s6], $0x5FFFF  }
0xac: {  	[dreg:$0x1] =	wrdreg $0xFFFFFFFF  }
0xad: {  	[dreg:$0x0] =	wrdreg $0x60  }
0xae: {  	[dreg:$0x2] =	wrdreg s24  }
0xaf: {  	[dreg:$0x3] =	wrdreg $0x41000  }
0xb0: {  	[dreg:$0x4] =	wrdreg $0xA  }
0xb1: {  	_ =	task.clear_ibuf [dreg:s6], $0x5FFFF;
	_ =	strace $0x90000046  }
0xb2: {  	s29 =	simm.s32 $0xA;
	_ =	strace $0x80000048  }
0xb3: {  	_ =	swait.ge [sflag:s29], $0x1  }
0xb4: {  	[sflag:s29] =	ssyncadd.s32 $0xFFFFFFFF  }
0xb5: {  	_ =	strace $0x90000048  }
0xb6: {  	_ =	sfence  }
0xb7: {  	s30 =	sld [smem:$0x0];
	_ =	sdelay $0x2  }
0xb8: {  	s31 =	sshll.u32 s1, $0xD;
	s1 =	sshrl.u32 s1, $0x2  }
0xb9: {  	s3 =	sand.u32 $0x4000, s31;
	s1 =	sadd.s32 s1, s30  }
0xba: {  	s0 =	sor.u32 s3, s0;
	s1 =	sshll.u32 s1, $0x11  }
0xbb: {  	s0 =	sor.u32 s1, s0  }
0xbc: {  	s0 =	sadd.s32 $0x8F2B, s0  }
0xbd: {  	[sflag:s0] =	ssyncadd.remote.s32 $0x1  }
0xbe: {  	_ =	sfence.sel $0xFFFF  }
0xbf: {  	[dreg:$0x0] =	wrdreg $0xFFFFFFFF;
	(pc) =	sbr.abs _section_cstart, $3  }
0xc0: {  	[dreg:$0x1] =	wrdreg $0xFFFFFFFF  }
0xc1: {  	_ =	task.clear_ibuf [dreg:s6], $0x2FFFF;
	_ =	strace $0x9FFFFFFF  }
0xc2: {  	(tm) =	ssettm $0x7FFFFFFF  }
0xc3: {  	_ =	shalt  }
tec
execute0_lowered:
.L_overlay_start_1:
0x0: {  	(tag) =	ssettag $0x1  }
0x1: {  	s7 =	rddreg [dreg:$0x0];
	s0 =	srdreg.scid  }
0x2: {  	s2 =	rddreg [dreg:$0x1];
	s1 =	stileid.u32  }
0x3: {  	s3 =	simm.s32 $0x0;
	s19 =	simm.s32 $0x100;
	s8 =	smul.u32 $0x280, s1  }
0x4: {  	s20 =	simm.s32 $0x2;
	s21 =	simm.s32 $0x80;
	s10 =	smul.u32 $0x50000, s1  }
0x5: {  	s22 =	simm.s32 $0x1;
	s6 =	sand.u32 $0x1, s0;
	s18 =	smul.u32 $0x4F0, s1  }
0x6: {  	s23 =	simm.s32 $0x0;
	s0 =	rddreg [dreg:$0x2];
	s5 =	smul.u32 $0x4F00, s6  }
0x7: {  	[smem:$0x7FF] =	sst s3;
	s4 =	sadd.s32 $0x16600, s7;
	s9 =	smul.u32 $0x2800, s6  }
0x8: {  	_ =	strace $0x80000047;
	s29 =	ssub.s32 $0x2, s6;
	s30 =	sshrl.u32 s10, $0x2  }
0x9: {  	s31 =	sshrl.u32 s29, $0x1;
	s15 =	sadd.s32 s5, s7;
	s5 =	sadd.s32 $0x3D800, s7  }
0xa: {  	s8 =	sadd.s32 s8, s9;
	s6 =	sadd.s32 s30, s2;
	s17 =	ssub.s32 s29, s31  }
0xb: {  	s8 =	sshll.u32 s8, $0x4;
	s9 =	sadd.s32 $0xC000, s6;
	s10 =	sadd.s32 $0x10000, s6  }
0xc: {  	s18 =	sadd.s32 s18, s15;
	s16 =	sadd.s32 s8, s7;
	s7 =	sadd.s32 $0x4000, s6  }
0xd: {  	s8 =	sadd.s32 $0x8000, s6;
	s11 =	sadd.s32 $0x3E000, s16;
	s12 =	sadd.s32 $0x3E800, s16  }
0xe: {  	s13 =	sadd.s32 $0x3F000, s16;
	s14 =	sadd.s32 $0x3F800, s16;
	s15 =	sadd.s32 $0x40000, s16  }
0xf: {  	s16 =	smax.u32 s17, $0x1;
	s17 =	sadd.s32 $0xC800, s18;
	s18 =	sadd.s32 $0x2A00, s18  }
.LBB2_1:
0x10: {  	[tilespmem:s19], [sflag:$0x2] =	stream.linear.gather [hbm4b:s5+s3], $0x4000, $0x38;
	[tilespmem:$0x18100] =	vst v63  }
0x11: {  	_ =	swait.ge [sflag:s20], $0x4000  }
0x12: {  	[sflag:s20] =	ssyncset.done $0x0  }
0x13: {  	[sflag:s20] =	ssyncadd.s32 $0xFFFFC000  }
0x14: {  	[spmem:s6] =	stream.linear.scatter [tilespmem:s19], [sflag:$0x2], $0x4000, $0x38;
	[tilespmem:$0x18100] =	vst v63  }
0x15: {  	_ =	swait.ge [sflag:s20], $0x4000  }
0x16: {  	[sflag:s20] =	ssyncset.done $0x0  }
0x17: {  	[sflag:s20] =	ssyncadd.s32 $0xFFFFC000  }
0x18: {  	[spmem:s7] =	stream.linear.scatter [tilespmem:s19], [sflag:$0x2], $0x4000, $0x38;
	[tilespmem:$0x18100] =	vst v63  }
0x19: {  	_ =	swait.ge [sflag:s20], $0x4000  }
0x1a: {  	[sflag:s20] =	ssyncset.done $0x0  }
0x1b: {  	[sflag:s20] =	ssyncadd.s32 $0xFFFFC000  }
0x1c: {  	[spmem:s8] =	stream.linear.scatter [tilespmem:s19], [sflag:$0x2], $0x4000, $0x38;
	[tilespmem:$0x18100] =	vst v63  }
0x1d: {  	_ =	swait.ge [sflag:s20], $0x4000  }
0x1e: {  	[sflag:s20] =	ssyncset.done $0x0  }
0x1f: {  	[sflag:s20] =	ssyncadd.s32 $0xFFFFC000  }
0x20: {  	[spmem:s9] =	stream.linear.scatter [tilespmem:s19], [sflag:$0x2], $0x4000, $0x38;
	[tilespmem:$0x18100] =	vst v63  }
0x21: {  	_ =	swait.ge [sflag:s20], $0x4000  }
0x22: {  	[sflag:s20] =	ssyncset.done $0x0  }
0x23: {  	[sflag:s20] =	ssyncadd.s32 $0xFFFFC000  }
0x24: {  	[spmem:s10] =	stream.linear.scatter [tilespmem:s19], [sflag:$0x2], $0x4000, $0x38;
	[tilespmem:$0x18100] =	vst v63  }
0x25: {  	_ =	swait.ge [sflag:s20], $0x4000  }
0x26: {  	[sflag:s20] =	ssyncset.done $0x0  }
0x27: {  	[sflag:s20] =	ssyncadd.s32 $0xFFFFC000  }
0x28: {  	s24 =	sadd.s32 $0x0, s18;
	[bflag:$0x0] =	sbarrier.arrive $0xFFFF  }
0x29: {  	[tilespmem:s3], [sflag:$0x2] =	stream.linear.gather [hbm4b:s24+s3], $0x80, $0x38;
	[tilespmem:$0x18100] =	vst v63  }
0x2a: {  	_ =	swait.ge [sflag:s20], $0x80  }
0x2b: {  	[sflag:s20] =	ssyncset.done $0x0  }
0x2c: {  	s31 =	sadd.s32 $0x0, s17;
	[sflag:s20] =	ssyncadd.s32 $0xFFFFFF80  }
0x2d: {  	[tilespmem:s21], [sflag:$0x2] =	stream.linear.gather [hbm4b:s31+s3], $0x80, $0x38;
	[tilespmem:$0x18100] =	vst v63  }
0x2e: {  	_ =	swait.ge [sflag:s20], $0x80  }
0x2f: {  	[sflag:s20] =	ssyncset.done $0x0  }
0x30: {  	[sflag:s20] =	ssyncadd.s32 $0xFFFFFF80  }
0x31: {  	[tilespmem:s19], [sflag:$0x1] =	stream.indirect.gather [hbm4b:s4+s21], $0x80, s3, s21, $0xb8;
	[tilespmem:$0x18100] =	vst v63  }
0x32: {  	_ =	swait.ge [sflag:s22], $0x4000  }
0x33: {  	[sflag:s22] =	ssyncset.done $0x0  }
0x34: {  	[sflag:s22] =	ssyncadd.s32 $0xFFFFC000  }
0x35: {  	[spmem:s2] =	stream.indirect.scatter.add.f32 [tilespmem:s19], [sflag:$0x2], $0x80, s21, s21, $0xb8;
	[tilespmem:$0x18100] =	vst v63  }
0x36: {  	_ =	swait.ge [sflag:s20], $0x4000  }
0x37: {  	s25 =	simm.s32 $0x20;
	s24 =	simm.s32 $0x10;
	[sflag:s20] =	ssyncset.done $0x0  }
.LBB2_2:
0x38: {  	s26 =	sadd.s32 s24, s18  }
0x39: {  	[sflag:s20] =	ssyncadd.s32 $0xFFFFC000;
	s28 =	smov.u32 s25;
	s29 =	sadd.s32 $0x10, s25  }
0x3a: {  	[tilespmem:s3], [sflag:$0x2] =	stream.linear.gather [hbm4b:s26+s3], $0x80, $0x38;
	[tilespmem:$0x18100] =	vst v63  }
0x3b: {  	p0 =	sne.s32 s25, $0x4E0;
	_ =	swait.ge [sflag:s20], $0x80  }
0x3c: {  	[sflag:s20] =	ssyncset.done $0x0  }
0x3d: {  	s25 =	sadd.s32 s24, s17;
	s24 =	smov.u32 s28;
	[sflag:s20] =	ssyncadd.s32 $0xFFFFFF80  }
0x3e: {  	[tilespmem:s21], [sflag:$0x2] =	stream.linear.gather [hbm4b:s25+s3], $0x80, $0x38;
	[tilespmem:$0x18100] =	vst v63  }
0x3f: {  	_ =	swait.ge [sflag:s20], $0x80  }
0x40: {  	[sflag:s20] =	ssyncset.done $0x0  }
0x41: {  	[sflag:s20] =	ssyncadd.s32 $0xFFFFFF80  }
0x42: {  	[tilespmem:s19], [sflag:$0x1] =	stream.indirect.gather [hbm4b:s4+s21], $0x80, s3, s21, $0xb8;
	[tilespmem:$0x18100] =	vst v63  }
0x43: {  	_ =	swait.ge [sflag:s22], $0x4000  }
.Ltmp0:
0x44: {  	[sflag:s22] =	ssyncset.done $0x0;
	(pc) =	sbr.rel @p0 .LBB2_2-.Ltmp0, $4  }
0x45: {  	[sflag:s22] =	ssyncadd.s32 $0xFFFFC000  }
0x46: {  	[spmem:s2] =	stream.indirect.scatter.add.f32 [tilespmem:s19], [sflag:$0x2], $0x80, s21, s21, $0xb8;
	[tilespmem:$0x18100] =	vst v63  }
0x47: {  	_ =	swait.ge [sflag:s20], $0x4000  }
0x48: {  	s25 =	smov.u32 s29;
	[sflag:s20] =	ssyncset.done $0x0  }
0x49: {  	s25 =	sadd.s32 s24, s18;
	[sflag:s20] =	ssyncadd.s32 $0xFFFFC000  }
0x4a: {  	[tilespmem:s3], [sflag:$0x2] =	stream.linear.gather [hbm4b:s25+s3], $0x80, $0x38;
	[tilespmem:$0x18100] =	vst v63  }
0x4b: {  	_ =	swait.ge [sflag:s20], $0x80  }
0x4c: {  	[sflag:s20] =	ssyncset.done $0x0  }
0x4d: {  	s31 =	sadd.s32 s24, s17;
	[sflag:s20] =	ssyncadd.s32 $0xFFFFFF80  }
0x4e: {  	[tilespmem:s21], [sflag:$0x2] =	stream.linear.gather [hbm4b:s31+s3], $0x80, $0x38;
	[tilespmem:$0x18100] =	vst v63  }
0x4f: {  	_ =	swait.ge [sflag:s20], $0x80  }
0x50: {  	[sflag:s20] =	ssyncset.done $0x0  }
0x51: {  	[sflag:s20] =	ssyncadd.s32 $0xFFFFFF80  }
0x52: {  	[tilespmem:s19], [sflag:$0x1] =	stream.indirect.gather [hbm4b:s4+s21], $0x80, s3, s21, $0xb8;
	[tilespmem:$0x18100] =	vst v63  }
0x53: {  	_ =	swait.ge [sflag:s22], $0x4000  }
0x54: {  	[sflag:s22] =	ssyncset.done $0x0  }
0x55: {  	[sflag:s22] =	ssyncadd.s32 $0xFFFFC000  }
0x56: {  	[spmem:s2] =	stream.indirect.scatter.add.f32 [tilespmem:s19], [sflag:$0x2], $0x80, s21, s21, $0xb8;
	[tilespmem:$0x18100] =	vst v63  }
0x57: {  	_ =	swait.ge [sflag:s20], $0x4000  }
0x58: {  	[sflag:s20] =	ssyncset.done $0x0  }
0x59: {  	[sflag:s20] =	ssyncadd.s32 $0xFFFFC000  }
0x5a: {  	[bflag:$0x0] =	sbarrier.arrive $0xFFFF  }
0x5b: {  	[tilespmem:s19], [sflag:$0x2] =	stream.linear.gather [spmem:s6], $0x4000, $0x38;
	[tilespmem:$0x18100] =	vst v63  }
0x5c: {  	_ =	swait.ge [sflag:s20], $0x4000  }
0x5d: {  	[sflag:s20] =	ssyncset.done $0x0  }
0x5e: {  	[sflag:s20] =	ssyncadd.s32 $0xFFFFC000  }
0x5f: {  	[hbm4b:s11+s3] =	stream.linear.scatter [tilespmem:s19], [sflag:$0x2], $0x4000, $0x38;
	[tilespmem:$0x18100] =	vst v63  }
0x60: {  	_ =	swait.ge [sflag:s20], $0x4000  }
0x61: {  	[sflag:s20] =	ssyncset.done $0x0  }
0x62: {  	[sflag:s20] =	ssyncadd.s32 $0xFFFFC000  }
0x63: {  	[tilespmem:s19], [sflag:$0x2] =	stream.linear.gather [spmem:s7], $0x4000, $0x38;
	[tilespmem:$0x18100] =	vst v63  }
0x64: {  	_ =	swait.ge [sflag:s20], $0x4000  }
0x65: {  	[sflag:s20] =	ssyncset.done $0x0  }
0x66: {  	[sflag:s20] =	ssyncadd.s32 $0xFFFFC000  }
0x67: {  	[hbm4b:s12+s3] =	stream.linear.scatter [tilespmem:s19], [sflag:$0x2], $0x4000, $0x38;
	[tilespmem:$0x18100] =	vst v63  }
0x68: {  	_ =	swait.ge [sflag:s20], $0x4000  }
0x69: {  	[sflag:s20] =	ssyncset.done $0x0  }
0x6a: {  	[sflag:s20] =	ssyncadd.s32 $0xFFFFC000  }
0x6b: {  	[tilespmem:s19], [sflag:$0x2] =	stream.linear.gather [spmem:s8], $0x4000, $0x38;
	[tilespmem:$0x18100] =	vst v63  }
0x6c: {  	_ =	swait.ge [sflag:s20], $0x4000  }
0x6d: {  	[sflag:s20] =	ssyncset.done $0x0  }
0x6e: {  	[sflag:s20] =	ssyncadd.s32 $0xFFFFC000  }
0x6f: {  	[hbm4b:s13+s3] =	stream.linear.scatter [tilespmem:s19], [sflag:$0x2], $0x4000, $0x38;
	[tilespmem:$0x18100] =	vst v63  }
0x70: {  	_ =	swait.ge [sflag:s20], $0x4000  }
0x71: {  	[sflag:s20] =	ssyncset.done $0x0  }
0x72: {  	[sflag:s20] =	ssyncadd.s32 $0xFFFFC000  }
0x73: {  	[tilespmem:s19], [sflag:$0x2] =	stream.linear.gather [spmem:s9], $0x4000, $0x38;
	[tilespmem:$0x18100] =	vst v63  }
0x74: {  	_ =	swait.ge [sflag:s20], $0x4000  }
0x75: {  	[sflag:s20] =	ssyncset.done $0x0  }
0x76: {  	[sflag:s20] =	ssyncadd.s32 $0xFFFFC000  }
0x77: {  	[hbm4b:s14+s3] =	stream.linear.scatter [tilespmem:s19], [sflag:$0x2], $0x4000, $0x38;
	[tilespmem:$0x18100] =	vst v63  }
0x78: {  	_ =	swait.ge [sflag:s20], $0x4000  }
0x79: {  	[sflag:s20] =	ssyncset.done $0x0  }
0x7a: {  	[sflag:s20] =	ssyncadd.s32 $0xFFFFC000  }
0x7b: {  	[tilespmem:s19], [sflag:$0x2] =	stream.linear.gather [spmem:s10], $0x4000, $0x38;
	[tilespmem:$0x18100] =	vst v63  }
0x7c: {  	s23 =	sadd.s32 $0x1, s23;
	_ =	swait.ge [sflag:s20], $0x4000  }
0x7d: {  	p0 =	sne.s32 s23, s16;
	[sflag:s20] =	ssyncset.done $0x0  }
.Ltmp1:
0x7e: {  	[sflag:s20] =	ssyncadd.s32 $0xFFFFC000;
	(pc) =	sbr.rel @p0 .LBB2_1-.Ltmp1, $4  }
0x7f: {  	[hbm4b:s15+s3] =	stream.linear.scatter [tilespmem:s19], [sflag:$0x2], $0x4000, $0x38;
	[tilespmem:$0x18100] =	vst v63  }
0x80: {  	_ =	swait.ge [sflag:s20], $0x4000  }
0x81: {  	[sflag:s20] =	ssyncset.done $0x0  }
0x82: {  	[sflag:s20] =	ssyncadd.s32 $0xFFFFC000  }
0x83: {  	_ =	sfence.sel $0x180000  }
0x84: {  	[bflag:$0x0] =	sbarrier.arrive $0xFFFF  }
0x85: {  	p0 =	sne.s32 s1, $0x0;
	_ =	strace $0x90000047  }
0x86: {  	s0 =	sadd.s32 @!p0 $0x100000, s0;
	[bflag:$0x2] =	sbarrier.arrive $0xFFFF  }
0x87: {  	[sflag:s0] =	ssyncadd.tile.s32 @!p0 $0x1;
	_ =	shalt  }
.Lfunc_end2:
_tile_overlayer_lowered:
.L_overlay_start_2:
0x88: {  	(tag) =	ssettag $0x2  }
0x89: {  	s0 =	rddreg [dreg:$0x0];
	s2 =	stileid.u32  }
0x8a: {  	s1 =	rddreg [dreg:$0x1];
	p0 =	sne.s32 s2, $0x0  }
0x8b: {  	s3 =	rddreg [dreg:$0x2];
	[bflag:$0x3] =	sbarrier.arrive $0xFFFF;
	s2 =	simm.s32 @!p0 $0x1C02  }
0x8c: {  	[timem:s3], [sflag:s2] =	dma.local @!p0 [hbm:s0], s1  }
0x8d: {  	s0 =	simm.s32 @!p0 $0x2  }
0x8e: {  	_ =	swait.ge @!p0 [sflag:s0], s1  }
0x8f: {  	s1 =	ssub.s32 @!p0 $0x0, s1;
	[sflag:s0] =	ssyncset.done @!p0 $0x0  }
0x90: {  	[sflag:s0] =	ssyncadd.s32 @!p0 s1  }
0x91: {  	[bflag:$0x3] =	sbarrier.arrive $0xFFFF  }
0x92: {  	_ =	shalt  }

// kernel: kernel.16.cloned.1.call-start
scs
__scs_entry_jumppad:
0x0: {  	(pc) =	sbr.rel $0x88, $3  }
0x1: {  	(tag) =	ssettag $0x0;
	lr =	simm.s32 $0x1  }
0x2: {  	[smem:$0x3F96] =	sst lr;
	_ =	strace $0xD0000000  }
0x3: {  	_ = 	snop  }
0x4: {  	_ = 	snop  }
0x5: {  	_ = 	snop  }
0x6: {  	_ = 	snop  }
0x7: {  	_ = 	snop  }
__scs_overlays_trampoline_lowered:
0x8: {  	[smem:$0x3FA5] =	sst s0  }
0x9: {  	[smem:$0x3FA6] =	sst s1  }
0xa: {  	[smem:$0x3FA7] =	sst s2  }
0xb: {  	[smem:$0x3FA8] =	sst s3  }
0xc: {  	[smem:$0x3FA9] =	sst s4  }
0xd: {  	[smem:$0x3FAA] =	sst s5  }
0xe: {  	[smem:$0x3FAB] =	sst s6  }
0xf: {  	[smem:$0x3FAC] =	sst s7  }
0x10: {  	[smem:$0x3FAD] =	sst s8  }
0x11: {  	[smem:$0x3FAE] =	sst s9;
	s0 =	simm.s32 @!p0 $0x0  }
0x12: {  	s1 =	sld [smem:$0x3F94];
	s0 =	simm.s32 @p0 $0x1  }
0x13: {  	[smem:$0x3FAF] =	sst s0;
	s0 =	simm.s32 @!p1 $0x0  }
0x14: {  	s2 =	sld [smem:$0x3F93];
	s0 =	simm.s32 @p1 $0x1  }
0x15: {  	[smem:$0x3FB0] =	sst s0;
	s0 =	simm.s32 @!p2 $0x0  }
0x16: {  	s3 =	sld [smem:$0x3FDB];
	s0 =	simm.s32 @p2 $0x1  }
0x17: {  	s4 =	simm.s32 $0x1BF5;
	[smem:$0x3FB2] =	sst s0  }
0x18: {  	s0 =	sld [smem:$0x3F95];
	_ =	swait.ge [sflag:s4], $0x0  }
0x19: {  	s7 =	sld [smem:$0x3F96]  }
0x1a: {  	s8 =	sadd.s32 $0xFFFFE003, lr  }
0x1b: {  	s9 =	sadd.s32 $0xFFFFFEF7, lr;
	s5 =	simm.s32 $0xFFFFFFFF;
	p2 =	slt.u32 s8, $0xFFFFF086  }
0x1c: {  	p1 =	slt.u32 s9, $0xF7A;
	s5 =	simm.s32 @!p2 $0x0  }
0x1d: {  	s5 =	simm.s32 @p1 $0x1;
	p0 =	seq.s32 s7, s2  }
0x1e: {  	s7 =	smul.u32 @!p0 $0xF7A, s2;
	p2 =	seq.s32 @!p0 s5, $0x0  }
0x1f: {  	s9 =	smul.u32 $0xF7A, s1;
	s8 =	simm.s32 @!p0 $0x1BF5;
	p2 =	por !p2, p0  }
0x20: {  	[sflag:s8] =	ssyncset.s32 @!p0 $0xFFFFF086;
	s6 =	sadd.s32 @!p0 s3, s7;
	s7 =	simm.s32 @!p0 $0x108  }
0x21: {  	s3 =	sadd.s32 s3, s9;
	s6 =	sadd.s32 @!p0 $0x88, s6;
	s7 =	simm.s32 @p2 $0x1082  }
0x22: {  	[simem:s7], [sflag:s8] =	dma.local @!p0 [hbm:s6], $0xF7A  }
0x23: {  	s9 =	sor.u32 $0xD0000000, s2;
	s6 =	simm.s32 $0x108;
	_ =	swait.ge @!p0 [sflag:s8], $0x0  }
0x24: {  	s3 =	sadd.s32 $0x88, s3;
	s6 =	simm.s32 @!p1 $0x1082;
	[sflag:s4] =	ssyncset.s32 $0xFFFFF086  }
0x25: {  	[simem:s6], [sflag:s4] =	dma.local [hbm:s3], $0xF7A  }
0x26: {  	[smem:$0x3F96] =	sst s1;
	(tag) =	ssettag s2;
	_ =	strace s9  }
0x27: {  	s1 =	sld [smem:$0x3FA6]  }
0x28: {  	s2 =	sld [smem:$0x3FA7]  }
0x29: {  	s4 =	sld [smem:$0x3FA9]  }
0x2a: {  	p0 =	seq.s32 s5, $0x0;
	s5 =	sld [smem:$0x3FAA]  }
0x2b: {  	s6 =	sld [smem:$0x3FAB]  }
0x2c: {  	s7 =	sld [smem:$0x3FAC]  }
0x2d: {  	s3 =	simm.s32 $0x108;
	s8 =	sld [smem:$0x3FAD]  }
0x2e: {  	s3 =	simm.s32 @!p0 $0x1082;
	s9 =	sld [smem:$0x3FAE]  }
0x2f: {  	lr =	sadd.s32 s0, s3;
	s0 =	sld [smem:$0x3FA5]  }
0x30: {  	s3 =	sld [smem:$0x3FA8]  }
0x31: {  	[smem:$0x3FB1] =	sst s10  }
0x32: {  	s10 =	sld [smem:$0x3FAF];
	_ =	sdelay $0x3  }
0x33: {  	p0 =	seq.s32 s10, $0x1;
	s10 =	sld [smem:$0x3FB1];
	_ =	sdelay $0x3  }
0x34: {  	[smem:$0x3FB1] =	sst s10  }
0x35: {  	s10 =	sld [smem:$0x3FB0];
	_ =	sdelay $0x3  }
0x36: {  	p1 =	seq.s32 s10, $0x1;
	s10 =	sld [smem:$0x3FB1];
	_ =	sdelay $0x3  }
0x37: {  	[smem:$0x3FB1] =	sst s10  }
0x38: {  	s10 =	sld [smem:$0x3FB2]  }
0x39: {  	_ = 	snop;
	(pc) =	sbr.ind lr, $3  }
0x3a: {  	_ = 	snop  }
0x3b: {  	_ = 	snop  }
0x3c: {  	p2 =	seq.s32 s10, $0x1;
	s10 =	sld [smem:$0x3FB1]  }
0x3d: {  	_ =	shalt  }
0x3e: {  	_ =	shalt  }
0x3f: {  	_ =	shalt  }
0x40: {  	_ =	shalt  }
0x41: {  	_ =	shalt  }
0x42: {  	_ =	shalt  }
0x43: {  	_ =	shalt  }
0x44: {  	_ =	shalt  }
0x45: {  	_ =	shalt  }
0x46: {  	_ =	shalt  }
0x47: {  	_ =	shalt  }
0x48: {  	_ =	shalt  }
0x49: {  	_ =	shalt  }
0x4a: {  	_ =	shalt  }
0x4b: {  	_ =	shalt  }
0x4c: {  	_ =	shalt  }
0x4d: {  	_ =	shalt  }
0x4e: {  	_ =	shalt  }
0x4f: {  	_ =	shalt  }
0x50: {  	_ =	shalt  }
0x51: {  	_ =	shalt  }
0x52: {  	_ =	shalt  }
0x53: {  	_ =	shalt  }
0x54: {  	_ =	shalt  }
0x55: {  	_ =	shalt  }
0x56: {  	_ =	shalt  }
0x57: {  	_ =	shalt  }
0x58: {  	_ =	shalt  }
0x59: {  	_ =	shalt  }
0x5a: {  	_ =	shalt  }
0x5b: {  	_ =	shalt  }
0x5c: {  	_ =	shalt  }
0x5d: {  	_ =	shalt  }
0x5e: {  	_ =	shalt  }
0x5f: {  	_ =	shalt  }
0x60: {  	_ =	shalt  }
0x61: {  	_ =	shalt  }
0x62: {  	_ =	shalt  }
0x63: {  	_ =	shalt  }
0x64: {  	_ =	shalt  }
0x65: {  	_ =	shalt  }
0x66: {  	_ =	shalt  }
0x67: {  	_ =	shalt  }
0x68: {  	_ =	shalt  }
0x69: {  	_ =	shalt  }
0x6a: {  	_ =	shalt  }
0x6b: {  	_ =	shalt  }
0x6c: {  	_ =	shalt  }
0x6d: {  	_ =	shalt  }
0x6e: {  	_ =	shalt  }
0x6f: {  	_ =	shalt  }
0x70: {  	_ =	shalt  }
0x71: {  	_ =	shalt  }
0x72: {  	_ =	shalt  }
0x73: {  	_ =	shalt  }
0x74: {  	_ =	shalt  }
0x75: {  	_ =	shalt  }
0x76: {  	_ =	shalt  }
0x77: {  	_ =	shalt  }
0x78: {  	_ =	shalt  }
0x79: {  	_ =	shalt  }
0x7a: {  	_ =	shalt  }
0x7b: {  	_ =	shalt  }
0x7c: {  	_ =	shalt  }
0x7d: {  	_ =	shalt  }
0x7e: {  	_ =	shalt  }
0x7f: {  	_ =	shalt  }
0x80: {  	_ =	shalt  }
0x81: {  	_ =	shalt  }
0x82: {  	_ =	shalt  }
0x83: {  	_ =	shalt  }
0x84: {  	_ =	shalt  }
0x85: {  	_ =	shalt  }
0x86: {  	_ =	shalt  }
0x87: {  	_ =	shalt  }
.Lfunc_end0:
.L_simem_size_0:
called_computation.2_lowered:
.L_overlay_start_0:
0x88: {  	s2 =	sld [smem:$0x3FD9]  }
0x89: {  	s3 =	sld [smem:$0x3FFE];
	_ =	sdelay $0x1  }
0x8a: {  	s1 =	srdreg.scid  }
0x8b: {  	s0 =	sand.u32 $0x1, s1  }
0x8c: {  	s16 =	sshll.u32 s0, $0xA;
	s2 =	sadd.s32 s3, s2  }
0x8d: {  	s2 =	sadd.s32 s2, s16  }
0x8e: {  	[smem:$0x3FBD] =	sst s2  }
0x8f: {  	_ = 	snop  }
0x90: {  	(tm) =	ssettm $0x1  }
0x91: {  	s17 =	sld [smem:$0x3FFB];
	_ =	sdelay $0x3  }
0x92: {  	_ =	strace s17  }
0x93: {  	s2 =	sld [smem:$0x3FFC];
	_ =	sdelay $0x3  }
0x94: {  	_ =	strace s2  }
0x95: {  	s2 =	sld [smem:$0x3FFD];
	_ =	sdelay $0x3  }
0x96: {  	_ =	strace s2  }
0x97: {  	_ =	strace $0x8FFFFFFF  }
0x98: {  	s18 =	sld [smem:$0x3FDB];
	_ =	sdelay $0x1  }
0x99: {  	s19 =	simm.s32 $_scs_section_size  }
0x9a: {  	s4 =	simm.s32 $_size__tile_overlayer_lowered;
	s5 =	simm.s32 $_tile_overlayer_lowered  }
0x9b: {  	s22 =	simm.s32 $0x1BFF;
	s21 =	sshll.u32 s5, $0x1;
	s2 =	sadd.s32 s19, s18  }
0x9c: {  	s6 =	simm.s32 $0x0;
	s20 =	sshll.u32 s4, $0x1;
	s4 =	sadd.s32 s21, s2  }
0x9d: {  	[timem:s6], [sflag:s22] =	dma.local [hbm:s4], s20  }
0x9e: {  	_ =	swait.ge [sflag:s22], s20  }
0x9f: {  	s3 =	ssub.s32 $0x0, s20;
	[sflag:s22] =	ssyncset.done $0x0  }
0xa0: {  	[sflag:s22] =	ssyncadd.s32 s3;
	_ =	sdelay $0x1  }
0xa1: {  	s23 =	simm.s32 $0x1B8B  }
0xa2: {  	_ =	swait.ge [sflag:s23], $0x1  }
0xa3: {  	[sflag:s23] =	ssyncset.done $0x0  }
0xa4: {  	s25 =	simm.s32 $0x1B8E;
	s24 =	sld [smem:$0x3FFE];
	[sflag:s23] =	ssyncadd.s32 $0xFFFFFFFF  }
0xa5: {  	s26 =	simm.s32 $execute0_lowered;
	[smem:$0x3FD2] =	sst s25  }
0xa6: {  	s4 =	sshll.u32 s26, $0x1;
	_ =	strace $0x8000004C;
	[dreg:$0x1] =	wrdreg $0xFFFFFFFF  }
0xa7: {  	s28 =	simm.s32 $_size_execute0_lowered;
	s2 =	sadd.s32 s2, s4;
	[dreg:$0x0] =	wrdreg $0x0  }
0xa8: {  	s4 =	sshll.u32 s28, $0x1;
	[dreg:$0x2] =	wrdreg s2  }
0xa9: {  	[dreg:$0x3] =	wrdreg s4  }
0xaa: {  	[dreg:$0x4] =	wrdreg $0xC0  }
0xab: {  	_ =	task [dreg:s6], $0x5FFFF  }
0xac: {  	[dreg:$0x1] =	wrdreg $0xFFFFFFFF  }
0xad: {  	[dreg:$0x0] =	wrdreg $0x60  }
0xae: {  	[dreg:$0x2] =	wrdreg s24  }
0xaf: {  	[dreg:$0x3] =	wrdreg $0x41000  }
0xb0: {  	[dreg:$0x4] =	wrdreg $0x9  }
0xb1: {  	_ =	task.clear_ibuf [dreg:s6], $0x5FFFF;
	_ =	strace $0x9000004C  }
0xb2: {  	s29 =	simm.s32 $0x9;
	_ =	strace $0x8000004E  }
0xb3: {  	_ =	swait.ge [sflag:s29], $0x1  }
0xb4: {  	[sflag:s29] =	ssyncadd.s32 $0xFFFFFFFF  }
0xb5: {  	_ =	strace $0x9000004E  }
0xb6: {  	_ =	sfence  }
0xb7: {  	s30 =	sld [smem:$0x0];
	_ =	sdelay $0x2  }
0xb8: {  	s31 =	sshll.u32 s1, $0xD;
	s1 =	sshrl.u32 s1, $0x2  }
0xb9: {  	s3 =	sand.u32 $0x4000, s31;
	s1 =	sadd.s32 s1, s30  }
0xba: {  	s0 =	sor.u32 s3, s0;
	s1 =	sshll.u32 s1, $0x11  }
0xbb: {  	s0 =	sor.u32 s1, s0  }
0xbc: {  	s0 =	sadd.s32 $0x8F2B, s0  }
0xbd: {  	[sflag:s0] =	ssyncadd.remote.s32 $0x1  }
0xbe: {  	_ =	sfence.sel $0xFFFF  }
0xbf: {  	[dreg:$0x0] =	wrdreg $0xFFFFFFFF;
	(pc) =	sbr.abs _section_cstart, $3  }
0xc0: {  	[dreg:$0x1] =	wrdreg $0xFFFFFFFF  }
0xc1: {  	_ =	task.clear_ibuf [dreg:s6], $0x2FFFF;
	_ =	strace $0x9FFFFFFF  }
0xc2: {  	(tm) =	ssettm $0x7FFFFFFF  }
0xc3: {  	_ =	shalt  }
tec
execute0_lowered:
.L_overlay_start_1:
0x0: {  	(tag) =	ssettag $0x1  }
0x1: {  	s7 =	rddreg [dreg:$0x0];
	s0 =	srdreg.scid  }
0x2: {  	s2 =	rddreg [dreg:$0x1];
	s1 =	stileid.u32  }
0x3: {  	s3 =	simm.s32 $0x0;
	s19 =	simm.s32 $0x100;
	s8 =	smul.u32 $0x280, s1  }
0x4: {  	s20 =	simm.s32 $0x2;
	s21 =	simm.s32 $0x80;
	s10 =	smul.u32 $0x50000, s1  }
0x5: {  	s22 =	simm.s32 $0x1;
	s6 =	sand.u32 $0x1, s0;
	s18 =	smul.u32 $0x4F0, s1  }
0x6: {  	s23 =	simm.s32 $0x0;
	s0 =	rddreg [dreg:$0x2];
	s5 =	smul.u32 $0x4F00, s6  }
0x7: {  	[smem:$0x7FF] =	sst s3;
	s4 =	sadd.s32 $0x16600, s7;
	s9 =	smul.u32 $0x2800, s6  }
0x8: {  	_ =	strace $0x8000004D;
	s29 =	ssub.s32 $0x2, s6;
	s30 =	sshrl.u32 s10, $0x2  }
0x9: {  	s31 =	sshrl.u32 s29, $0x1;
	s15 =	sadd.s32 s5, s7;
	s5 =	sadd.s32 $0x3D800, s7  }
0xa: {  	s8 =	sadd.s32 s8, s9;
	s6 =	sadd.s32 s30, s2;
	s17 =	ssub.s32 s29, s31  }
0xb: {  	s8 =	sshll.u32 s8, $0x4;
	s9 =	sadd.s32 $0xC000, s6;
	s10 =	sadd.s32 $0x10000, s6  }
0xc: {  	s18 =	sadd.s32 s18, s15;
	s16 =	sadd.s32 s8, s7;
	s7 =	sadd.s32 $0x4000, s6  }
0xd: {  	s8 =	sadd.s32 $0x8000, s6;
	s11 =	sadd.s32 $0x3E000, s16;
	s12 =	sadd.s32 $0x3E800, s16  }
0xe: {  	s13 =	sadd.s32 $0x3F000, s16;
	s14 =	sadd.s32 $0x3F800, s16;
	s15 =	sadd.s32 $0x40000, s16  }
0xf: {  	s16 =	smax.u32 s17, $0x1;
	s17 =	sadd.s32 $0xC800, s18;
	s18 =	sadd.s32 $0x2A00, s18  }
.LBB2_1:
0x10: {  	[tilespmem:s19], [sflag:$0x2] =	stream.linear.gather [hbm4b:s5+s3], $0x4000, $0x38;
	[tilespmem:$0x18100] =	vst v63  }
0x11: {  	_ =	swait.ge [sflag:s20], $0x4000  }
0x12: {  	[sflag:s20] =	ssyncset.done $0x0  }
0x13: {  	[sflag:s20] =	ssyncadd.s32 $0xFFFFC000  }
0x14: {  	[spmem:s6] =	stream.linear.scatter [tilespmem:s19], [sflag:$0x2], $0x4000, $0x38;
	[tilespmem:$0x18100] =	vst v63  }
0x15: {  	_ =	swait.ge [sflag:s20], $0x4000  }
0x16: {  	[sflag:s20] =	ssyncset.done $0x0  }
0x17: {  	[sflag:s20] =	ssyncadd.s32 $0xFFFFC000  }
0x18: {  	[spmem:s7] =	stream.linear.scatter [tilespmem:s19], [sflag:$0x2], $0x4000, $0x38;
	[tilespmem:$0x18100] =	vst v63  }
0x19: {  	_ =	swait.ge [sflag:s20], $0x4000  }
0x1a: {  	[sflag:s20] =	ssyncset.done $0x0  }
0x1b: {  	[sflag:s20] =	ssyncadd.s32 $0xFFFFC000  }
0x1c: {  	[spmem:s8] =	stream.linear.scatter [tilespmem:s19], [sflag:$0x2], $0x4000, $0x38;
	[tilespmem:$0x18100] =	vst v63  }
0x1d: {  	_ =	swait.ge [sflag:s20], $0x4000  }
0x1e: {  	[sflag:s20] =	ssyncset.done $0x0  }
0x1f: {  	[sflag:s20] =	ssyncadd.s32 $0xFFFFC000  }
0x20: {  	[spmem:s9] =	stream.linear.scatter [tilespmem:s19], [sflag:$0x2], $0x4000, $0x38;
	[tilespmem:$0x18100] =	vst v63  }
0x21: {  	_ =	swait.ge [sflag:s20], $0x4000  }
0x22: {  	[sflag:s20] =	ssyncset.done $0x0  }
0x23: {  	[sflag:s20] =	ssyncadd.s32 $0xFFFFC000  }
0x24: {  	[spmem:s10] =	stream.linear.scatter [tilespmem:s19], [sflag:$0x2], $0x4000, $0x38;
	[tilespmem:$0x18100] =	vst v63  }
0x25: {  	_ =	swait.ge [sflag:s20], $0x4000  }
0x26: {  	[sflag:s20] =	ssyncset.done $0x0  }
0x27: {  	[sflag:s20] =	ssyncadd.s32 $0xFFFFC000  }
0x28: {  	s24 =	sadd.s32 $0x0, s18;
	[bflag:$0x0] =	sbarrier.arrive $0xFFFF  }
0x29: {  	[tilespmem:s3], [sflag:$0x2] =	stream.linear.gather [hbm4b:s24+s3], $0x80, $0x38;
	[tilespmem:$0x18100] =	vst v63  }
0x2a: {  	_ =	swait.ge [sflag:s20], $0x80  }
0x2b: {  	[sflag:s20] =	ssyncset.done $0x0  }
0x2c: {  	s31 =	sadd.s32 $0x0, s17;
	[sflag:s20] =	ssyncadd.s32 $0xFFFFFF80  }
0x2d: {  	[tilespmem:s21], [sflag:$0x2] =	stream.linear.gather [hbm4b:s31+s3], $0x80, $0x38;
	[tilespmem:$0x18100] =	vst v63  }
0x2e: {  	_ =	swait.ge [sflag:s20], $0x80  }
0x2f: {  	[sflag:s20] =	ssyncset.done $0x0  }
0x30: {  	[sflag:s20] =	ssyncadd.s32 $0xFFFFFF80  }
0x31: {  	[tilespmem:s19], [sflag:$0x1] =	stream.indirect.gather [hbm4b:s4+s21], $0x80, s3, s21, $0xb8;
	[tilespmem:$0x18100] =	vst v63  }
0x32: {  	_ =	swait.ge [sflag:s22], $0x4000  }
0x33: {  	[sflag:s22] =	ssyncset.done $0x0  }
0x34: {  	[sflag:s22] =	ssyncadd.s32 $0xFFFFC000  }
0x35: {  	[spmem:s2] =	stream.indirect.scatter.add.f32 [tilespmem:s19], [sflag:$0x2], $0x80, s21, s21, $0xb8;
	[tilespmem:$0x18100] =	vst v63  }
0x36: {  	_ =	swait.ge [sflag:s20], $0x4000  }
0x37: {  	s25 =	simm.s32 $0x20;
	s24 =	simm.s32 $0x10;
	[sflag:s20] =	ssyncset.done $0x0  }
.LBB2_2:
0x38: {  	s26 =	sadd.s32 s24, s18  }
0x39: {  	[sflag:s20] =	ssyncadd.s32 $0xFFFFC000;
	s28 =	smov.u32 s25;
	s29 =	sadd.s32 $0x10, s25  }
0x3a: {  	[tilespmem:s3], [sflag:$0x2] =	stream.linear.gather [hbm4b:s26+s3], $0x80, $0x38;
	[tilespmem:$0x18100] =	vst v63  }
0x3b: {  	p0 =	sne.s32 s25, $0x4E0;
	_ =	swait.ge [sflag:s20], $0x80  }
0x3c: {  	[sflag:s20] =	ssyncset.done $0x0  }
0x3d: {  	s25 =	sadd.s32 s24, s17;
	s24 =	smov.u32 s28;
	[sflag:s20] =	ssyncadd.s32 $0xFFFFFF80  }
0x3e: {  	[tilespmem:s21], [sflag:$0x2] =	stream.linear.gather [hbm4b:s25+s3], $0x80, $0x38;
	[tilespmem:$0x18100] =	vst v63  }
0x3f: {  	_ =	swait.ge [sflag:s20], $0x80  }
0x40: {  	[sflag:s20] =	ssyncset.done $0x0  }
0x41: {  	[sflag:s20] =	ssyncadd.s32 $0xFFFFFF80  }
0x42: {  	[tilespmem:s19], [sflag:$0x1] =	stream.indirect.gather [hbm4b:s4+s21], $0x80, s3, s21, $0xb8;
	[tilespmem:$0x18100] =	vst v63  }
0x43: {  	_ =	swait.ge [sflag:s22], $0x4000  }
.Ltmp0:
0x44: {  	[sflag:s22] =	ssyncset.done $0x0;
	(pc) =	sbr.rel @p0 .LBB2_2-.Ltmp0, $4  }
0x45: {  	[sflag:s22] =	ssyncadd.s32 $0xFFFFC000  }
0x46: {  	[spmem:s2] =	stream.indirect.scatter.add.f32 [tilespmem:s19], [sflag:$0x2], $0x80, s21, s21, $0xb8;
	[tilespmem:$0x18100] =	vst v63  }
0x47: {  	_ =	swait.ge [sflag:s20], $0x4000  }
0x48: {  	s25 =	smov.u32 s29;
	[sflag:s20] =	ssyncset.done $0x0  }
0x49: {  	s25 =	sadd.s32 s24, s18;
	[sflag:s20] =	ssyncadd.s32 $0xFFFFC000  }
0x4a: {  	[tilespmem:s3], [sflag:$0x2] =	stream.linear.gather [hbm4b:s25+s3], $0x80, $0x38;
	[tilespmem:$0x18100] =	vst v63  }
0x4b: {  	_ =	swait.ge [sflag:s20], $0x80  }
0x4c: {  	[sflag:s20] =	ssyncset.done $0x0  }
0x4d: {  	s31 =	sadd.s32 s24, s17;
	[sflag:s20] =	ssyncadd.s32 $0xFFFFFF80  }
0x4e: {  	[tilespmem:s21], [sflag:$0x2] =	stream.linear.gather [hbm4b:s31+s3], $0x80, $0x38;
	[tilespmem:$0x18100] =	vst v63  }
0x4f: {  	_ =	swait.ge [sflag:s20], $0x80  }
0x50: {  	[sflag:s20] =	ssyncset.done $0x0  }
0x51: {  	[sflag:s20] =	ssyncadd.s32 $0xFFFFFF80  }
0x52: {  	[tilespmem:s19], [sflag:$0x1] =	stream.indirect.gather [hbm4b:s4+s21], $0x80, s3, s21, $0xb8;
	[tilespmem:$0x18100] =	vst v63  }
0x53: {  	_ =	swait.ge [sflag:s22], $0x4000  }
0x54: {  	[sflag:s22] =	ssyncset.done $0x0  }
0x55: {  	[sflag:s22] =	ssyncadd.s32 $0xFFFFC000  }
0x56: {  	[spmem:s2] =	stream.indirect.scatter.add.f32 [tilespmem:s19], [sflag:$0x2], $0x80, s21, s21, $0xb8;
	[tilespmem:$0x18100] =	vst v63  }
0x57: {  	_ =	swait.ge [sflag:s20], $0x4000  }
0x58: {  	[sflag:s20] =	ssyncset.done $0x0  }
0x59: {  	[sflag:s20] =	ssyncadd.s32 $0xFFFFC000  }
0x5a: {  	[bflag:$0x0] =	sbarrier.arrive $0xFFFF  }
0x5b: {  	[tilespmem:s19], [sflag:$0x2] =	stream.linear.gather [spmem:s6], $0x4000, $0x38;
	[tilespmem:$0x18100] =	vst v63  }
0x5c: {  	_ =	swait.ge [sflag:s20], $0x4000  }
0x5d: {  	[sflag:s20] =	ssyncset.done $0x0  }
0x5e: {  	[sflag:s20] =	ssyncadd.s32 $0xFFFFC000  }
0x5f: {  	[hbm4b:s11+s3] =	stream.linear.scatter [tilespmem:s19], [sflag:$0x2], $0x4000, $0x38;
	[tilespmem:$0x18100] =	vst v63  }
0x60: {  	_ =	swait.ge [sflag:s20], $0x4000  }
0x61: {  	[sflag:s20] =	ssyncset.done $0x0  }
0x62: {  	[sflag:s20] =	ssyncadd.s32 $0xFFFFC000  }
0x63: {  	[tilespmem:s19], [sflag:$0x2] =	stream.linear.gather [spmem:s7], $0x4000, $0x38;
	[tilespmem:$0x18100] =	vst v63  }
0x64: {  	_ =	swait.ge [sflag:s20], $0x4000  }
0x65: {  	[sflag:s20] =	ssyncset.done $0x0  }
0x66: {  	[sflag:s20] =	ssyncadd.s32 $0xFFFFC000  }
0x67: {  	[hbm4b:s12+s3] =	stream.linear.scatter [tilespmem:s19], [sflag:$0x2], $0x4000, $0x38;
	[tilespmem:$0x18100] =	vst v63  }
0x68: {  	_ =	swait.ge [sflag:s20], $0x4000  }
0x69: {  	[sflag:s20] =	ssyncset.done $0x0  }
0x6a: {  	[sflag:s20] =	ssyncadd.s32 $0xFFFFC000  }
0x6b: {  	[tilespmem:s19], [sflag:$0x2] =	stream.linear.gather [spmem:s8], $0x4000, $0x38;
	[tilespmem:$0x18100] =	vst v63  }
0x6c: {  	_ =	swait.ge [sflag:s20], $0x4000  }
0x6d: {  	[sflag:s20] =	ssyncset.done $0x0  }
0x6e: {  	[sflag:s20] =	ssyncadd.s32 $0xFFFFC000  }
0x6f: {  	[hbm4b:s13+s3] =	stream.linear.scatter [tilespmem:s19], [sflag:$0x2], $0x4000, $0x38;
	[tilespmem:$0x18100] =	vst v63  }
0x70: {  	_ =	swait.ge [sflag:s20], $0x4000  }
0x71: {  	[sflag:s20] =	ssyncset.done $0x0  }
0x72: {  	[sflag:s20] =	ssyncadd.s32 $0xFFFFC000  }
0x73: {  	[tilespmem:s19], [sflag:$0x2] =	stream.linear.gather [spmem:s9], $0x4000, $0x38;
	[tilespmem:$0x18100] =	vst v63  }
0x74: {  	_ =	swait.ge [sflag:s20], $0x4000  }
0x75: {  	[sflag:s20] =	ssyncset.done $0x0  }
0x76: {  	[sflag:s20] =	ssyncadd.s32 $0xFFFFC000  }
0x77: {  	[hbm4b:s14+s3] =	stream.linear.scatter [tilespmem:s19], [sflag:$0x2], $0x4000, $0x38;
	[tilespmem:$0x18100] =	vst v63  }
0x78: {  	_ =	swait.ge [sflag:s20], $0x4000  }
0x79: {  	[sflag:s20] =	ssyncset.done $0x0  }
0x7a: {  	[sflag:s20] =	ssyncadd.s32 $0xFFFFC000  }
0x7b: {  	[tilespmem:s19], [sflag:$0x2] =	stream.linear.gather [spmem:s10], $0x4000, $0x38;
	[tilespmem:$0x18100] =	vst v63  }
0x7c: {  	s23 =	sadd.s32 $0x1, s23;
	_ =	swait.ge [sflag:s20], $0x4000  }
0x7d: {  	p0 =	sne.s32 s23, s16;
	[sflag:s20] =	ssyncset.done $0x0  }
.Ltmp1:
0x7e: {  	[sflag:s20] =	ssyncadd.s32 $0xFFFFC000;
	(pc) =	sbr.rel @p0 .LBB2_1-.Ltmp1, $4  }
0x7f: {  	[hbm4b:s15+s3] =	stream.linear.scatter [tilespmem:s19], [sflag:$0x2], $0x4000, $0x38;
	[tilespmem:$0x18100] =	vst v63  }
0x80: {  	_ =	swait.ge [sflag:s20], $0x4000  }
0x81: {  	[sflag:s20] =	ssyncset.done $0x0  }
0x82: {  	[sflag:s20] =	ssyncadd.s32 $0xFFFFC000  }
0x83: {  	_ =	sfence.sel $0x180000  }
0x84: {  	[bflag:$0x0] =	sbarrier.arrive $0xFFFF  }
0x85: {  	p0 =	sne.s32 s1, $0x0;
	_ =	strace $0x9000004D  }
0x86: {  	s0 =	sadd.s32 @!p0 $0x100000, s0;
	[bflag:$0x2] =	sbarrier.arrive $0xFFFF  }
0x87: {  	[sflag:s0] =	ssyncadd.tile.s32 @!p0 $0x1;
	_ =	shalt  }
.Lfunc_end2:
_tile_overlayer_lowered:
.L_overlay_start_2:
0x88: {  	(tag) =	ssettag $0x2  }
0x89: {  	s0 =	rddreg [dreg:$0x0];
	s2 =	stileid.u32  }
0x8a: {  	s1 =	rddreg [dreg:$0x1];
	p0 =	sne.s32 s2, $0x0  }
0x8b: {  	s3 =	rddreg [dreg:$0x2];
	[bflag:$0x3] =	sbarrier.arrive $0xFFFF;
	s2 =	simm.s32 @!p0 $0x1C02  }
0x8c: {  	[timem:s3], [sflag:s2] =	dma.local @!p0 [hbm:s0], s1  }
0x8d: {  	s0 =	simm.s32 @!p0 $0x2  }
0x8e: {  	_ =	swait.ge @!p0 [sflag:s0], s1  }
0x8f: {  	s1 =	ssub.s32 @!p0 $0x0, s1;
	[sflag:s0] =	ssyncset.done @!p0 $0x0  }
0x90: {  	[sflag:s0] =	ssyncadd.s32 @!p0 s1  }
0x91: {  	[bflag:$0x3] =	sbarrier.arrive $0xFFFF  }
0x92: {  	_ =	shalt  }

// kernel: kernel.19.cloned.1.call-start
scs
__scs_entry_jumppad:
0x0: {  	(pc) =	sbr.rel $0x88, $3  }
0x1: {  	(tag) =	ssettag $0x0;
	lr =	simm.s32 $0x1  }
0x2: {  	[smem:$0x3F96] =	sst lr;
	_ =	strace $0xD0000000  }
0x3: {  	_ = 	snop  }
0x4: {  	_ = 	snop  }
0x5: {  	_ = 	snop  }
0x6: {  	_ = 	snop  }
0x7: {  	_ = 	snop  }
__scs_overlays_trampoline_lowered:
0x8: {  	[smem:$0x3FA5] =	sst s0  }
0x9: {  	[smem:$0x3FA6] =	sst s1  }
0xa: {  	[smem:$0x3FA7] =	sst s2  }
0xb: {  	[smem:$0x3FA8] =	sst s3  }
0xc: {  	[smem:$0x3FA9] =	sst s4  }
0xd: {  	[smem:$0x3FAA] =	sst s5  }
0xe: {  	[smem:$0x3FAB] =	sst s6  }
0xf: {  	[smem:$0x3FAC] =	sst s7  }
0x10: {  	[smem:$0x3FAD] =	sst s8  }
0x11: {  	[smem:$0x3FAE] =	sst s9;
	s0 =	simm.s32 @!p0 $0x0  }
0x12: {  	s1 =	sld [smem:$0x3F94];
	s0 =	simm.s32 @p0 $0x1  }
0x13: {  	[smem:$0x3FAF] =	sst s0;
	s0 =	simm.s32 @!p1 $0x0  }
0x14: {  	s2 =	sld [smem:$0x3F93];
	s0 =	simm.s32 @p1 $0x1  }
0x15: {  	[smem:$0x3FB0] =	sst s0;
	s0 =	simm.s32 @!p2 $0x0  }
0x16: {  	s3 =	sld [smem:$0x3FDB];
	s0 =	simm.s32 @p2 $0x1  }
0x17: {  	s4 =	simm.s32 $0x1BF5;
	[smem:$0x3FB2] =	sst s0  }
0x18: {  	s0 =	sld [smem:$0x3F95];
	_ =	swait.ge [sflag:s4], $0x0  }
0x19: {  	s7 =	sld [smem:$0x3F96]  }
0x1a: {  	s8 =	sadd.s32 $0xFFFFE003, lr  }
0x1b: {  	s9 =	sadd.s32 $0xFFFFFEF7, lr;
	s5 =	simm.s32 $0xFFFFFFFF;
	p2 =	slt.u32 s8, $0xFFFFF086  }
0x1c: {  	p1 =	slt.u32 s9, $0xF7A;
	s5 =	simm.s32 @!p2 $0x0  }
0x1d: {  	s5 =	simm.s32 @p1 $0x1;
	p0 =	seq.s32 s7, s2  }
0x1e: {  	s7 =	smul.u32 @!p0 $0xF7A, s2;
	p2 =	seq.s32 @!p0 s5, $0x0  }
0x1f: {  	s9 =	smul.u32 $0xF7A, s1;
	s8 =	simm.s32 @!p0 $0x1BF5;
	p2 =	por !p2, p0  }
0x20: {  	[sflag:s8] =	ssyncset.s32 @!p0 $0xFFFFF086;
	s6 =	sadd.s32 @!p0 s3, s7;
	s7 =	simm.s32 @!p0 $0x108  }
0x21: {  	s3 =	sadd.s32 s3, s9;
	s6 =	sadd.s32 @!p0 $0x88, s6;
	s7 =	simm.s32 @p2 $0x1082  }
0x22: {  	[simem:s7], [sflag:s8] =	dma.local @!p0 [hbm:s6], $0xF7A  }
0x23: {  	s9 =	sor.u32 $0xD0000000, s2;
	s6 =	simm.s32 $0x108;
	_ =	swait.ge @!p0 [sflag:s8], $0x0  }
0x24: {  	s3 =	sadd.s32 $0x88, s3;
	s6 =	simm.s32 @!p1 $0x1082;
	[sflag:s4] =	ssyncset.s32 $0xFFFFF086  }
0x25: {  	[simem:s6], [sflag:s4] =	dma.local [hbm:s3], $0xF7A  }
0x26: {  	[smem:$0x3F96] =	sst s1;
	(tag) =	ssettag s2;
	_ =	strace s9  }
0x27: {  	s1 =	sld [smem:$0x3FA6]  }
0x28: {  	s2 =	sld [smem:$0x3FA7]  }
0x29: {  	s4 =	sld [smem:$0x3FA9]  }
0x2a: {  	p0 =	seq.s32 s5, $0x0;
	s5 =	sld [smem:$0x3FAA]  }
0x2b: {  	s6 =	sld [smem:$0x3FAB]  }
0x2c: {  	s7 =	sld [smem:$0x3FAC]  }
0x2d: {  	s3 =	simm.s32 $0x108;
	s8 =	sld [smem:$0x3FAD]  }
0x2e: {  	s3 =	simm.s32 @!p0 $0x1082;
	s9 =	sld [smem:$0x3FAE]  }
0x2f: {  	lr =	sadd.s32 s0, s3;
	s0 =	sld [smem:$0x3FA5]  }
0x30: {  	s3 =	sld [smem:$0x3FA8]  }
0x31: {  	[smem:$0x3FB1] =	sst s10  }
0x32: {  	s10 =	sld [smem:$0x3FAF];
	_ =	sdelay $0x3  }
0x33: {  	p0 =	seq.s32 s10, $0x1;
	s10 =	sld [smem:$0x3FB1];
	_ =	sdelay $0x3  }
0x34: {  	[smem:$0x3FB1] =	sst s10  }
0x35: {  	s10 =	sld [smem:$0x3FB0];
	_ =	sdelay $0x3  }
0x36: {  	p1 =	seq.s32 s10, $0x1;
	s10 =	sld [smem:$0x3FB1];
	_ =	sdelay $0x3  }
0x37: {  	[smem:$0x3FB1] =	sst s10  }
0x38: {  	s10 =	sld [smem:$0x3FB2]  }
0x39: {  	_ = 	snop;
	(pc) =	sbr.ind lr, $3  }
0x3a: {  	_ = 	snop  }
0x3b: {  	_ = 	snop  }
0x3c: {  	p2 =	seq.s32 s10, $0x1;
	s10 =	sld [smem:$0x3FB1]  }
0x3d: {  	_ =	shalt  }
0x3e: {  	_ =	shalt  }
0x3f: {  	_ =	shalt  }
0x40: {  	_ =	shalt  }
0x41: {  	_ =	shalt  }
0x42: {  	_ =	shalt  }
0x43: {  	_ =	shalt  }
0x44: {  	_ =	shalt  }
0x45: {  	_ =	shalt  }
0x46: {  	_ =	shalt  }
0x47: {  	_ =	shalt  }
0x48: {  	_ =	shalt  }
0x49: {  	_ =	shalt  }
0x4a: {  	_ =	shalt  }
0x4b: {  	_ =	shalt  }
0x4c: {  	_ =	shalt  }
0x4d: {  	_ =	shalt  }
0x4e: {  	_ =	shalt  }
0x4f: {  	_ =	shalt  }
0x50: {  	_ =	shalt  }
0x51: {  	_ =	shalt  }
0x52: {  	_ =	shalt  }
0x53: {  	_ =	shalt  }
0x54: {  	_ =	shalt  }
0x55: {  	_ =	shalt  }
0x56: {  	_ =	shalt  }
0x57: {  	_ =	shalt  }
0x58: {  	_ =	shalt  }
0x59: {  	_ =	shalt  }
0x5a: {  	_ =	shalt  }
0x5b: {  	_ =	shalt  }
0x5c: {  	_ =	shalt  }
0x5d: {  	_ =	shalt  }
0x5e: {  	_ =	shalt  }
0x5f: {  	_ =	shalt  }
0x60: {  	_ =	shalt  }
0x61: {  	_ =	shalt  }
0x62: {  	_ =	shalt  }
0x63: {  	_ =	shalt  }
0x64: {  	_ =	shalt  }
0x65: {  	_ =	shalt  }
0x66: {  	_ =	shalt  }
0x67: {  	_ =	shalt  }
0x68: {  	_ =	shalt  }
0x69: {  	_ =	shalt  }
0x6a: {  	_ =	shalt  }
0x6b: {  	_ =	shalt  }
0x6c: {  	_ =	shalt  }
0x6d: {  	_ =	shalt  }
0x6e: {  	_ =	shalt  }
0x6f: {  	_ =	shalt  }
0x70: {  	_ =	shalt  }
0x71: {  	_ =	shalt  }
0x72: {  	_ =	shalt  }
0x73: {  	_ =	shalt  }
0x74: {  	_ =	shalt  }
0x75: {  	_ =	shalt  }
0x76: {  	_ =	shalt  }
0x77: {  	_ =	shalt  }
0x78: {  	_ =	shalt  }
0x79: {  	_ =	shalt  }
0x7a: {  	_ =	shalt  }
0x7b: {  	_ =	shalt  }
0x7c: {  	_ =	shalt  }
0x7d: {  	_ =	shalt  }
0x7e: {  	_ =	shalt  }
0x7f: {  	_ =	shalt  }
0x80: {  	_ =	shalt  }
0x81: {  	_ =	shalt  }
0x82: {  	_ =	shalt  }
0x83: {  	_ =	shalt  }
0x84: {  	_ =	shalt  }
0x85: {  	_ =	shalt  }
0x86: {  	_ =	shalt  }
0x87: {  	_ =	shalt  }
.Lfunc_end0:
.L_simem_size_0:
called_computation.3_lowered:
.L_overlay_start_0:
0x88: {  	s2 =	sld [smem:$0x3FD9]  }
0x89: {  	s3 =	sld [smem:$0x3FFE];
	_ =	sdelay $0x1  }
0x8a: {  	s1 =	srdreg.scid  }
0x8b: {  	s0 =	sand.u32 $0x1, s1  }
0x8c: {  	s16 =	sshll.u32 s0, $0xA;
	s2 =	sadd.s32 s3, s2  }
0x8d: {  	s2 =	sadd.s32 s2, s16  }
0x8e: {  	[smem:$0x3FBD] =	sst s2  }
0x8f: {  	_ = 	snop  }
0x90: {  	(tm) =	ssettm $0x1  }
0x91: {  	s17 =	sld [smem:$0x3FFB];
	_ =	sdelay $0x3  }
0x92: {  	_ =	strace s17  }
0x93: {  	s2 =	sld [smem:$0x3FFC];
	_ =	sdelay $0x3  }
0x94: {  	_ =	strace s2  }
0x95: {  	s2 =	sld [smem:$0x3FFD];
	_ =	sdelay $0x3  }
0x96: {  	_ =	strace s2  }
0x97: {  	_ =	strace $0x8FFFFFFF  }
0x98: {  	s18 =	sld [smem:$0x3FDB];
	_ =	sdelay $0x1  }
0x99: {  	s19 =	simm.s32 $_scs_section_size  }
0x9a: {  	s4 =	simm.s32 $_size__tile_overlayer_lowered;
	s5 =	simm.s32 $_tile_overlayer_lowered  }
0x9b: {  	s22 =	simm.s32 $0x1BFF;
	s21 =	sshll.u32 s5, $0x1;
	s2 =	sadd.s32 s19, s18  }
0x9c: {  	s6 =	simm.s32 $0x0;
	s20 =	sshll.u32 s4, $0x1;
	s4 =	sadd.s32 s21, s2  }
0x9d: {  	[timem:s6], [sflag:s22] =	dma.local [hbm:s4], s20  }
0x9e: {  	_ =	swait.ge [sflag:s22], s20  }
0x9f: {  	s3 =	ssub.s32 $0x0, s20;
	[sflag:s22] =	ssyncset.done $0x0  }
0xa0: {  	[sflag:s22] =	ssyncadd.s32 s3;
	_ =	sdelay $0x1  }
0xa1: {  	s23 =	simm.s32 $0x1B8B  }
0xa2: {  	_ =	swait.ge [sflag:s23], $0x1  }
0xa3: {  	[sflag:s23] =	ssyncset.done $0x0  }
0xa4: {  	s25 =	simm.s32 $0x1B8E;
	s24 =	sld [smem:$0x3FFE];
	[sflag:s23] =	ssyncadd.s32 $0xFFFFFFFF  }
0xa5: {  	s26 =	simm.s32 $execute0_lowered;
	[smem:$0x3FD2] =	sst s25  }
0xa6: {  	s4 =	sshll.u32 s26, $0x1;
	_ =	strace $0x8000004F;
	[dreg:$0x1] =	wrdreg $0xFFFFFFFF  }
0xa7: {  	s28 =	simm.s32 $_size_execute0_lowered;
	s2 =	sadd.s32 s2, s4;
	[dreg:$0x0] =	wrdreg $0x0  }
0xa8: {  	s4 =	sshll.u32 s28, $0x1;
	[dreg:$0x2] =	wrdreg s2  }
0xa9: {  	[dreg:$0x3] =	wrdreg s4  }
0xaa: {  	[dreg:$0x4] =	wrdreg $0xC0  }
0xab: {  	_ =	task [dreg:s6], $0x5FFFF  }
0xac: {  	[dreg:$0x1] =	wrdreg $0xFFFFFFFF  }
0xad: {  	[dreg:$0x0] =	wrdreg $0x60  }
0xae: {  	[dreg:$0x2] =	wrdreg s24  }
0xaf: {  	[dreg:$0x3] =	wrdreg $0x41000  }
0xb0: {  	[dreg:$0x4] =	wrdreg $0x9  }
0xb1: {  	_ =	task.clear_ibuf [dreg:s6], $0x5FFFF;
	_ =	strace $0x9000004F  }
0xb2: {  	s29 =	simm.s32 $0x9;
	_ =	strace $0x80000051  }
0xb3: {  	_ =	swait.ge [sflag:s29], $0x1  }
0xb4: {  	[sflag:s29] =	ssyncadd.s32 $0xFFFFFFFF  }
0xb5: {  	_ =	strace $0x90000051  }
0xb6: {  	_ =	sfence  }
0xb7: {  	s30 =	sld [smem:$0x0];
	_ =	sdelay $0x2  }
0xb8: {  	s31 =	sshll.u32 s1, $0xD;
	s1 =	sshrl.u32 s1, $0x2  }
0xb9: {  	s3 =	sand.u32 $0x4000, s31;
	s1 =	sadd.s32 s1, s30  }
0xba: {  	s0 =	sor.u32 s3, s0;
	s1 =	sshll.u32 s1, $0x11  }
0xbb: {  	s0 =	sor.u32 s1, s0  }
0xbc: {  	s0 =	sadd.s32 $0x8F2B, s0  }
0xbd: {  	[sflag:s0] =	ssyncadd.remote.s32 $0x1  }
0xbe: {  	_ =	sfence.sel $0xFFFF  }
0xbf: {  	[dreg:$0x0] =	wrdreg $0xFFFFFFFF;
	(pc) =	sbr.abs _section_cstart, $3  }
0xc0: {  	[dreg:$0x1] =	wrdreg $0xFFFFFFFF  }
0xc1: {  	_ =	task.clear_ibuf [dreg:s6], $0x2FFFF;
	_ =	strace $0x9FFFFFFF  }
0xc2: {  	(tm) =	ssettm $0x7FFFFFFF  }
0xc3: {  	_ =	shalt  }
tec
execute0_lowered:
.L_overlay_start_1:
0x0: {  	(tag) =	ssettag $0x1  }
0x1: {  	s7 =	rddreg [dreg:$0x0];
	s0 =	srdreg.scid  }
0x2: {  	s2 =	rddreg [dreg:$0x1];
	s1 =	stileid.u32  }
0x3: {  	s3 =	simm.s32 $0x0;
	s19 =	simm.s32 $0x100;
	s8 =	smul.u32 $0x280, s1  }
0x4: {  	s20 =	simm.s32 $0x2;
	s21 =	simm.s32 $0x80;
	s10 =	smul.u32 $0x50000, s1  }
0x5: {  	s22 =	simm.s32 $0x1;
	s6 =	sand.u32 $0x1, s0;
	s18 =	smul.u32 $0x4F0, s1  }
0x6: {  	s23 =	simm.s32 $0x0;
	s0 =	rddreg [dreg:$0x2];
	s5 =	smul.u32 $0x4F00, s6  }
0x7: {  	[smem:$0x7FF] =	sst s3;
	s4 =	sadd.s32 $0x16600, s7;
	s9 =	smul.u32 $0x2800, s6  }
0x8: {  	_ =	strace $0x80000050;
	s29 =	ssub.s32 $0x2, s6;
	s30 =	sshrl.u32 s10, $0x2  }
0x9: {  	s31 =	sshrl.u32 s29, $0x1;
	s15 =	sadd.s32 s5, s7;
	s5 =	sadd.s32 $0x3D800, s7  }
0xa: {  	s8 =	sadd.s32 s8, s9;
	s6 =	sadd.s32 s30, s2;
	s17 =	ssub.s32 s29, s31  }
0xb: {  	s8 =	sshll.u32 s8, $0x4;
	s9 =	sadd.s32 $0xC000, s6;
	s10 =	sadd.s32 $0x10000, s6  }
0xc: {  	s18 =	sadd.s32 s18, s15;
	s16 =	sadd.s32 s8, s7;
	s7 =	sadd.s32 $0x4000, s6  }
0xd: {  	s8 =	sadd.s32 $0x8000, s6;
	s11 =	sadd.s32 $0x3E000, s16;
	s12 =	sadd.s32 $0x3E800, s16  }
0xe: {  	s13 =	sadd.s32 $0x3F000, s16;
	s14 =	sadd.s32 $0x3F800, s16;
	s15 =	sadd.s32 $0x40000, s16  }
0xf: {  	s16 =	smax.u32 s17, $0x1;
	s17 =	sadd.s32 $0xC800, s18;
	s18 =	sadd.s32 $0x2A00, s18  }
.LBB2_1:
0x10: {  	[tilespmem:s19], [sflag:$0x2] =	stream.linear.gather [hbm4b:s5+s3], $0x4000, $0x38;
	[tilespmem:$0x18100] =	vst v63  }
0x11: {  	_ =	swait.ge [sflag:s20], $0x4000  }
0x12: {  	[sflag:s20] =	ssyncset.done $0x0  }
0x13: {  	[sflag:s20] =	ssyncadd.s32 $0xFFFFC000  }
0x14: {  	[spmem:s6] =	stream.linear.scatter [tilespmem:s19], [sflag:$0x2], $0x4000, $0x38;
	[tilespmem:$0x18100] =	vst v63  }
0x15: {  	_ =	swait.ge [sflag:s20], $0x4000  }
0x16: {  	[sflag:s20] =	ssyncset.done $0x0  }
0x17: {  	[sflag:s20] =	ssyncadd.s32 $0xFFFFC000  }
0x18: {  	[spmem:s7] =	stream.linear.scatter [tilespmem:s19], [sflag:$0x2], $0x4000, $0x38;
	[tilespmem:$0x18100] =	vst v63  }
0x19: {  	_ =	swait.ge [sflag:s20], $0x4000  }
0x1a: {  	[sflag:s20] =	ssyncset.done $0x0  }
0x1b: {  	[sflag:s20] =	ssyncadd.s32 $0xFFFFC000  }
0x1c: {  	[spmem:s8] =	stream.linear.scatter [tilespmem:s19], [sflag:$0x2], $0x4000, $0x38;
	[tilespmem:$0x18100] =	vst v63  }
0x1d: {  	_ =	swait.ge [sflag:s20], $0x4000  }
0x1e: {  	[sflag:s20] =	ssyncset.done $0x0  }
0x1f: {  	[sflag:s20] =	ssyncadd.s32 $0xFFFFC000  }
0x20: {  	[spmem:s9] =	stream.linear.scatter [tilespmem:s19], [sflag:$0x2], $0x4000, $0x38;
	[tilespmem:$0x18100] =	vst v63  }
0x21: {  	_ =	swait.ge [sflag:s20], $0x4000  }
0x22: {  	[sflag:s20] =	ssyncset.done $0x0  }
0x23: {  	[sflag:s20] =	ssyncadd.s32 $0xFFFFC000  }
0x24: {  	[spmem:s10] =	stream.linear.scatter [tilespmem:s19], [sflag:$0x2], $0x4000, $0x38;
	[tilespmem:$0x18100] =	vst v63  }
0x25: {  	_ =	swait.ge [sflag:s20], $0x4000  }
0x26: {  	[sflag:s20] =	ssyncset.done $0x0  }
0x27: {  	[sflag:s20] =	ssyncadd.s32 $0xFFFFC000  }
0x28: {  	s24 =	sadd.s32 $0x0, s18;
	[bflag:$0x0] =	sbarrier.arrive $0xFFFF  }
0x29: {  	[tilespmem:s3], [sflag:$0x2] =	stream.linear.gather [hbm4b:s24+s3], $0x80, $0x38;
	[tilespmem:$0x18100] =	vst v63  }
0x2a: {  	_ =	swait.ge [sflag:s20], $0x80  }
0x2b: {  	[sflag:s20] =	ssyncset.done $0x0  }
0x2c: {  	s31 =	sadd.s32 $0x0, s17;
	[sflag:s20] =	ssyncadd.s32 $0xFFFFFF80  }
0x2d: {  	[tilespmem:s21], [sflag:$0x2] =	stream.linear.gather [hbm4b:s31+s3], $0x80, $0x38;
	[tilespmem:$0x18100] =	vst v63  }
0x2e: {  	_ =	swait.ge [sflag:s20], $0x80  }
0x2f: {  	[sflag:s20] =	ssyncset.done $0x0  }
0x30: {  	[sflag:s20] =	ssyncadd.s32 $0xFFFFFF80  }
0x31: {  	[tilespmem:s19], [sflag:$0x1] =	stream.indirect.gather [hbm4b:s4+s21], $0x80, s3, s21, $0xb8;
	[tilespmem:$0x18100] =	vst v63  }
0x32: {  	_ =	swait.ge [sflag:s22], $0x4000  }
0x33: {  	[sflag:s22] =	ssyncset.done $0x0  }
0x34: {  	[sflag:s22] =	ssyncadd.s32 $0xFFFFC000  }
0x35: {  	[spmem:s2] =	stream.indirect.scatter.add.f32 [tilespmem:s19], [sflag:$0x2], $0x80, s21, s21, $0xb8;
	[tilespmem:$0x18100] =	vst v63  }
0x36: {  	_ =	swait.ge [sflag:s20], $0x4000  }
0x37: {  	s25 =	simm.s32 $0x20;
	s24 =	simm.s32 $0x10;
	[sflag:s20] =	ssyncset.done $0x0  }
.LBB2_2:
0x38: {  	s26 =	sadd.s32 s24, s18  }
0x39: {  	[sflag:s20] =	ssyncadd.s32 $0xFFFFC000;
	s28 =	smov.u32 s25;
	s29 =	sadd.s32 $0x10, s25  }
0x3a: {  	[tilespmem:s3], [sflag:$0x2] =	stream.linear.gather [hbm4b:s26+s3], $0x80, $0x38;
	[tilespmem:$0x18100] =	vst v63  }
0x3b: {  	p0 =	sne.s32 s25, $0x4E0;
	_ =	swait.ge [sflag:s20], $0x80  }
0x3c: {  	[sflag:s20] =	ssyncset.done $0x0  }
0x3d: {  	s25 =	sadd.s32 s24, s17;
	s24 =	smov.u32 s28;
	[sflag:s20] =	ssyncadd.s32 $0xFFFFFF80  }
0x3e: {  	[tilespmem:s21], [sflag:$0x2] =	stream.linear.gather [hbm4b:s25+s3], $0x80, $0x38;
	[tilespmem:$0x18100] =	vst v63  }
0x3f: {  	_ =	swait.ge [sflag:s20], $0x80  }
0x40: {  	[sflag:s20] =	ssyncset.done $0x0  }
0x41: {  	[sflag:s20] =	ssyncadd.s32 $0xFFFFFF80  }
0x42: {  	[tilespmem:s19], [sflag:$0x1] =	stream.indirect.gather [hbm4b:s4+s21], $0x80, s3, s21, $0xb8;
	[tilespmem:$0x18100] =	vst v63  }
0x43: {  	_ =	swait.ge [sflag:s22], $0x4000  }
.Ltmp0:
0x44: {  	[sflag:s22] =	ssyncset.done $0x0;
	(pc) =	sbr.rel @p0 .LBB2_2-.Ltmp0, $4  }
0x45: {  	[sflag:s22] =	ssyncadd.s32 $0xFFFFC000  }
0x46: {  	[spmem:s2] =	stream.indirect.scatter.add.f32 [tilespmem:s19], [sflag:$0x2], $0x80, s21, s21, $0xb8;
	[tilespmem:$0x18100] =	vst v63  }
0x47: {  	_ =	swait.ge [sflag:s20], $0x4000  }
0x48: {  	s25 =	smov.u32 s29;
	[sflag:s20] =	ssyncset.done $0x0  }
0x49: {  	s25 =	sadd.s32 s24, s18;
	[sflag:s20] =	ssyncadd.s32 $0xFFFFC000  }
0x4a: {  	[tilespmem:s3], [sflag:$0x2] =	stream.linear.gather [hbm4b:s25+s3], $0x80, $0x38;
	[tilespmem:$0x18100] =	vst v63  }
0x4b: {  	_ =	swait.ge [sflag:s20], $0x80  }
0x4c: {  	[sflag:s20] =	ssyncset.done $0x0  }
0x4d: {  	s31 =	sadd.s32 s24, s17;
	[sflag:s20] =	ssyncadd.s32 $0xFFFFFF80  }
0x4e: {  	[tilespmem:s21], [sflag:$0x2] =	stream.linear.gather [hbm4b:s31+s3], $0x80, $0x38;
	[tilespmem:$0x18100] =	vst v63  }
0x4f: {  	_ =	swait.ge [sflag:s20], $0x80  }
0x50: {  	[sflag:s20] =	ssyncset.done $0x0  }
0x51: {  	[sflag:s20] =	ssyncadd.s32 $0xFFFFFF80  }
0x52: {  	[tilespmem:s19], [sflag:$0x1] =	stream.indirect.gather [hbm4b:s4+s21], $0x80, s3, s21, $0xb8;
	[tilespmem:$0x18100] =	vst v63  }
0x53: {  	_ =	swait.ge [sflag:s22], $0x4000  }
0x54: {  	[sflag:s22] =	ssyncset.done $0x0  }
0x55: {  	[sflag:s22] =	ssyncadd.s32 $0xFFFFC000  }
0x56: {  	[spmem:s2] =	stream.indirect.scatter.add.f32 [tilespmem:s19], [sflag:$0x2], $0x80, s21, s21, $0xb8;
	[tilespmem:$0x18100] =	vst v63  }
0x57: {  	_ =	swait.ge [sflag:s20], $0x4000  }
0x58: {  	[sflag:s20] =	ssyncset.done $0x0  }
0x59: {  	[sflag:s20] =	ssyncadd.s32 $0xFFFFC000  }
0x5a: {  	[bflag:$0x0] =	sbarrier.arrive $0xFFFF  }
0x5b: {  	[tilespmem:s19], [sflag:$0x2] =	stream.linear.gather [spmem:s6], $0x4000, $0x38;
	[tilespmem:$0x18100] =	vst v63  }
0x5c: {  	_ =	swait.ge [sflag:s20], $0x4000  }
0x5d: {  	[sflag:s20] =	ssyncset.done $0x0  }
0x5e: {  	[sflag:s20] =	ssyncadd.s32 $0xFFFFC000  }
0x5f: {  	[hbm4b:s11+s3] =	stream.linear.scatter [tilespmem:s19], [sflag:$0x2], $0x4000, $0x38;
	[tilespmem:$0x18100] =	vst v63  }
0x60: {  	_ =	swait.ge [sflag:s20], $0x4000  }
0x61: {  	[sflag:s20] =	ssyncset.done $0x0  }
0x62: {  	[sflag:s20] =	ssyncadd.s32 $0xFFFFC000  }
0x63: {  	[tilespmem:s19], [sflag:$0x2] =	stream.linear.gather [spmem:s7], $0x4000, $0x38;
	[tilespmem:$0x18100] =	vst v63  }
0x64: {  	_ =	swait.ge [sflag:s20], $0x4000  }
0x65: {  	[sflag:s20] =	ssyncset.done $0x0  }
0x66: {  	[sflag:s20] =	ssyncadd.s32 $0xFFFFC000  }
0x67: {  	[hbm4b:s12+s3] =	stream.linear.scatter [tilespmem:s19], [sflag:$0x2], $0x4000, $0x38;
	[tilespmem:$0x18100] =	vst v63  }
0x68: {  	_ =	swait.ge [sflag:s20], $0x4000  }
0x69: {  	[sflag:s20] =	ssyncset.done $0x0  }
0x6a: {  	[sflag:s20] =	ssyncadd.s32 $0xFFFFC000  }
0x6b: {  	[tilespmem:s19], [sflag:$0x2] =	stream.linear.gather [spmem:s8], $0x4000, $0x38;
	[tilespmem:$0x18100] =	vst v63  }
0x6c: {  	_ =	swait.ge [sflag:s20], $0x4000  }
0x6d: {  	[sflag:s20] =	ssyncset.done $0x0  }
0x6e: {  	[sflag:s20] =	ssyncadd.s32 $0xFFFFC000  }
0x6f: {  	[hbm4b:s13+s3] =	stream.linear.scatter [tilespmem:s19], [sflag:$0x2], $0x4000, $0x38;
	[tilespmem:$0x18100] =	vst v63  }
0x70: {  	_ =	swait.ge [sflag:s20], $0x4000  }
0x71: {  	[sflag:s20] =	ssyncset.done $0x0  }
0x72: {  	[sflag:s20] =	ssyncadd.s32 $0xFFFFC000  }
0x73: {  	[tilespmem:s19], [sflag:$0x2] =	stream.linear.gather [spmem:s9], $0x4000, $0x38;
	[tilespmem:$0x18100] =	vst v63  }
0x74: {  	_ =	swait.ge [sflag:s20], $0x4000  }
0x75: {  	[sflag:s20] =	ssyncset.done $0x0  }
0x76: {  	[sflag:s20] =	ssyncadd.s32 $0xFFFFC000  }
0x77: {  	[hbm4b:s14+s3] =	stream.linear.scatter [tilespmem:s19], [sflag:$0x2], $0x4000, $0x38;
	[tilespmem:$0x18100] =	vst v63  }
0x78: {  	_ =	swait.ge [sflag:s20], $0x4000  }
0x79: {  	[sflag:s20] =	ssyncset.done $0x0  }
0x7a: {  	[sflag:s20] =	ssyncadd.s32 $0xFFFFC000  }
0x7b: {  	[tilespmem:s19], [sflag:$0x2] =	stream.linear.gather [spmem:s10], $0x4000, $0x38;
	[tilespmem:$0x18100] =	vst v63  }
0x7c: {  	s23 =	sadd.s32 $0x1, s23;
	_ =	swait.ge [sflag:s20], $0x4000  }
0x7d: {  	p0 =	sne.s32 s23, s16;
	[sflag:s20] =	ssyncset.done $0x0  }
.Ltmp1:
0x7e: {  	[sflag:s20] =	ssyncadd.s32 $0xFFFFC000;
	(pc) =	sbr.rel @p0 .LBB2_1-.Ltmp1, $4  }
0x7f: {  	[hbm4b:s15+s3] =	stream.linear.scatter [tilespmem:s19], [sflag:$0x2], $0x4000, $0x38;
	[tilespmem:$0x18100] =	vst v63  }
0x80: {  	_ =	swait.ge [sflag:s20], $0x4000  }
0x81: {  	[sflag:s20] =	ssyncset.done $0x0  }
0x82: {  	[sflag:s20] =	ssyncadd.s32 $0xFFFFC000  }
0x83: {  	_ =	sfence.sel $0x180000  }
0x84: {  	[bflag:$0x0] =	sbarrier.arrive $0xFFFF  }
0x85: {  	p0 =	sne.s32 s1, $0x0;
	_ =	strace $0x90000050  }
0x86: {  	s0 =	sadd.s32 @!p0 $0x100000, s0;
	[bflag:$0x2] =	sbarrier.arrive $0xFFFF  }
0x87: {  	[sflag:s0] =	ssyncadd.tile.s32 @!p0 $0x1;
	_ =	shalt  }
.Lfunc_end2:
_tile_overlayer_lowered:
.L_overlay_start_2:
0x88: {  	(tag) =	ssettag $0x2  }
0x89: {  	s0 =	rddreg [dreg:$0x0];
	s2 =	stileid.u32  }
0x8a: {  	s1 =	rddreg [dreg:$0x1];
	p0 =	sne.s32 s2, $0x0  }
0x8b: {  	s3 =	rddreg [dreg:$0x2];
	[bflag:$0x3] =	sbarrier.arrive $0xFFFF;
	s2 =	simm.s32 @!p0 $0x1C02  }
0x8c: {  	[timem:s3], [sflag:s2] =	dma.local @!p0 [hbm:s0], s1  }
0x8d: {  	s0 =	simm.s32 @!p0 $0x2  }
0x8e: {  	_ =	swait.ge @!p0 [sflag:s0], s1  }
0x8f: {  	s1 =	ssub.s32 @!p0 $0x0, s1;
	[sflag:s0] =	ssyncset.done @!p0 $0x0  }
0x90: {  	[sflag:s0] =	ssyncadd.s32 @!p0 s1  }
0x91: {  	[bflag:$0x3] =	sbarrier.arrive $0xFFFF  }
0x92: {  	_ =	shalt  }

</sc_bundles>
